<compile_context>
chip_gen: v7x
topology: tpu7x:2x2x1
jax: 0.10.2.dev20260603
libtpu: 0.0.44.dev20260713+nightly
codegen_flags: <defaults>
</compile_context>

<pallas_src>
import functools

import jax
import jax.numpy as jnp
from jax import lax
from jax.experimental import pallas as pl
from jax.experimental.pallas import tpu as pltpu
from jax.experimental.pallas import tpu_sc as plsc

_NC = 2
_NS = 16
_NW = _NC * _NS


def _addr_matmul(conn, bits_t, n_blk):
    n_total, k_bits = conn.shape
    in_bits, batch = bits_t.shape
    k_lo = k_bits // 2

    def kern(conn_ref, bits_ref, out_ref):
        conn_b = conn_ref[...]
        iota = lax.broadcasted_iota(jnp.int32, (n_blk, in_bits), 1)
        w_hi = jnp.zeros((n_blk, in_bits), jnp.float32)
        w_lo = jnp.zeros((n_blk, in_bits), jnp.float32)
        for k in range(k_bits):
            shift = k_bits - 1 - k
            onehot = (conn_b[:, k:k + 1] == iota)
            if shift >= k_lo:
                w_hi = w_hi + jnp.where(onehot, float(1 << (shift - k_lo)), 0.0)
            else:
                w_lo = w_lo + jnp.where(onehot, float(1 << shift), 0.0)
        bits_b = bits_ref[...].astype(jnp.bfloat16)
        hi = jnp.dot(w_hi.astype(jnp.bfloat16), bits_b,
                     preferred_element_type=jnp.float32)
        lo = jnp.dot(w_lo.astype(jnp.bfloat16), bits_b,
                     preferred_element_type=jnp.float32)
        out_ref[...] = (hi * float(1 << k_lo) + lo).astype(jnp.int32)

    return pl.pallas_call(
        kern,
        grid=(n_total // n_blk,),
        in_specs=[
            pl.BlockSpec((n_blk, k_bits), lambda i: (i, 0)),
            pl.BlockSpec((in_bits, batch), lambda i: (0, 0)),
        ],
        out_specs=pl.BlockSpec((n_blk, batch), lambda i: (i, 0)),
        out_shape=jax.ShapeDtypeStruct((n_total, batch), jnp.int32),
    )(conn, bits_t)


def _ram_gather(mem, addr_t, n_total, mem_sz, batch, threshold):
    npw = n_total // _NW
    chunk = 16
    half = chunk // 2
    rounds = npw // chunk
    mesh = plsc.VectorSubcoreMesh(core_axis_name="c", subcore_axis_name="s",
                                  num_cores=_NC, num_subcores=_NS)

    @functools.partial(
        pl.kernel,
        out_type=jax.ShapeDtypeStruct((n_total, batch), jnp.float32),
        mesh=mesh,
        scratch_types=[
            pltpu.VMEM((chunk, mem_sz), jnp.float32),
            pltpu.VMEM((chunk, batch), jnp.int32),
            pltpu.VMEM((half, batch), jnp.float32),
        ],
        compiler_params=pltpu.CompilerParams(needs_layout_passes=False),
    )
    def k(mem_hbm, addr_hbm, out_hbm, mem_v, addr_v, out_v):
        wid = lax.axis_index("s") * _NC + lax.axis_index("c")
        base = wid * npw

        def round_body(t, carry):
            n0 = base + t * chunk
            pltpu.sync_copy(mem_hbm.at[pl.ds(n0, chunk)], mem_v)
            pltpu.sync_copy(addr_hbm.at[pl.ds(n0, chunk)], addr_v)
            for h in range(2):
                for c in range(half):
                    cc = h * half + c
                    cvec = jnp.full((16,), cc, jnp.int32)

                    def jbody(j, carry2, c=c, cvec=cvec, cc=cc):
                        off = pl.multiple_of(j * 16, 16)
                        idx = addr_v[cc, pl.ds(off, 16)]
                        vals = plsc.load_gather(mem_v, [cvec, idx])
                        if threshold:
                            vals = jnp.where(vals > 0.5, 1.0, 0.0)
                        out_v[c, pl.ds(off, 16)] = vals
                        return carry2

                    lax.fori_loop(0, batch // 16, jbody, 0)
                pltpu.sync_copy(out_v, out_hbm.at[pl.ds(n0 + h * half, half)])
            return carry

        lax.fori_loop(0, rounds, round_body, 0)

    return k(mem, addr_t)


def _ram_gather_out(mem, addr_t, n_out, mem_sz, batch):
    mesh = plsc.VectorSubcoreMesh(core_axis_name="c", subcore_axis_name="s",
                                  num_cores=_NC, num_subcores=_NS)

    @functools.partial(
        pl.kernel,
        out_type=jax.ShapeDtypeStruct((n_out, batch), jnp.float32),
        mesh=mesh,
        scratch_types=[
            pltpu.VMEM((1, mem_sz), jnp.float32),
            pltpu.VMEM((1, batch), jnp.int32),
            pltpu.VMEM((1, batch), jnp.float32),
        ],
        compiler_params=pltpu.CompilerParams(needs_layout_passes=False),
    )
    def k(mem_hbm, addr_hbm, out_hbm, mem_v, addr_v, out_v):
        wid = lax.axis_index("s") * _NC + lax.axis_index("c")

        @pl.when(wid < n_out)
        def _():
            pltpu.sync_copy(mem_hbm.at[pl.ds(wid, 1)], mem_v)
            pltpu.sync_copy(addr_hbm.at[pl.ds(wid, 1)], addr_v)
            zvec = jnp.zeros((16,), jnp.int32)

            def jbody(j, carry):
                off = pl.multiple_of(j * 16, 16)
                idx = addr_v[0, pl.ds(off, 16)]
                out_v[0, pl.ds(off, 16)] = plsc.load_gather(mem_v, [zvec, idx])
                return carry

            lax.fori_loop(0, batch // 16, jbody, 0)
            pltpu.sync_copy(out_v, out_hbm.at[pl.ds(wid, 1)])

    return k(mem, addr_t)


def kernel(x, conn0, conn1, conn2, mem0, mem1, mem2):
    batch = x.shape[0]
    hidden, mem_sz = mem0.shape
    n_out = mem2.shape[0]
    x_t = x.T.astype(jnp.float32)
    addr0 = _addr_matmul(conn0, x_t, n_blk=512)
    b0_t = _ram_gather(mem0, addr0, hidden, mem_sz, batch, threshold=True)
    addr1 = _addr_matmul(conn1, b0_t, n_blk=512)
    b1_t = _ram_gather(mem1, addr1, hidden, mem_sz, batch, threshold=True)
    conn2p = jnp.pad(conn2, ((0, 32 - n_out), (0, 0)))
    addr2 = _addr_matmul(conn2p, b1_t, n_blk=32)
    v2_t = _ram_gather_out(mem2, addr2, n_out, mem_sz, batch)
    return v2_t.T

# --- scband reference (transcript-rebuilt; emitter-appended) ---
"""Pipeline reference for scband-multi-layer-word-model-85598698209871 (READ-ONLY COPY).

The authoritative reference and input builder live on the scoring server;
editing this copy changes nothing except your own understanding.
"""

import jax, jax.numpy as jnp
import numpy as np

B = 2048            # batch of contexts
N_WORDS = 4         # n-gram context length
BITS_PER_WORD = 20  # vocab ~ 2^20 (1M, RECSYS-scale)
IN_BITS = N_WORDS * BITS_PER_WORD  # 80
HIDDEN = 2048       # hidden_bits (neurons per hidden RAM layer)
OUT_BITS = 20       # bits_per_word output neurons
K = 12              # n_bits_per_neuron = min(in_bits, 12)
MEM = 1 << K        # 4096 RAM cells per neuron


def setup_inputs(seed: int = 0) -> dict:
    key = jax.random.key(seed)
    ks = jax.random.split(key, 7)
    x = jax.random.randint(ks[0], (B, IN_BITS), 0, 2, dtype=jnp.int32)
    conn0 = jax.random.randint(ks[1], (HIDDEN, K), 0, IN_BITS, dtype=jnp.int32)
    conn1 = jax.random.randint(ks[2], (HIDDEN, K), 0, HIDDEN, dtype=jnp.int32)
    conn2 = jax.random.randint(ks[3], (OUT_BITS, K), 0, HIDDEN, dtype=jnp.int32)
    mem0 = jax.random.uniform(ks[4], (HIDDEN, MEM), dtype=jnp.float32)
    mem1 = jax.random.uniform(ks[5], (HIDDEN, MEM), dtype=jnp.float32)
    mem2 = jax.random.uniform(ks[6], (OUT_BITS, MEM), dtype=jnp.float32)
    return {"x": x, "conn0": conn0, "conn1": conn1, "conn2": conn2,
            "mem0": mem0, "mem1": mem1, "mem2": mem2}


def _ram_layer(bits, conn, mem):
    # bits: [B, in_bits] {0,1} int32; conn: [N, K] wiring; mem: [N, 2^K] RAM cells
    sel = bits[:, conn]                                   # gather: [B, N, K]
    w = (1 << jnp.arange(conn.shape[1] - 1, -1, -1)).astype(jnp.int32)
    addr = jnp.sum(sel * w[None, None, :], axis=-1)       # [B, N] RAM address
    # gather one cell per (sample, neuron) from neuron's private RAM row
    vals = mem[jnp.arange(mem.shape[0])[None, :], addr]   # [B, N]
    return vals


def reference(x, conn0, conn1, conn2, mem0, mem1, mem2):
    # Layer 0: context bits -> hidden bits (RAM lookup, then hard threshold)
    v0 = _ram_layer(x, conn0, mem0)
    b0 = (v0 > 0.5).astype(jnp.int32)
    # Layer 1: hidden -> hidden
    v1 = _ram_layer(b0, conn1, mem1)
    b1 = (v1 > 0.5).astype(jnp.int32)
    # Layer 2: hidden -> word bits (return pre-threshold cell values)
    v2 = _ram_layer(b1, conn2, mem2)
    return v2

if __name__ == "__main__":
    import jax
    _d = setup_inputs()
    print(jax.jit(kernel)(*tuple(_d.values())))

</pallas_src>

<mosaic_0001>
#map = affine_map<(d0, d1) -> (0, 0)>
module attributes {stable_mosaic.version = 14 : i64} {
  func.func @k(%arg0: i32, %arg1: i32, %arg2: memref<2048x4096xf32, #tpu.memory_space<hbm>>, %arg3: memref<2048x2048xi32, #tpu.memory_space<hbm>>, %arg4: memref<2048x2048xf32, #tpu.memory_space<hbm>>, %arg5: memref<16x4096xf32, #tpu.memory_space<vmem>>, %arg6: memref<16x2048xi32, #tpu.memory_space<vmem>>, %arg7: memref<8x2048xf32, #tpu.memory_space<vmem>>) attributes {dimension_semantics = [#tpu.dimension_semantics<core_parallel>, #tpu.dimension_semantics<subcore_parallel>], iteration_bounds = array<i64: 2, 16>, scalar_prefetch = 0 : i64, scratch_operands = 3 : i64, tpu.core_type = #tpu.core_type<sc_vector_subcore>, window_params = [{transform_indices = #map}, {transform_indices = #map}, {transform_indices = #map}]} {
    %mul3A = arith.constant 2 : i32
    %mul3A_0 = arith.muli %arg1, %mul3A : i32
    %add3A = arith.addi %mul3A_0, %arg0 : i32
    %mul3A_1 = arith.constant 64 : i32
    %mul3A_2 = arith.muli %add3A, %mul3A_1 : i32
    %scan3A = arith.constant 0 : i32
    %scan3A_3 = arith.constant 0 : i32
    %scan3A_4 = arith.constant 4 : i32
    %scan3A_5 = arith.addi %scan3A_3, %scan3A_4 : i32
    %scan3A_6 = arith.constant 1 : i32
    scf.for %scan3A_8 = %scan3A_3 to %scan3A_5 step %scan3A_6  : i32 {
      %mul3A_9 = arith.constant 16 : i32
      %mul3A_10 = arith.muli %scan3A_8, %mul3A_9 : i32
      %add3A_11 = arith.addi %mul3A_2, %mul3A_10 : i32
      "tpu.region"() ({
        %run_scoped3A = tpu.sem_alloc : memref<!tpu.dma_semaphore, #tpu.memory_space<semaphore_mem>>
        %dma_start3A = arith.constant 0 : i32
        %dma_start3A_143 = tpu.memref_slice %arg2[%add3A_11, %dma_start3A] : memref<2048x4096xf32, #tpu.memory_space<hbm>> -> memref<16x4096xf32, #tpu.memory_space<hbm>>
        %dma_start3A_144 = arith.constant 0 : i32
        %dma_start3A_145 = tpu.memref_slice %arg2[%add3A_11, %dma_start3A_144] : memref<2048x4096xf32, #tpu.memory_space<hbm>> -> memref<16x4096xf32, #tpu.memory_space<hbm>>
        tpu.enqueue_dma source(%dma_start3A_145 : memref<16x4096xf32, #tpu.memory_space<hbm>>) target(%arg5 : memref<16x4096xf32, #tpu.memory_space<vmem>>) target_semaphore(%run_scoped3A : memref<!tpu.dma_semaphore, #tpu.memory_space<semaphore_mem>>)
        %dma_wait3A = arith.constant 0 : i32
        %dma_wait3A_146 = tpu.memref_slice %arg2[%add3A_11, %dma_wait3A] : memref<2048x4096xf32, #tpu.memory_space<hbm>> -> memref<16x4096xf32, #tpu.memory_space<hbm>>
        %dma_wait3A_147 = arith.constant 0 : i32
        %dma_wait3A_148 = tpu.memref_slice %arg2[%add3A_11, %dma_wait3A_147] : memref<2048x4096xf32, #tpu.memory_space<hbm>> -> memref<16x4096xf32, #tpu.memory_space<hbm>>
        tpu.wait_dma2 semaphore(%run_scoped3A : memref<!tpu.dma_semaphore, #tpu.memory_space<semaphore_mem>>) src(%dma_wait3A_148 : memref<16x4096xf32, #tpu.memory_space<hbm>>) dst(%arg5 : memref<16x4096xf32, #tpu.memory_space<vmem>>)
        tpu.yield
      }) : () -> ()
      "tpu.region"() ({
        %run_scoped3A = tpu.sem_alloc : memref<!tpu.dma_semaphore, #tpu.memory_space<semaphore_mem>>
        %dma_start3A = arith.constant 0 : i32
        %dma_start3A_143 = tpu.memref_slice %arg3[%add3A_11, %dma_start3A] : memref<2048x2048xi32, #tpu.memory_space<hbm>> -> memref<16x2048xi32, #tpu.memory_space<hbm>>
        %dma_start3A_144 = arith.constant 0 : i32
        %dma_start3A_145 = tpu.memref_slice %arg3[%add3A_11, %dma_start3A_144] : memref<2048x2048xi32, #tpu.memory_space<hbm>> -> memref<16x2048xi32, #tpu.memory_space<hbm>>
        tpu.enqueue_dma source(%dma_start3A_145 : memref<16x2048xi32, #tpu.memory_space<hbm>>) target(%arg6 : memref<16x2048xi32, #tpu.memory_space<vmem>>) target_semaphore(%run_scoped3A : memref<!tpu.dma_semaphore, #tpu.memory_space<semaphore_mem>>)
        %dma_wait3A = arith.constant 0 : i32
        %dma_wait3A_146 = tpu.memref_slice %arg3[%add3A_11, %dma_wait3A] : memref<2048x2048xi32, #tpu.memory_space<hbm>> -> memref<16x2048xi32, #tpu.memory_space<hbm>>
        %dma_wait3A_147 = arith.constant 0 : i32
        %dma_wait3A_148 = tpu.memref_slice %arg3[%add3A_11, %dma_wait3A_147] : memref<2048x2048xi32, #tpu.memory_space<hbm>> -> memref<16x2048xi32, #tpu.memory_space<hbm>>
        tpu.wait_dma2 semaphore(%run_scoped3A : memref<!tpu.dma_semaphore, #tpu.memory_space<semaphore_mem>>) src(%dma_wait3A_148 : memref<16x2048xi32, #tpu.memory_space<hbm>>) dst(%arg6 : memref<16x2048xi32, #tpu.memory_space<vmem>>)
        tpu.yield
      }) : () -> ()
      %broadcast_in_dim3A = arith.constant 0 : i32
      %broadcast_in_dim3A_12 = vector.broadcast %broadcast_in_dim3A : i32 to vector<16xi32>
      %scan3A_13 = arith.constant 0 : i32
      %scan3A_14 = arith.constant 0 : i32
      %scan3A_15 = arith.constant 128 : i32
      %scan3A_16 = arith.addi %scan3A_14, %scan3A_15 : i32
      %scan3A_17 = arith.constant 1 : i32
      scf.for %scan3A_143 = %scan3A_14 to %scan3A_16 step %scan3A_17  : i32 {
        %mul3A_144 = arith.constant 16 : i32
        %mul3A_145 = arith.muli %scan3A_143, %mul3A_144 : i32
        %multiple_of3A = tpu.assume_multiple %mul3A_145, 16 : i32
        %get3A = arith.constant 0 : i32
        %get3A_146 = arith.index_cast %get3A : i32 to index
        %get3A_147 = arith.index_cast %multiple_of3A : i32 to index
        %get3A_148 = tpu.vector_load %arg6[%get3A_146, %get3A_147] {strides = array<i32>} : memref<16x2048xi32, #tpu.memory_space<vmem>>, vector<16xi32>,
        %gather3A = tpu.vector_load_idx %arg5[%broadcast_in_dim3A_12, %get3A_148] : memref<16x4096xf32, #tpu.memory_space<vmem>>[vector<16xi32>, vector<16xi32>], vector<16xf32>,
        %gt3A = arith.constant 5.000000e-01 : f32
        %gt3A_149 = vector.broadcast %gt3A : f32 to vector<16xf32>
        %gt3A_150 = arith.cmpf ogt, %gather3A, %gt3A_149 : vector<16xf32>
        %jit3A = arith.constant 1.000000e+00 : f32
        %jit3A_151 = arith.constant 0.000000e+00 : f32
        %broadcast_in_dim3A_152 = vector.broadcast %jit3A : f32 to vector<16xf32>
        %broadcast_in_dim3A_153 = vector.broadcast %jit3A_151 : f32 to vector<16xf32>
        %select_n3A = arith.select %gt3A_150, %broadcast_in_dim3A_152, %broadcast_in_dim3A_153 : vector<16xi1>, vector<16xf32>
        %swap3A = arith.constant 0 : i32
        %swap3A_154 = arith.index_cast %swap3A : i32 to index
        %swap3A_155 = arith.index_cast %multiple_of3A : i32 to index
        %swap3A_156 = tpu.vector_load %arg7[%swap3A_154, %swap3A_155] {strides = array<i32>} : memref<8x2048xf32, #tpu.memory_space<vmem>>, vector<16xf32>,
        tpu.vector_store %arg7[%swap3A_154, %swap3A_155], %select_n3A {strides = array<i32>} : memref<8x2048xf32, #tpu.memory_space<vmem>>, vector<16xf32>,
      }
      %scan3A_18 = arith.constant 128 : i32
      %broadcast_in_dim3A_19 = arith.constant 1 : i32
      %broadcast_in_dim3A_20 = vector.broadcast %broadcast_in_dim3A_19 : i32 to vector<16xi32>
      %scan3A_21 = arith.constant 0 : i32
      %scan3A_22 = arith.constant 0 : i32
      %scan3A_23 = arith.constant 128 : i32
      %scan3A_24 = arith.addi %scan3A_22, %scan3A_23 : i32
      %scan3A_25 = arith.constant 1 : i32
      scf.for %scan3A_143 = %scan3A_22 to %scan3A_24 step %scan3A_25  : i32 {
        %mul3A_144 = arith.constant 16 : i32
        %mul3A_145 = arith.muli %scan3A_143, %mul3A_144 : i32
        %multiple_of3A = tpu.assume_multiple %mul3A_145, 16 : i32
        %get3A = arith.constant 1 : i32
        %get3A_146 = arith.index_cast %get3A : i32 to index
        %get3A_147 = arith.index_cast %multiple_of3A : i32 to index
        %get3A_148 = tpu.vector_load %arg6[%get3A_146, %get3A_147] {strides = array<i32>} : memref<16x2048xi32, #tpu.memory_space<vmem>>, vector<16xi32>,
        %gather3A = tpu.vector_load_idx %arg5[%broadcast_in_dim3A_20, %get3A_148] : memref<16x4096xf32, #tpu.memory_space<vmem>>[vector<16xi32>, vector<16xi32>], vector<16xf32>,
        %gt3A = arith.constant 5.000000e-01 : f32
        %gt3A_149 = vector.broadcast %gt3A : f32 to vector<16xf32>
        %gt3A_150 = arith.cmpf ogt, %gather3A, %gt3A_149 : vector<16xf32>
        %jit3A = arith.constant 1.000000e+00 : f32
        %jit3A_151 = arith.constant 0.000000e+00 : f32
        %broadcast_in_dim3A_152 = vector.broadcast %jit3A : f32 to vector<16xf32>
        %broadcast_in_dim3A_153 = vector.broadcast %jit3A_151 : f32 to vector<16xf32>
        %select_n3A = arith.select %gt3A_150, %broadcast_in_dim3A_152, %broadcast_in_dim3A_153 : vector<16xi1>, vector<16xf32>
        %swap3A = arith.constant 1 : i32
        %swap3A_154 = arith.index_cast %swap3A : i32 to index
        %swap3A_155 = arith.index_cast %multiple_of3A : i32 to index
        %swap3A_156 = tpu.vector_load %arg7[%swap3A_154, %swap3A_155] {strides = array<i32>} : memref<8x2048xf32, #tpu.memory_space<vmem>>, vector<16xf32>,
        tpu.vector_store %arg7[%swap3A_154, %swap3A_155], %select_n3A {strides = array<i32>} : memref<8x2048xf32, #tpu.memory_space<vmem>>, vector<16xf32>,
      }
      %scan3A_26 = arith.constant 128 : i32
      %broadcast_in_dim3A_27 = arith.constant 2 : i32
      %broadcast_in_dim3A_28 = vector.broadcast %broadcast_in_dim3A_27 : i32 to vector<16xi32>
      %scan3A_29 = arith.constant 0 : i32
      %scan3A_30 = arith.constant 0 : i32
      %scan3A_31 = arith.constant 128 : i32
      %scan3A_32 = arith.addi %scan3A_30, %scan3A_31 : i32
      %scan3A_33 = arith.constant 1 : i32
      scf.for %scan3A_143 = %scan3A_30 to %scan3A_32 step %scan3A_33  : i32 {
        %mul3A_144 = arith.constant 16 : i32
        %mul3A_145 = arith.muli %scan3A_143, %mul3A_144 : i32
        %multiple_of3A = tpu.assume_multiple %mul3A_145, 16 : i32
        %get3A = arith.constant 2 : i32
        %get3A_146 = arith.index_cast %get3A : i32 to index
        %get3A_147 = arith.index_cast %multiple_of3A : i32 to index
        %get3A_148 = tpu.vector_load %arg6[%get3A_146, %get3A_147] {strides = array<i32>} : memref<16x2048xi32, #tpu.memory_space<vmem>>, vector<16xi32>,
        %gather3A = tpu.vector_load_idx %arg5[%broadcast_in_dim3A_28, %get3A_148] : memref<16x4096xf32, #tpu.memory_space<vmem>>[vector<16xi32>, vector<16xi32>], vector<16xf32>,
        %gt3A = arith.constant 5.000000e-01 : f32
        %gt3A_149 = vector.broadcast %gt3A : f32 to vector<16xf32>
        %gt3A_150 = arith.cmpf ogt, %gather3A, %gt3A_149 : vector<16xf32>
        %jit3A = arith.constant 1.000000e+00 : f32
        %jit3A_151 = arith.constant 0.000000e+00 : f32
        %broadcast_in_dim3A_152 = vector.broadcast %jit3A : f32 to vector<16xf32>
        %broadcast_in_dim3A_153 = vector.broadcast %jit3A_151 : f32 to vector<16xf32>
        %select_n3A = arith.select %gt3A_150, %broadcast_in_dim3A_152, %broadcast_in_dim3A_153 : vector<16xi1>, vector<16xf32>
        %swap3A = arith.constant 2 : i32
        %swap3A_154 = arith.index_cast %swap3A : i32 to index
        %swap3A_155 = arith.index_cast %multiple_of3A : i32 to index
        %swap3A_156 = tpu.vector_load %arg7[%swap3A_154, %swap3A_155] {strides = array<i32>} : memref<8x2048xf32, #tpu.memory_space<vmem>>, vector<16xf32>,
        tpu.vector_store %arg7[%swap3A_154, %swap3A_155], %select_n3A {strides = array<i32>} : memref<8x2048xf32, #tpu.memory_space<vmem>>, vector<16xf32>,
      }
      %scan3A_34 = arith.constant 128 : i32
      %broadcast_in_dim3A_35 = arith.constant 3 : i32
      %broadcast_in_dim3A_36 = vector.broadcast %broadcast_in_dim3A_35 : i32 to vector<16xi32>
      %scan3A_37 = arith.constant 0 : i32
      %scan3A_38 = arith.constant 0 : i32
      %scan3A_39 = arith.constant 128 : i32
      %scan3A_40 = arith.addi %scan3A_38, %scan3A_39 : i32
      %scan3A_41 = arith.constant 1 : i32
      scf.for %scan3A_143 = %scan3A_38 to %scan3A_40 step %scan3A_41  : i32 {
        %mul3A_144 = arith.constant 16 : i32
        %mul3A_145 = arith.muli %scan3A_143, %mul3A_144 : i32
        %multiple_of3A = tpu.assume_multiple %mul3A_145, 16 : i32
        %get3A = arith.constant 3 : i32
        %get3A_146 = arith.index_cast %get3A : i32 to index
        %get3A_147 = arith.index_cast %multiple_of3A : i32 to index
        %get3A_148 = tpu.vector_load %arg6[%get3A_146, %get3A_147] {strides = array<i32>} : memref<16x2048xi32, #tpu.memory_space<vmem>>, vector<16xi32>,
        %gather3A = tpu.vector_load_idx %arg5[%broadcast_in_dim3A_36, %get3A_148] : memref<16x4096xf32, #tpu.memory_space<vmem>>[vector<16xi32>, vector<16xi32>], vector<16xf32>,
        %gt3A = arith.constant 5.000000e-01 : f32
        %gt3A_149 = vector.broadcast %gt3A : f32 to vector<16xf32>
        %gt3A_150 = arith.cmpf ogt, %gather3A, %gt3A_149 : vector<16xf32>
        %jit3A = arith.constant 1.000000e+00 : f32
        %jit3A_151 = arith.constant 0.000000e+00 : f32
        %broadcast_in_dim3A_152 = vector.broadcast %jit3A : f32 to vector<16xf32>
        %broadcast_in_dim3A_153 = vector.broadcast %jit3A_151 : f32 to vector<16xf32>
        %select_n3A = arith.select %gt3A_150, %broadcast_in_dim3A_152, %broadcast_in_dim3A_153 : vector<16xi1>, vector<16xf32>
        %swap3A = arith.constant 3 : i32
        %swap3A_154 = arith.index_cast %swap3A : i32 to index
        %swap3A_155 = arith.index_cast %multiple_of3A : i32 to index
        %swap3A_156 = tpu.vector_load %arg7[%swap3A_154, %swap3A_155] {strides = array<i32>} : memref<8x2048xf32, #tpu.memory_space<vmem>>, vector<16xf32>,
        tpu.vector_store %arg7[%swap3A_154, %swap3A_155], %select_n3A {strides = array<i32>} : memref<8x2048xf32, #tpu.memory_space<vmem>>, vector<16xf32>,
      }
      %scan3A_42 = arith.constant 128 : i32
      %broadcast_in_dim3A_43 = arith.constant 4 : i32
      %broadcast_in_dim3A_44 = vector.broadcast %broadcast_in_dim3A_43 : i32 to vector<16xi32>
      %scan3A_45 = arith.constant 0 : i32
      %scan3A_46 = arith.constant 0 : i32
      %scan3A_47 = arith.constant 128 : i32
      %scan3A_48 = arith.addi %scan3A_46, %scan3A_47 : i32
      %scan3A_49 = arith.constant 1 : i32
      scf.for %scan3A_143 = %scan3A_46 to %scan3A_48 step %scan3A_49  : i32 {
        %mul3A_144 = arith.constant 16 : i32
        %mul3A_145 = arith.muli %scan3A_143, %mul3A_144 : i32
        %multiple_of3A = tpu.assume_multiple %mul3A_145, 16 : i32
        %get3A = arith.constant 4 : i32
        %get3A_146 = arith.index_cast %get3A : i32 to index
        %get3A_147 = arith.index_cast %multiple_of3A : i32 to index
        %get3A_148 = tpu.vector_load %arg6[%get3A_146, %get3A_147] {strides = array<i32>} : memref<16x2048xi32, #tpu.memory_space<vmem>>, vector<16xi32>,
        %gather3A = tpu.vector_load_idx %arg5[%broadcast_in_dim3A_44, %get3A_148] : memref<16x4096xf32, #tpu.memory_space<vmem>>[vector<16xi32>, vector<16xi32>], vector<16xf32>,
        %gt3A = arith.constant 5.000000e-01 : f32
        %gt3A_149 = vector.broadcast %gt3A : f32 to vector<16xf32>
        %gt3A_150 = arith.cmpf ogt, %gather3A, %gt3A_149 : vector<16xf32>
        %jit3A = arith.constant 1.000000e+00 : f32
        %jit3A_151 = arith.constant 0.000000e+00 : f32
        %broadcast_in_dim3A_152 = vector.broadcast %jit3A : f32 to vector<16xf32>
        %broadcast_in_dim3A_153 = vector.broadcast %jit3A_151 : f32 to vector<16xf32>
        %select_n3A = arith.select %gt3A_150, %broadcast_in_dim3A_152, %broadcast_in_dim3A_153 : vector<16xi1>, vector<16xf32>
        %swap3A = arith.constant 4 : i32
        %swap3A_154 = arith.index_cast %swap3A : i32 to index
        %swap3A_155 = arith.index_cast %multiple_of3A : i32 to index
        %swap3A_156 = tpu.vector_load %arg7[%swap3A_154, %swap3A_155] {strides = array<i32>} : memref<8x2048xf32, #tpu.memory_space<vmem>>, vector<16xf32>,
        tpu.vector_store %arg7[%swap3A_154, %swap3A_155], %select_n3A {strides = array<i32>} : memref<8x2048xf32, #tpu.memory_space<vmem>>, vector<16xf32>,
      }
      %scan3A_50 = arith.constant 128 : i32
      %broadcast_in_dim3A_51 = arith.constant 5 : i32
      %broadcast_in_dim3A_52 = vector.broadcast %broadcast_in_dim3A_51 : i32 to vector<16xi32>
      %scan3A_53 = arith.constant 0 : i32
      %scan3A_54 = arith.constant 0 : i32
      %scan3A_55 = arith.constant 128 : i32
      %scan3A_56 = arith.addi %scan3A_54, %scan3A_55 : i32
      %scan3A_57 = arith.constant 1 : i32
      scf.for %scan3A_143 = %scan3A_54 to %scan3A_56 step %scan3A_57  : i32 {
        %mul3A_144 = arith.constant 16 : i32
        %mul3A_145 = arith.muli %scan3A_143, %mul3A_144 : i32
        %multiple_of3A = tpu.assume_multiple %mul3A_145, 16 : i32
        %get3A = arith.constant 5 : i32
        %get3A_146 = arith.index_cast %get3A : i32 to index
        %get3A_147 = arith.index_cast %multiple_of3A : i32 to index
        %get3A_148 = tpu.vector_load %arg6[%get3A_146, %get3A_147] {strides = array<i32>} : memref<16x2048xi32, #tpu.memory_space<vmem>>, vector<16xi32>,
        %gather3A = tpu.vector_load_idx %arg5[%broadcast_in_dim3A_52, %get3A_148] : memref<16x4096xf32, #tpu.memory_space<vmem>>[vector<16xi32>, vector<16xi32>], vector<16xf32>,
        %gt3A = arith.constant 5.000000e-01 : f32
        %gt3A_149 = vector.broadcast %gt3A : f32 to vector<16xf32>
        %gt3A_150 = arith.cmpf ogt, %gather3A, %gt3A_149 : vector<16xf32>
        %jit3A = arith.constant 1.000000e+00 : f32
        %jit3A_151 = arith.constant 0.000000e+00 : f32
        %broadcast_in_dim3A_152 = vector.broadcast %jit3A : f32 to vector<16xf32>
        %broadcast_in_dim3A_153 = vector.broadcast %jit3A_151 : f32 to vector<16xf32>
        %select_n3A = arith.select %gt3A_150, %broadcast_in_dim3A_152, %broadcast_in_dim3A_153 : vector<16xi1>, vector<16xf32>
        %swap3A = arith.constant 5 : i32
        %swap3A_154 = arith.index_cast %swap3A : i32 to index
        %swap3A_155 = arith.index_cast %multiple_of3A : i32 to index
        %swap3A_156 = tpu.vector_load %arg7[%swap3A_154, %swap3A_155] {strides = array<i32>} : memref<8x2048xf32, #tpu.memory_space<vmem>>, vector<16xf32>,
        tpu.vector_store %arg7[%swap3A_154, %swap3A_155], %select_n3A {strides = array<i32>} : memref<8x2048xf32, #tpu.memory_space<vmem>>, vector<16xf32>,
      }
      %scan3A_58 = arith.constant 128 : i32
      %broadcast_in_dim3A_59 = arith.constant 6 : i32
      %broadcast_in_dim3A_60 = vector.broadcast %broadcast_in_dim3A_59 : i32 to vector<16xi32>
      %scan3A_61 = arith.constant 0 : i32
      %scan3A_62 = arith.constant 0 : i32
      %scan3A_63 = arith.constant 128 : i32
      %scan3A_64 = arith.addi %scan3A_62, %scan3A_63 : i32
      %scan3A_65 = arith.constant 1 : i32
      scf.for %scan3A_143 = %scan3A_62 to %scan3A_64 step %scan3A_65  : i32 {
        %mul3A_144 = arith.constant 16 : i32
        %mul3A_145 = arith.muli %scan3A_143, %mul3A_144 : i32
        %multiple_of3A = tpu.assume_multiple %mul3A_145, 16 : i32
        %get3A = arith.constant 6 : i32
        %get3A_146 = arith.index_cast %get3A : i32 to index
        %get3A_147 = arith.index_cast %multiple_of3A : i32 to index
        %get3A_148 = tpu.vector_load %arg6[%get3A_146, %get3A_147] {strides = array<i32>} : memref<16x2048xi32, #tpu.memory_space<vmem>>, vector<16xi32>,
        %gather3A = tpu.vector_load_idx %arg5[%broadcast_in_dim3A_60, %get3A_148] : memref<16x4096xf32, #tpu.memory_space<vmem>>[vector<16xi32>, vector<16xi32>], vector<16xf32>,
        %gt3A = arith.constant 5.000000e-01 : f32
        %gt3A_149 = vector.broadcast %gt3A : f32 to vector<16xf32>
        %gt3A_150 = arith.cmpf ogt, %gather3A, %gt3A_149 : vector<16xf32>
        %jit3A = arith.constant 1.000000e+00 : f32
        %jit3A_151 = arith.constant 0.000000e+00 : f32
        %broadcast_in_dim3A_152 = vector.broadcast %jit3A : f32 to vector<16xf32>
        %broadcast_in_dim3A_153 = vector.broadcast %jit3A_151 : f32 to vector<16xf32>
        %select_n3A = arith.select %gt3A_150, %broadcast_in_dim3A_152, %broadcast_in_dim3A_153 : vector<16xi1>, vector<16xf32>
        %swap3A = arith.constant 6 : i32
        %swap3A_154 = arith.index_cast %swap3A : i32 to index
        %swap3A_155 = arith.index_cast %multiple_of3A : i32 to index
        %swap3A_156 = tpu.vector_load %arg7[%swap3A_154, %swap3A_155] {strides = array<i32>} : memref<8x2048xf32, #tpu.memory_space<vmem>>, vector<16xf32>,
        tpu.vector_store %arg7[%swap3A_154, %swap3A_155], %select_n3A {strides = array<i32>} : memref<8x2048xf32, #tpu.memory_space<vmem>>, vector<16xf32>,
      }
      %scan3A_66 = arith.constant 128 : i32
      %broadcast_in_dim3A_67 = arith.constant 7 : i32
      %broadcast_in_dim3A_68 = vector.broadcast %broadcast_in_dim3A_67 : i32 to vector<16xi32>
      %scan3A_69 = arith.constant 0 : i32
      %scan3A_70 = arith.constant 0 : i32
      %scan3A_71 = arith.constant 128 : i32
      %scan3A_72 = arith.addi %scan3A_70, %scan3A_71 : i32
      %scan3A_73 = arith.constant 1 : i32
      scf.for %scan3A_143 = %scan3A_70 to %scan3A_72 step %scan3A_73  : i32 {
        %mul3A_144 = arith.constant 16 : i32
        %mul3A_145 = arith.muli %scan3A_143, %mul3A_144 : i32
        %multiple_of3A = tpu.assume_multiple %mul3A_145, 16 : i32
        %get3A = arith.constant 7 : i32
        %get3A_146 = arith.index_cast %get3A : i32 to index
        %get3A_147 = arith.index_cast %multiple_of3A : i32 to index
        %get3A_148 = tpu.vector_load %arg6[%get3A_146, %get3A_147] {strides = array<i32>} : memref<16x2048xi32, #tpu.memory_space<vmem>>, vector<16xi32>,
        %gather3A = tpu.vector_load_idx %arg5[%broadcast_in_dim3A_68, %get3A_148] : memref<16x4096xf32, #tpu.memory_space<vmem>>[vector<16xi32>, vector<16xi32>], vector<16xf32>,
        %gt3A = arith.constant 5.000000e-01 : f32
        %gt3A_149 = vector.broadcast %gt3A : f32 to vector<16xf32>
        %gt3A_150 = arith.cmpf ogt, %gather3A, %gt3A_149 : vector<16xf32>
        %jit3A = arith.constant 1.000000e+00 : f32
        %jit3A_151 = arith.constant 0.000000e+00 : f32
        %broadcast_in_dim3A_152 = vector.broadcast %jit3A : f32 to vector<16xf32>
        %broadcast_in_dim3A_153 = vector.broadcast %jit3A_151 : f32 to vector<16xf32>
        %select_n3A = arith.select %gt3A_150, %broadcast_in_dim3A_152, %broadcast_in_dim3A_153 : vector<16xi1>, vector<16xf32>
        %swap3A = arith.constant 7 : i32
        %swap3A_154 = arith.index_cast %swap3A : i32 to index
        %swap3A_155 = arith.index_cast %multiple_of3A : i32 to index
        %swap3A_156 = tpu.vector_load %arg7[%swap3A_154, %swap3A_155] {strides = array<i32>} : memref<8x2048xf32, #tpu.memory_space<vmem>>, vector<16xf32>,
        tpu.vector_store %arg7[%swap3A_154, %swap3A_155], %select_n3A {strides = array<i32>} : memref<8x2048xf32, #tpu.memory_space<vmem>>, vector<16xf32>,
      }
      %scan3A_74 = arith.constant 128 : i32
      %add3A_75 = arith.constant 0 : i32
      %add3A_76 = arith.addi %add3A_11, %add3A_75 : i32
      "tpu.region"() ({
        %run_scoped3A = tpu.sem_alloc : memref<!tpu.dma_semaphore, #tpu.memory_space<semaphore_mem>>
        %dma_start3A = arith.constant 0 : i32
        %dma_start3A_143 = tpu.memref_slice %arg4[%add3A_76, %dma_start3A] : memref<2048x2048xf32, #tpu.memory_space<hbm>> -> memref<8x2048xf32, #tpu.memory_space<hbm>>
        %dma_start3A_144 = arith.constant 0 : i32
        %dma_start3A_145 = tpu.memref_slice %arg4[%add3A_76, %dma_start3A_144] : memref<2048x2048xf32, #tpu.memory_space<hbm>> -> memref<8x2048xf32, #tpu.memory_space<hbm>>
        tpu.enqueue_dma source(%arg7 : memref<8x2048xf32, #tpu.memory_space<vmem>>) target(%dma_start3A_145 : memref<8x2048xf32, #tpu.memory_space<hbm>>) target_semaphore(%run_scoped3A : memref<!tpu.dma_semaphore, #tpu.memory_space<semaphore_mem>>)
        %dma_wait3A = arith.constant 0 : i32
        %dma_wait3A_146 = tpu.memref_slice %arg4[%add3A_76, %dma_wait3A] : memref<2048x2048xf32, #tpu.memory_space<hbm>> -> memref<8x2048xf32, #tpu.memory_space<hbm>>
        %dma_wait3A_147 = arith.constant 0 : i32
        %dma_wait3A_148 = tpu.memref_slice %arg4[%add3A_76, %dma_wait3A_147] : memref<2048x2048xf32, #tpu.memory_space<hbm>> -> memref<8x2048xf32, #tpu.memory_space<hbm>>
        tpu.wait_dma2 semaphore(%run_scoped3A : memref<!tpu.dma_semaphore, #tpu.memory_space<semaphore_mem>>) src(%arg7 : memref<8x2048xf32, #tpu.memory_space<vmem>>) dst(%dma_wait3A_148 : memref<8x2048xf32, #tpu.memory_space<hbm>>)
        tpu.yield
      }) : () -> ()
      %broadcast_in_dim3A_77 = arith.constant 8 : i32
      %broadcast_in_dim3A_78 = vector.broadcast %broadcast_in_dim3A_77 : i32 to vector<16xi32>
      %scan3A_79 = arith.constant 0 : i32
      %scan3A_80 = arith.constant 0 : i32
      %scan3A_81 = arith.constant 128 : i32
      %scan3A_82 = arith.addi %scan3A_80, %scan3A_81 : i32
      %scan3A_83 = arith.constant 1 : i32
      scf.for %scan3A_143 = %scan3A_80 to %scan3A_82 step %scan3A_83  : i32 {
        %mul3A_144 = arith.constant 16 : i32
        %mul3A_145 = arith.muli %scan3A_143, %mul3A_144 : i32
        %multiple_of3A = tpu.assume_multiple %mul3A_145, 16 : i32
        %get3A = arith.constant 8 : i32
        %get3A_146 = arith.index_cast %get3A : i32 to index
        %get3A_147 = arith.index_cast %multiple_of3A : i32 to index
        %get3A_148 = tpu.vector_load %arg6[%get3A_146, %get3A_147] {strides = array<i32>} : memref<16x2048xi32, #tpu.memory_space<vmem>>, vector<16xi32>,
        %gather3A = tpu.vector_load_idx %arg5[%broadcast_in_dim3A_78, %get3A_148] : memref<16x4096xf32, #tpu.memory_space<vmem>>[vector<16xi32>, vector<16xi32>], vector<16xf32>,
        %gt3A = arith.constant 5.000000e-01 : f32
        %gt3A_149 = vector.broadcast %gt3A : f32 to vector<16xf32>
        %gt3A_150 = arith.cmpf ogt, %gather3A, %gt3A_149 : vector<16xf32>
        %jit3A = arith.constant 1.000000e+00 : f32
        %jit3A_151 = arith.constant 0.000000e+00 : f32
        %broadcast_in_dim3A_152 = vector.broadcast %jit3A : f32 to vector<16xf32>
        %broadcast_in_dim3A_153 = vector.broadcast %jit3A_151 : f32 to vector<16xf32>
        %select_n3A = arith.select %gt3A_150, %broadcast_in_dim3A_152, %broadcast_in_dim3A_153 : vector<16xi1>, vector<16xf32>
        %swap3A = arith.constant 0 : i32
        %swap3A_154 = arith.index_cast %swap3A : i32 to index
        %swap3A_155 = arith.index_cast %multiple_of3A : i32 to index
        %swap3A_156 = tpu.vector_load %arg7[%swap3A_154, %swap3A_155] {strides = array<i32>} : memref<8x2048xf32, #tpu.memory_space<vmem>>, vector<16xf32>,
        tpu.vector_store %arg7[%swap3A_154, %swap3A_155], %select_n3A {strides = array<i32>} : memref<8x2048xf32, #tpu.memory_space<vmem>>, vector<16xf32>,
      }
      %scan3A_84 = arith.constant 128 : i32
      %broadcast_in_dim3A_85 = arith.constant 9 : i32
      %broadcast_in_dim3A_86 = vector.broadcast %broadcast_in_dim3A_85 : i32 to vector<16xi32>
      %scan3A_87 = arith.constant 0 : i32
      %scan3A_88 = arith.constant 0 : i32
      %scan3A_89 = arith.constant 128 : i32
      %scan3A_90 = arith.addi %scan3A_88, %scan3A_89 : i32
      %scan3A_91 = arith.constant 1 : i32
      scf.for %scan3A_143 = %scan3A_88 to %scan3A_90 step %scan3A_91  : i32 {
        %mul3A_144 = arith.constant 16 : i32
        %mul3A_145 = arith.muli %scan3A_143, %mul3A_144 : i32
        %multiple_of3A = tpu.assume_multiple %mul3A_145, 16 : i32
        %get3A = arith.constant 9 : i32
        %get3A_146 = arith.index_cast %get3A : i32 to index
        %get3A_147 = arith.index_cast %multiple_of3A : i32 to index
        %get3A_148 = tpu.vector_load %arg6[%get3A_146, %get3A_147] {strides = array<i32>} : memref<16x2048xi32, #tpu.memory_space<vmem>>, vector<16xi32>,
        %gather3A = tpu.vector_load_idx %arg5[%broadcast_in_dim3A_86, %get3A_148] : memref<16x4096xf32, #tpu.memory_space<vmem>>[vector<16xi32>, vector<16xi32>], vector<16xf32>,
        %gt3A = arith.constant 5.000000e-01 : f32
        %gt3A_149 = vector.broadcast %gt3A : f32 to vector<16xf32>
        %gt3A_150 = arith.cmpf ogt, %gather3A, %gt3A_149 : vector<16xf32>
        %jit3A = arith.constant 1.000000e+00 : f32
        %jit3A_151 = arith.constant 0.000000e+00 : f32
        %broadcast_in_dim3A_152 = vector.broadcast %jit3A : f32 to vector<16xf32>
        %broadcast_in_dim3A_153 = vector.broadcast %jit3A_151 : f32 to vector<16xf32>
        %select_n3A = arith.select %gt3A_150, %broadcast_in_dim3A_152, %broadcast_in_dim3A_153 : vector<16xi1>, vector<16xf32>
        %swap3A = arith.constant 1 : i32
        %swap3A_154 = arith.index_cast %swap3A : i32 to index
        %swap3A_155 = arith.index_cast %multiple_of3A : i32 to index
        %swap3A_156 = tpu.vector_load %arg7[%swap3A_154, %swap3A_155] {strides = array<i32>} : memref<8x2048xf32, #tpu.memory_space<vmem>>, vector<16xf32>,
        tpu.vector_store %arg7[%swap3A_154, %swap3A_155], %select_n3A {strides = array<i32>} : memref<8x2048xf32, #tpu.memory_space<vmem>>, vector<16xf32>,
      }
      %scan3A_92 = arith.constant 128 : i32
      %broadcast_in_dim3A_93 = arith.constant 10 : i32
      %broadcast_in_dim3A_94 = vector.broadcast %broadcast_in_dim3A_93 : i32 to vector<16xi32>
      %scan3A_95 = arith.constant 0 : i32
      %scan3A_96 = arith.constant 0 : i32
      %scan3A_97 = arith.constant 128 : i32
      %scan3A_98 = arith.addi %scan3A_96, %scan3A_97 : i32
      %scan3A_99 = arith.constant 1 : i32
      scf.for %scan3A_143 = %scan3A_96 to %scan3A_98 step %scan3A_99  : i32 {
        %mul3A_144 = arith.constant 16 : i32
        %mul3A_145 = arith.muli %scan3A_143, %mul3A_144 : i32
        %multiple_of3A = tpu.assume_multiple %mul3A_145, 16 : i32
        %get3A = arith.constant 10 : i32
        %get3A_146 = arith.index_cast %get3A : i32 to index
        %get3A_147 = arith.index_cast %multiple_of3A : i32 to index
        %get3A_148 = tpu.vector_load %arg6[%get3A_146, %get3A_147] {strides = array<i32>} : memref<16x2048xi32, #tpu.memory_space<vmem>>, vector<16xi32>,
        %gather3A = tpu.vector_load_idx %arg5[%broadcast_in_dim3A_94, %get3A_148] : memref<16x4096xf32, #tpu.memory_space<vmem>>[vector<16xi32>, vector<16xi32>], vector<16xf32>,
        %gt3A = arith.constant 5.000000e-01 : f32
        %gt3A_149 = vector.broadcast %gt3A : f32 to vector<16xf32>
        %gt3A_150 = arith.cmpf ogt, %gather3A, %gt3A_149 : vector<16xf32>
        %jit3A = arith.constant 1.000000e+00 : f32
        %jit3A_151 = arith.constant 0.000000e+00 : f32
        %broadcast_in_dim3A_152 = vector.broadcast %jit3A : f32 to vector<16xf32>
        %broadcast_in_dim3A_153 = vector.broadcast %jit3A_151 : f32 to vector<16xf32>
        %select_n3A = arith.select %gt3A_150, %broadcast_in_dim3A_152, %broadcast_in_dim3A_153 : vector<16xi1>, vector<16xf32>
        %swap3A = arith.constant 2 : i32
        %swap3A_154 = arith.index_cast %swap3A : i32 to index
        %swap3A_155 = arith.index_cast %multiple_of3A : i32 to index
        %swap3A_156 = tpu.vector_load %arg7[%swap3A_154, %swap3A_155] {strides = array<i32>} : memref<8x2048xf32, #tpu.memory_space<vmem>>, vector<16xf32>,
        tpu.vector_store %arg7[%swap3A_154, %swap3A_155], %select_n3A {strides = array<i32>} : memref<8x2048xf32, #tpu.memory_space<vmem>>, vector<16xf32>,
      }
      %scan3A_100 = arith.constant 128 : i32
      %broadcast_in_dim3A_101 = arith.constant 11 : i32
      %broadcast_in_dim3A_102 = vector.broadcast %broadcast_in_dim3A_101 : i32 to vector<16xi32>
      %scan3A_103 = arith.constant 0 : i32
      %scan3A_104 = arith.constant 0 : i32
      %scan3A_105 = arith.constant 128 : i32
      %scan3A_106 = arith.addi %scan3A_104, %scan3A_105 : i32
      %scan3A_107 = arith.constant 1 : i32
      scf.for %scan3A_143 = %scan3A_104 to %scan3A_106 step %scan3A_107  : i32 {
        %mul3A_144 = arith.constant 16 : i32
        %mul3A_145 = arith.muli %scan3A_143, %mul3A_144 : i32
        %multiple_of3A = tpu.assume_multiple %mul3A_145, 16 : i32
        %get3A = arith.constant 11 : i32
        %get3A_146 = arith.index_cast %get3A : i32 to index
        %get3A_147 = arith.index_cast %multiple_of3A : i32 to index
        %get3A_148 = tpu.vector_load %arg6[%get3A_146, %get3A_147] {strides = array<i32>} : memref<16x2048xi32, #tpu.memory_space<vmem>>, vector<16xi32>,
        %gather3A = tpu.vector_load_idx %arg5[%broadcast_in_dim3A_102, %get3A_148] : memref<16x4096xf32, #tpu.memory_space<vmem>>[vector<16xi32>, vector<16xi32>], vector<16xf32>,
        %gt3A = arith.constant 5.000000e-01 : f32
        %gt3A_149 = vector.broadcast %gt3A : f32 to vector<16xf32>
        %gt3A_150 = arith.cmpf ogt, %gather3A, %gt3A_149 : vector<16xf32>
        %jit3A = arith.constant 1.000000e+00 : f32
        %jit3A_151 = arith.constant 0.000000e+00 : f32
        %broadcast_in_dim3A_152 = vector.broadcast %jit3A : f32 to vector<16xf32>
        %broadcast_in_dim3A_153 = vector.broadcast %jit3A_151 : f32 to vector<16xf32>
        %select_n3A = arith.select %gt3A_150, %broadcast_in_dim3A_152, %broadcast_in_dim3A_153 : vector<16xi1>, vector<16xf32>
        %swap3A = arith.constant 3 : i32
        %swap3A_154 = arith.index_cast %swap3A : i32 to index
        %swap3A_155 = arith.index_cast %multiple_of3A : i32 to index
        %swap3A_156 = tpu.vector_load %arg7[%swap3A_154, %swap3A_155] {strides = array<i32>} : memref<8x2048xf32, #tpu.memory_space<vmem>>, vector<16xf32>,
        tpu.vector_store %arg7[%swap3A_154, %swap3A_155], %select_n3A {strides = array<i32>} : memref<8x2048xf32, #tpu.memory_space<vmem>>, vector<16xf32>,
      }
      %scan3A_108 = arith.constant 128 : i32
      %broadcast_in_dim3A_109 = arith.constant 12 : i32
      %broadcast_in_dim3A_110 = vector.broadcast %broadcast_in_dim3A_109 : i32 to vector<16xi32>
      %scan3A_111 = arith.constant 0 : i32
      %scan3A_112 = arith.constant 0 : i32
      %scan3A_113 = arith.constant 128 : i32
      %scan3A_114 = arith.addi %scan3A_112, %scan3A_113 : i32
      %scan3A_115 = arith.constant 1 : i32
      scf.for %scan3A_143 = %scan3A_112 to %scan3A_114 step %scan3A_115  : i32 {
        %mul3A_144 = arith.constant 16 : i32
        %mul3A_145 = arith.muli %scan3A_143, %mul3A_144 : i32
        %multiple_of3A = tpu.assume_multiple %mul3A_145, 16 : i32
        %get3A = arith.constant 12 : i32
        %get3A_146 = arith.index_cast %get3A : i32 to index
        %get3A_147 = arith.index_cast %multiple_of3A : i32 to index
        %get3A_148 = tpu.vector_load %arg6[%get3A_146, %get3A_147] {strides = array<i32>} : memref<16x2048xi32, #tpu.memory_space<vmem>>, vector<16xi32>,
        %gather3A = tpu.vector_load_idx %arg5[%broadcast_in_dim3A_110, %get3A_148] : memref<16x4096xf32, #tpu.memory_space<vmem>>[vector<16xi32>, vector<16xi32>], vector<16xf32>,
        %gt3A = arith.constant 5.000000e-01 : f32
        %gt3A_149 = vector.broadcast %gt3A : f32 to vector<16xf32>
        %gt3A_150 = arith.cmpf ogt, %gather3A, %gt3A_149 : vector<16xf32>
        %jit3A = arith.constant 1.000000e+00 : f32
        %jit3A_151 = arith.constant 0.000000e+00 : f32
        %broadcast_in_dim3A_152 = vector.broadcast %jit3A : f32 to vector<16xf32>
        %broadcast_in_dim3A_153 = vector.broadcast %jit3A_151 : f32 to vector<16xf32>
        %select_n3A = arith.select %gt3A_150, %broadcast_in_dim3A_152, %broadcast_in_dim3A_153 : vector<16xi1>, vector<16xf32>
        %swap3A = arith.constant 4 : i32
        %swap3A_154 = arith.index_cast %swap3A : i32 to index
        %swap3A_155 = arith.index_cast %multiple_of3A : i32 to index
        %swap3A_156 = tpu.vector_load %arg7[%swap3A_154, %swap3A_155] {strides = array<i32>} : memref<8x2048xf32, #tpu.memory_space<vmem>>, vector<16xf32>,
        tpu.vector_store %arg7[%swap3A_154, %swap3A_155], %select_n3A {strides = array<i32>} : memref<8x2048xf32, #tpu.memory_space<vmem>>, vector<16xf32>,
      }
      %scan3A_116 = arith.constant 128 : i32
      %broadcast_in_dim3A_117 = arith.constant 13 : i32
      %broadcast_in_dim3A_118 = vector.broadcast %broadcast_in_dim3A_117 : i32 to vector<16xi32>
      %scan3A_119 = arith.constant 0 : i32
      %scan3A_120 = arith.constant 0 : i32
      %scan3A_121 = arith.constant 128 : i32
      %scan3A_122 = arith.addi %scan3A_120, %scan3A_121 : i32
      %scan3A_123 = arith.constant 1 : i32
      scf.for %scan3A_143 = %scan3A_120 to %scan3A_122 step %scan3A_123  : i32 {
        %mul3A_144 = arith.constant 16 : i32
        %mul3A_145 = arith.muli %scan3A_143, %mul3A_144 : i32
        %multiple_of3A = tpu.assume_multiple %mul3A_145, 16 : i32
        %get3A = arith.constant 13 : i32
        %get3A_146 = arith.index_cast %get3A : i32 to index
        %get3A_147 = arith.index_cast %multiple_of3A : i32 to index
        %get3A_148 = tpu.vector_load %arg6[%get3A_146, %get3A_147] {strides = array<i32>} : memref<16x2048xi32, #tpu.memory_space<vmem>>, vector<16xi32>,
        %gather3A = tpu.vector_load_idx %arg5[%broadcast_in_dim3A_118, %get3A_148] : memref<16x4096xf32, #tpu.memory_space<vmem>>[vector<16xi32>, vector<16xi32>], vector<16xf32>,
        %gt3A = arith.constant 5.000000e-01 : f32
        %gt3A_149 = vector.broadcast %gt3A : f32 to vector<16xf32>
        %gt3A_150 = arith.cmpf ogt, %gather3A, %gt3A_149 : vector<16xf32>
        %jit3A = arith.constant 1.000000e+00 : f32
        %jit3A_151 = arith.constant 0.000000e+00 : f32
        %broadcast_in_dim3A_152 = vector.broadcast %jit3A : f32 to vector<16xf32>
        %broadcast_in_dim3A_153 = vector.broadcast %jit3A_151 : f32 to vector<16xf32>
        %select_n3A = arith.select %gt3A_150, %broadcast_in_dim3A_152, %broadcast_in_dim3A_153 : vector<16xi1>, vector<16xf32>
        %swap3A = arith.constant 5 : i32
        %swap3A_154 = arith.index_cast %swap3A : i32 to index
        %swap3A_155 = arith.index_cast %multiple_of3A : i32 to index
        %swap3A_156 = tpu.vector_load %arg7[%swap3A_154, %swap3A_155] {strides = array<i32>} : memref<8x2048xf32, #tpu.memory_space<vmem>>, vector<16xf32>,
        tpu.vector_store %arg7[%swap3A_154, %swap3A_155], %select_n3A {strides = array<i32>} : memref<8x2048xf32, #tpu.memory_space<vmem>>, vector<16xf32>,
      }
      %scan3A_124 = arith.constant 128 : i32
      %broadcast_in_dim3A_125 = arith.constant 14 : i32
      %broadcast_in_dim3A_126 = vector.broadcast %broadcast_in_dim3A_125 : i32 to vector<16xi32>
      %scan3A_127 = arith.constant 0 : i32
      %scan3A_128 = arith.constant 0 : i32
      %scan3A_129 = arith.constant 128 : i32
      %scan3A_130 = arith.addi %scan3A_128, %scan3A_129 : i32
      %scan3A_131 = arith.constant 1 : i32
      scf.for %scan3A_143 = %scan3A_128 to %scan3A_130 step %scan3A_131  : i32 {
        %mul3A_144 = arith.constant 16 : i32
        %mul3A_145 = arith.muli %scan3A_143, %mul3A_144 : i32
        %multiple_of3A = tpu.assume_multiple %mul3A_145, 16 : i32
        %get3A = arith.constant 14 : i32
        %get3A_146 = arith.index_cast %get3A : i32 to index
        %get3A_147 = arith.index_cast %multiple_of3A : i32 to index
        %get3A_148 = tpu.vector_load %arg6[%get3A_146, %get3A_147] {strides = array<i32>} : memref<16x2048xi32, #tpu.memory_space<vmem>>, vector<16xi32>,
        %gather3A = tpu.vector_load_idx %arg5[%broadcast_in_dim3A_126, %get3A_148] : memref<16x4096xf32, #tpu.memory_space<vmem>>[vector<16xi32>, vector<16xi32>], vector<16xf32>,
        %gt3A = arith.constant 5.000000e-01 : f32
        %gt3A_149 = vector.broadcast %gt3A : f32 to vector<16xf32>
        %gt3A_150 = arith.cmpf ogt, %gather3A, %gt3A_149 : vector<16xf32>
        %jit3A = arith.constant 1.000000e+00 : f32
        %jit3A_151 = arith.constant 0.000000e+00 : f32
        %broadcast_in_dim3A_152 = vector.broadcast %jit3A : f32 to vector<16xf32>
        %broadcast_in_dim3A_153 = vector.broadcast %jit3A_151 : f32 to vector<16xf32>
        %select_n3A = arith.select %gt3A_150, %broadcast_in_dim3A_152, %broadcast_in_dim3A_153 : vector<16xi1>, vector<16xf32>
        %swap3A = arith.constant 6 : i32
        %swap3A_154 = arith.index_cast %swap3A : i32 to index
        %swap3A_155 = arith.index_cast %multiple_of3A : i32 to index
        %swap3A_156 = tpu.vector_load %arg7[%swap3A_154, %swap3A_155] {strides = array<i32>} : memref<8x2048xf32, #tpu.memory_space<vmem>>, vector<16xf32>,
        tpu.vector_store %arg7[%swap3A_154, %swap3A_155], %select_n3A {strides = array<i32>} : memref<8x2048xf32, #tpu.memory_space<vmem>>, vector<16xf32>,
      }
      %scan3A_132 = arith.constant 128 : i32
      %broadcast_in_dim3A_133 = arith.constant 15 : i32
      %broadcast_in_dim3A_134 = vector.broadcast %broadcast_in_dim3A_133 : i32 to vector<16xi32>
      %scan3A_135 = arith.constant 0 : i32
      %scan3A_136 = arith.constant 0 : i32
      %scan3A_137 = arith.constant 128 : i32
      %scan3A_138 = arith.addi %scan3A_136, %scan3A_137 : i32
      %scan3A_139 = arith.constant 1 : i32
      scf.for %scan3A_143 = %scan3A_136 to %scan3A_138 step %scan3A_139  : i32 {
        %mul3A_144 = arith.constant 16 : i32
        %mul3A_145 = arith.muli %scan3A_143, %mul3A_144 : i32
        %multiple_of3A = tpu.assume_multiple %mul3A_145, 16 : i32
        %get3A = arith.constant 15 : i32
        %get3A_146 = arith.index_cast %get3A : i32 to index
        %get3A_147 = arith.index_cast %multiple_of3A : i32 to index
        %get3A_148 = tpu.vector_load %arg6[%get3A_146, %get3A_147] {strides = array<i32>} : memref<16x2048xi32, #tpu.memory_space<vmem>>, vector<16xi32>,
        %gather3A = tpu.vector_load_idx %arg5[%broadcast_in_dim3A_134, %get3A_148] : memref<16x4096xf32, #tpu.memory_space<vmem>>[vector<16xi32>, vector<16xi32>], vector<16xf32>,
        %gt3A = arith.constant 5.000000e-01 : f32
        %gt3A_149 = vector.broadcast %gt3A : f32 to vector<16xf32>
        %gt3A_150 = arith.cmpf ogt, %gather3A, %gt3A_149 : vector<16xf32>
        %jit3A = arith.constant 1.000000e+00 : f32
        %jit3A_151 = arith.constant 0.000000e+00 : f32
        %broadcast_in_dim3A_152 = vector.broadcast %jit3A : f32 to vector<16xf32>
        %broadcast_in_dim3A_153 = vector.broadcast %jit3A_151 : f32 to vector<16xf32>
        %select_n3A = arith.select %gt3A_150, %broadcast_in_dim3A_152, %broadcast_in_dim3A_153 : vector<16xi1>, vector<16xf32>
        %swap3A = arith.constant 7 : i32
        %swap3A_154 = arith.index_cast %swap3A : i32 to index
        %swap3A_155 = arith.index_cast %multiple_of3A : i32 to index
        %swap3A_156 = tpu.vector_load %arg7[%swap3A_154, %swap3A_155] {strides = array<i32>} : memref<8x2048xf32, #tpu.memory_space<vmem>>, vector<16xf32>,
        tpu.vector_store %arg7[%swap3A_154, %swap3A_155], %select_n3A {strides = array<i32>} : memref<8x2048xf32, #tpu.memory_space<vmem>>, vector<16xf32>,
      }
      %scan3A_140 = arith.constant 128 : i32
      %add3A_141 = arith.constant 8 : i32
      %add3A_142 = arith.addi %add3A_11, %add3A_141 : i32
      "tpu.region"() ({
        %run_scoped3A = tpu.sem_alloc : memref<!tpu.dma_semaphore, #tpu.memory_space<semaphore_mem>>
        %dma_start3A = arith.constant 0 : i32
        %dma_start3A_143 = tpu.memref_slice %arg4[%add3A_142, %dma_start3A] : memref<2048x2048xf32, #tpu.memory_space<hbm>> -> memref<8x2048xf32, #tpu.memory_space<hbm>>
        %dma_start3A_144 = arith.constant 0 : i32
        %dma_start3A_145 = tpu.memref_slice %arg4[%add3A_142, %dma_start3A_144] : memref<2048x2048xf32, #tpu.memory_space<hbm>> -> memref<8x2048xf32, #tpu.memory_space<hbm>>
        tpu.enqueue_dma source(%arg7 : memref<8x2048xf32, #tpu.memory_space<vmem>>) target(%dma_start3A_145 : memref<8x2048xf32, #tpu.memory_space<hbm>>) target_semaphore(%run_scoped3A : memref<!tpu.dma_semaphore, #tpu.memory_space<semaphore_mem>>)
        %dma_wait3A = arith.constant 0 : i32
        %dma_wait3A_146 = tpu.memref_slice %arg4[%add3A_142, %dma_wait3A] : memref<2048x2048xf32, #tpu.memory_space<hbm>> -> memref<8x2048xf32, #tpu.memory_space<hbm>>
        %dma_wait3A_147 = arith.constant 0 : i32
        %dma_wait3A_148 = tpu.memref_slice %arg4[%add3A_142, %dma_wait3A_147] : memref<2048x2048xf32, #tpu.memory_space<hbm>> -> memref<8x2048xf32, #tpu.memory_space<hbm>>
        tpu.wait_dma2 semaphore(%run_scoped3A : memref<!tpu.dma_semaphore, #tpu.memory_space<semaphore_mem>>) src(%arg7 : memref<8x2048xf32, #tpu.memory_space<vmem>>) dst(%dma_wait3A_148 : memref<8x2048xf32, #tpu.memory_space<hbm>>)
        tpu.yield
      }) : () -> ()
    }
    %scan3A_7 = arith.constant 4 : i32
    return
  }
}

#map = affine_map<(d0, d1) -> (0, 0)>
module attributes {stable_mosaic.version = 14 : i64} {
  func.func @k(%arg0: i32, %arg1: i32, %arg2: memref<2048x4096xf32, #tpu.memory_space<hbm>>, %arg3: memref<2048x2048xi32, #tpu.memory_space<hbm>>, %arg4: memref<2048x2048xf32, #tpu.memory_space<hbm>>, %arg5: memref<16x4096xf32, #tpu.memory_space<vmem>>, %arg6: memref<16x2048xi32, #tpu.memory_space<vmem>>, %arg7: memref<8x2048xf32, #tpu.memory_space<vmem>>) attributes {dimension_semantics = [#tpu.dimension_semantics<core_parallel>, #tpu.dimension_semantics<subcore_parallel>], iteration_bounds = array<i64: 2, 16>, scalar_prefetch = 0 : i64, scratch_operands = 3 : i64, tpu.core_type = #tpu.core_type<sc_vector_subcore>, window_params = [{transform_indices = #map}, {transform_indices = #map}, {transform_indices = #map}]} {
    %mul3A = arith.constant 2 : i32
    %mul3A_0 = arith.muli %arg1, %mul3A : i32
    %add3A = arith.addi %mul3A_0, %arg0 : i32
    %mul3A_1 = arith.constant 64 : i32
    %mul3A_2 = arith.muli %add3A, %mul3A_1 : i32
    %scan3A = arith.constant 0 : i32
    %scan3A_3 = arith.constant 0 : i32
    %scan3A_4 = arith.constant 4 : i32
    %scan3A_5 = arith.addi %scan3A_3, %scan3A_4 : i32
    %scan3A_6 = arith.constant 1 : i32
    scf.for %scan3A_8 = %scan3A_3 to %scan3A_5 step %scan3A_6  : i32 {
      %mul3A_9 = arith.constant 16 : i32
      %mul3A_10 = arith.muli %scan3A_8, %mul3A_9 : i32
      %add3A_11 = arith.addi %mul3A_2, %mul3A_10 : i32
      "tpu.region"() ({
        %run_scoped3A = tpu.sem_alloc : memref<!tpu.dma_semaphore, #tpu.memory_space<semaphore_mem>>
        %dma_start3A = arith.constant 0 : i32
        %dma_start3A_143 = tpu.memref_slice %arg2[%add3A_11, %dma_start3A] : memref<2048x4096xf32, #tpu.memory_space<hbm>> -> memref<16x4096xf32, #tpu.memory_space<hbm>>
        %dma_start3A_144 = arith.constant 0 : i32
        %dma_start3A_145 = tpu.memref_slice %arg2[%add3A_11, %dma_start3A_144] : memref<2048x4096xf32, #tpu.memory_space<hbm>> -> memref<16x4096xf32, #tpu.memory_space<hbm>>
        tpu.enqueue_dma source(%dma_start3A_145 : memref<16x4096xf32, #tpu.memory_space<hbm>>) target(%arg5 : memref<16x4096xf32, #tpu.memory_space<vmem>>) target_semaphore(%run_scoped3A : memref<!tpu.dma_semaphore, #tpu.memory_space<semaphore_mem>>)
        %dma_wait3A = arith.constant 0 : i32
        %dma_wait3A_146 = tpu.memref_slice %arg2[%add3A_11, %dma_wait3A] : memref<2048x4096xf32, #tpu.memory_space<hbm>> -> memref<16x4096xf32, #tpu.memory_space<hbm>>
        %dma_wait3A_147 = arith.constant 0 : i32
        %dma_wait3A_148 = tpu.memref_slice %arg2[%add3A_11, %dma_wait3A_147] : memref<2048x4096xf32, #tpu.memory_space<hbm>> -> memref<16x4096xf32, #tpu.memory_space<hbm>>
        tpu.wait_dma2 semaphore(%run_scoped3A : memref<!tpu.dma_semaphore, #tpu.memory_space<semaphore_mem>>) src(%dma_wait3A_148 : memref<16x4096xf32, #tpu.memory_space<hbm>>) dst(%arg5 : memref<16x4096xf32, #tpu.memory_space<vmem>>)
        tpu.yield
      }) : () -> ()
      "tpu.region"() ({
        %run_scoped3A = tpu.sem_alloc : memref<!tpu.dma_semaphore, #tpu.memory_space<semaphore_mem>>
        %dma_start3A = arith.constant 0 : i32
        %dma_start3A_143 = tpu.memref_slice %arg3[%add3A_11, %dma_start3A] : memref<2048x2048xi32, #tpu.memory_space<hbm>> -> memref<16x2048xi32, #tpu.memory_space<hbm>>
        %dma_start3A_144 = arith.constant 0 : i32
        %dma_start3A_145 = tpu.memref_slice %arg3[%add3A_11, %dma_start3A_144] : memref<2048x2048xi32, #tpu.memory_space<hbm>> -> memref<16x2048xi32, #tpu.memory_space<hbm>>
        tpu.enqueue_dma source(%dma_start3A_145 : memref<16x2048xi32, #tpu.memory_space<hbm>>) target(%arg6 : memref<16x2048xi32, #tpu.memory_space<vmem>>) target_semaphore(%run_scoped3A : memref<!tpu.dma_semaphore, #tpu.memory_space<semaphore_mem>>)
        %dma_wait3A = arith.constant 0 : i32
        %dma_wait3A_146 = tpu.memref_slice %arg3[%add3A_11, %dma_wait3A] : memref<2048x2048xi32, #tpu.memory_space<hbm>> -> memref<16x2048xi32, #tpu.memory_space<hbm>>
        %dma_wait3A_147 = arith.constant 0 : i32
        %dma_wait3A_148 = tpu.memref_slice %arg3[%add3A_11, %dma_wait3A_147] : memref<2048x2048xi32, #tpu.memory_space<hbm>> -> memref<16x2048xi32, #tpu.memory_space<hbm>>
        tpu.wait_dma2 semaphore(%run_scoped3A : memref<!tpu.dma_semaphore, #tpu.memory_space<semaphore_mem>>) src(%dma_wait3A_148 : memref<16x2048xi32, #tpu.memory_space<hbm>>) dst(%arg6 : memref<16x2048xi32, #tpu.memory_space<vmem>>)
        tpu.yield
      }) : () -> ()
      %broadcast_in_dim3A = arith.constant 0 : i32
      %broadcast_in_dim3A_12 = vector.broadcast %broadcast_in_dim3A : i32 to vector<16xi32>
      %scan3A_13 = arith.constant 0 : i32
      %scan3A_14 = arith.constant 0 : i32
      %scan3A_15 = arith.constant 128 : i32
      %scan3A_16 = arith.addi %scan3A_14, %scan3A_15 : i32
      %scan3A_17 = arith.constant 1 : i32
      scf.for %scan3A_143 = %scan3A_14 to %scan3A_16 step %scan3A_17  : i32 {
        %mul3A_144 = arith.constant 16 : i32
        %mul3A_145 = arith.muli %scan3A_143, %mul3A_144 : i32
        %multiple_of3A = tpu.assume_multiple %mul3A_145, 16 : i32
        %get3A = arith.constant 0 : i32
        %get3A_146 = arith.index_cast %get3A : i32 to index
        %get3A_147 = arith.index_cast %multiple_of3A : i32 to index
        %get3A_148 = tpu.vector_load %arg6[%get3A_146, %get3A_147] {strides = array<i32>} : memref<16x2048xi32, #tpu.memory_space<vmem>>, vector<16xi32>,
        %gather3A = tpu.vector_load_idx %arg5[%broadcast_in_dim3A_12, %get3A_148] : memref<16x4096xf32, #tpu.memory_space<vmem>>[vector<16xi32>, vector<16xi32>], vector<16xf32>,
        %gt3A = arith.constant 5.000000e-01 : f32
        %gt3A_149 = vector.broadcast %gt3A : f32 to vector<16xf32>
        %gt3A_150 = arith.cmpf ogt, %gather3A, %gt3A_149 : vector<16xf32>
        %jit3A = arith.constant 1.000000e+00 : f32
        %jit3A_151 = arith.constant 0.000000e+00 : f32
        %broadcast_in_dim3A_152 = vector.broadcast %jit3A : f32 to vector<16xf32>
        %broadcast_in_dim3A_153 = vector.broadcast %jit3A_151 : f32 to vector<16xf32>
        %select_n3A = arith.select %gt3A_150, %broadcast_in_dim3A_152, %broadcast_in_dim3A_153 : vector<16xi1>, vector<16xf32>
        %swap3A = arith.constant 0 : i32
        %swap3A_154 = arith.index_cast %swap3A : i32 to index
        %swap3A_155 = arith.index_cast %multiple_of3A : i32 to index
        %swap3A_156 = tpu.vector_load %arg7[%swap3A_154, %swap3A_155] {strides = array<i32>} : memref<8x2048xf32, #tpu.memory_space<vmem>>, vector<16xf32>,
        tpu.vector_store %arg7[%swap3A_154, %swap3A_155], %select_n3A {strides = array<i32>} : memref<8x2048xf32, #tpu.memory_space<vmem>>, vector<16xf32>,
      }
      %scan3A_18 = arith.constant 128 : i32
      %broadcast_in_dim3A_19 = arith.constant 1 : i32
      %broadcast_in_dim3A_20 = vector.broadcast %broadcast_in_dim3A_19 : i32 to vector<16xi32>
      %scan3A_21 = arith.constant 0 : i32
      %scan3A_22 = arith.constant 0 : i32
      %scan3A_23 = arith.constant 128 : i32
      %scan3A_24 = arith.addi %scan3A_22, %scan3A_23 : i32
      %scan3A_25 = arith.constant 1 : i32
      scf.for %scan3A_143 = %scan3A_22 to %scan3A_24 step %scan3A_25  : i32 {
        %mul3A_144 = arith.constant 16 : i32
        %mul3A_145 = arith.muli %scan3A_143, %mul3A_144 : i32
        %multiple_of3A = tpu.assume_multiple %mul3A_145, 16 : i32
        %get3A = arith.constant 1 : i32
        %get3A_146 = arith.index_cast %get3A : i32 to index
        %get3A_147 = arith.index_cast %multiple_of3A : i32 to index
        %get3A_148 = tpu.vector_load %arg6[%get3A_146, %get3A_147] {strides = array<i32>} : memref<16x2048xi32, #tpu.memory_space<vmem>>, vector<16xi32>,
        %gather3A = tpu.vector_load_idx %arg5[%broadcast_in_dim3A_20, %get3A_148] : memref<16x4096xf32, #tpu.memory_space<vmem>>[vector<16xi32>, vector<16xi32>], vector<16xf32>,
        %gt3A = arith.constant 5.000000e-01 : f32
        %gt3A_149 = vector.broadcast %gt3A : f32 to vector<16xf32>
        %gt3A_150 = arith.cmpf ogt, %gather3A, %gt3A_149 : vector<16xf32>
        %jit3A = arith.constant 1.000000e+00 : f32
        %jit3A_151 = arith.constant 0.000000e+00 : f32
        %broadcast_in_dim3A_152 = vector.broadcast %jit3A : f32 to vector<16xf32>
        %broadcast_in_dim3A_153 = vector.broadcast %jit3A_151 : f32 to vector<16xf32>
        %select_n3A = arith.select %gt3A_150, %broadcast_in_dim3A_152, %broadcast_in_dim3A_153 : vector<16xi1>, vector<16xf32>
        %swap3A = arith.constant 1 : i32
        %swap3A_154 = arith.index_cast %swap3A : i32 to index
        %swap3A_155 = arith.index_cast %multiple_of3A : i32 to index
        %swap3A_156 = tpu.vector_load %arg7[%swap3A_154, %swap3A_155] {strides = array<i32>} : memref<8x2048xf32, #tpu.memory_space<vmem>>, vector<16xf32>,
        tpu.vector_store %arg7[%swap3A_154, %swap3A_155], %select_n3A {strides = array<i32>} : memref<8x2048xf32, #tpu.memory_space<vmem>>, vector<16xf32>,
      }
      %scan3A_26 = arith.constant 128 : i32
      %broadcast_in_dim3A_27 = arith.constant 2 : i32
      %broadcast_in_dim3A_28 = vector.broadcast %broadcast_in_dim3A_27 : i32 to vector<16xi32>
      %scan3A_29 = arith.constant 0 : i32
      %scan3A_30 = arith.constant 0 : i32
      %scan3A_31 = arith.constant 128 : i32
      %scan3A_32 = arith.addi %scan3A_30, %scan3A_31 : i32
      %scan3A_33 = arith.constant 1 : i32
      scf.for %scan3A_143 = %scan3A_30 to %scan3A_32 step %scan3A_33  : i32 {
        %mul3A_144 = arith.constant 16 : i32
        %mul3A_145 = arith.muli %scan3A_143, %mul3A_144 : i32
        %multiple_of3A = tpu.assume_multiple %mul3A_145, 16 : i32
        %get3A = arith.constant 2 : i32
        %get3A_146 = arith.index_cast %get3A : i32 to index
        %get3A_147 = arith.index_cast %multiple_of3A : i32 to index
        %get3A_148 = tpu.vector_load %arg6[%get3A_146, %get3A_147] {strides = array<i32>} : memref<16x2048xi32, #tpu.memory_space<vmem>>, vector<16xi32>,
        %gather3A = tpu.vector_load_idx %arg5[%broadcast_in_dim3A_28, %get3A_148] : memref<16x4096xf32, #tpu.memory_space<vmem>>[vector<16xi32>, vector<16xi32>], vector<16xf32>,
        %gt3A = arith.constant 5.000000e-01 : f32
        %gt3A_149 = vector.broadcast %gt3A : f32 to vector<16xf32>
        %gt3A_150 = arith.cmpf ogt, %gather3A, %gt3A_149 : vector<16xf32>
        %jit3A = arith.constant 1.000000e+00 : f32
        %jit3A_151 = arith.constant 0.000000e+00 : f32
        %broadcast_in_dim3A_152 = vector.broadcast %jit3A : f32 to vector<16xf32>
        %broadcast_in_dim3A_153 = vector.broadcast %jit3A_151 : f32 to vector<16xf32>
        %select_n3A = arith.select %gt3A_150, %broadcast_in_dim3A_152, %broadcast_in_dim3A_153 : vector<16xi1>, vector<16xf32>
        %swap3A = arith.constant 2 : i32
        %swap3A_154 = arith.index_cast %swap3A : i32 to index
        %swap3A_155 = arith.index_cast %multiple_of3A : i32 to index
        %swap3A_156 = tpu.vector_load %arg7[%swap3A_154, %swap3A_155] {strides = array<i32>} : memref<8x2048xf32, #tpu.memory_space<vmem>>, vector<16xf32>,
        tpu.vector_store %arg7[%swap3A_154, %swap3A_155], %select_n3A {strides = array<i32>} : memref<8x2048xf32, #tpu.memory_space<vmem>>, vector<16xf32>,
      }
      %scan3A_34 = arith.constant 128 : i32
      %broadcast_in_dim3A_35 = arith.constant 3 : i32
      %broadcast_in_dim3A_36 = vector.broadcast %broadcast_in_dim3A_35 : i32 to vector<16xi32>
      %scan3A_37 = arith.constant 0 : i32
      %scan3A_38 = arith.constant 0 : i32
      %scan3A_39 = arith.constant 128 : i32
      %scan3A_40 = arith.addi %scan3A_38, %scan3A_39 : i32
      %scan3A_41 = arith.constant 1 : i32
      scf.for %scan3A_143 = %scan3A_38 to %scan3A_40 step %scan3A_41  : i32 {
        %mul3A_144 = arith.constant 16 : i32
        %mul3A_145 = arith.muli %scan3A_143, %mul3A_144 : i32
        %multiple_of3A = tpu.assume_multiple %mul3A_145, 16 : i32
        %get3A = arith.constant 3 : i32
        %get3A_146 = arith.index_cast %get3A : i32 to index
        %get3A_147 = arith.index_cast %multiple_of3A : i32 to index
        %get3A_148 = tpu.vector_load %arg6[%get3A_146, %get3A_147] {strides = array<i32>} : memref<16x2048xi32, #tpu.memory_space<vmem>>, vector<16xi32>,
        %gather3A = tpu.vector_load_idx %arg5[%broadcast_in_dim3A_36, %get3A_148] : memref<16x4096xf32, #tpu.memory_space<vmem>>[vector<16xi32>, vector<16xi32>], vector<16xf32>,
        %gt3A = arith.constant 5.000000e-01 : f32
        %gt3A_149 = vector.broadcast %gt3A : f32 to vector<16xf32>
        %gt3A_150 = arith.cmpf ogt, %gather3A, %gt3A_149 : vector<16xf32>
        %jit3A = arith.constant 1.000000e+00 : f32
        %jit3A_151 = arith.constant 0.000000e+00 : f32
        %broadcast_in_dim3A_152 = vector.broadcast %jit3A : f32 to vector<16xf32>
        %broadcast_in_dim3A_153 = vector.broadcast %jit3A_151 : f32 to vector<16xf32>
        %select_n3A = arith.select %gt3A_150, %broadcast_in_dim3A_152, %broadcast_in_dim3A_153 : vector<16xi1>, vector<16xf32>
        %swap3A = arith.constant 3 : i32
        %swap3A_154 = arith.index_cast %swap3A : i32 to index
        %swap3A_155 = arith.index_cast %multiple_of3A : i32 to index
        %swap3A_156 = tpu.vector_load %arg7[%swap3A_154, %swap3A_155] {strides = array<i32>} : memref<8x2048xf32, #tpu.memory_space<vmem>>, vector<16xf32>,
        tpu.vector_store %arg7[%swap3A_154, %swap3A_155], %select_n3A {strides = array<i32>} : memref<8x2048xf32, #tpu.memory_space<vmem>>, vector<16xf32>,
      }
      %scan3A_42 = arith.constant 128 : i32
      %broadcast_in_dim3A_43 = arith.constant 4 : i32
      %broadcast_in_dim3A_44 = vector.broadcast %broadcast_in_dim3A_43 : i32 to vector<16xi32>
      %scan3A_45 = arith.constant 0 : i32
      %scan3A_46 = arith.constant 0 : i32
      %scan3A_47 = arith.constant 128 : i32
      %scan3A_48 = arith.addi %scan3A_46, %scan3A_47 : i32
      %scan3A_49 = arith.constant 1 : i32
      scf.for %scan3A_143 = %scan3A_46 to %scan3A_48 step %scan3A_49  : i32 {
        %mul3A_144 = arith.constant 16 : i32
        %mul3A_145 = arith.muli %scan3A_143, %mul3A_144 : i32
        %multiple_of3A = tpu.assume_multiple %mul3A_145, 16 : i32
        %get3A = arith.constant 4 : i32
        %get3A_146 = arith.index_cast %get3A : i32 to index
        %get3A_147 = arith.index_cast %multiple_of3A : i32 to index
        %get3A_148 = tpu.vector_load %arg6[%get3A_146, %get3A_147] {strides = array<i32>} : memref<16x2048xi32, #tpu.memory_space<vmem>>, vector<16xi32>,
        %gather3A = tpu.vector_load_idx %arg5[%broadcast_in_dim3A_44, %get3A_148] : memref<16x4096xf32, #tpu.memory_space<vmem>>[vector<16xi32>, vector<16xi32>], vector<16xf32>,
        %gt3A = arith.constant 5.000000e-01 : f32
        %gt3A_149 = vector.broadcast %gt3A : f32 to vector<16xf32>
        %gt3A_150 = arith.cmpf ogt, %gather3A, %gt3A_149 : vector<16xf32>
        %jit3A = arith.constant 1.000000e+00 : f32
        %jit3A_151 = arith.constant 0.000000e+00 : f32
        %broadcast_in_dim3A_152 = vector.broadcast %jit3A : f32 to vector<16xf32>
        %broadcast_in_dim3A_153 = vector.broadcast %jit3A_151 : f32 to vector<16xf32>
        %select_n3A = arith.select %gt3A_150, %broadcast_in_dim3A_152, %broadcast_in_dim3A_153 : vector<16xi1>, vector<16xf32>
        %swap3A = arith.constant 4 : i32
        %swap3A_154 = arith.index_cast %swap3A : i32 to index
        %swap3A_155 = arith.index_cast %multiple_of3A : i32 to index
        %swap3A_156 = tpu.vector_load %arg7[%swap3A_154, %swap3A_155] {strides = array<i32>} : memref<8x2048xf32, #tpu.memory_space<vmem>>, vector<16xf32>,
        tpu.vector_store %arg7[%swap3A_154, %swap3A_155], %select_n3A {strides = array<i32>} : memref<8x2048xf32, #tpu.memory_space<vmem>>, vector<16xf32>,
      }
      %scan3A_50 = arith.constant 128 : i32
      %broadcast_in_dim3A_51 = arith.constant 5 : i32
      %broadcast_in_dim3A_52 = vector.broadcast %broadcast_in_dim3A_51 : i32 to vector<16xi32>
      %scan3A_53 = arith.constant 0 : i32
      %scan3A_54 = arith.constant 0 : i32
      %scan3A_55 = arith.constant 128 : i32
      %scan3A_56 = arith.addi %scan3A_54, %scan3A_55 : i32
      %scan3A_57 = arith.constant 1 : i32
      scf.for %scan3A_143 = %scan3A_54 to %scan3A_56 step %scan3A_57  : i32 {
        %mul3A_144 = arith.constant 16 : i32
        %mul3A_145 = arith.muli %scan3A_143, %mul3A_144 : i32
        %multiple_of3A = tpu.assume_multiple %mul3A_145, 16 : i32
        %get3A = arith.constant 5 : i32
        %get3A_146 = arith.index_cast %get3A : i32 to index
        %get3A_147 = arith.index_cast %multiple_of3A : i32 to index
        %get3A_148 = tpu.vector_load %arg6[%get3A_146, %get3A_147] {strides = array<i32>} : memref<16x2048xi32, #tpu.memory_space<vmem>>, vector<16xi32>,
        %gather3A = tpu.vector_load_idx %arg5[%broadcast_in_dim3A_52, %get3A_148] : memref<16x4096xf32, #tpu.memory_space<vmem>>[vector<16xi32>, vector<16xi32>], vector<16xf32>,
        %gt3A = arith.constant 5.000000e-01 : f32
        %gt3A_149 = vector.broadcast %gt3A : f32 to vector<16xf32>
        %gt3A_150 = arith.cmpf ogt, %gather3A, %gt3A_149 : vector<16xf32>
        %jit3A = arith.constant 1.000000e+00 : f32
        %jit3A_151 = arith.constant 0.000000e+00 : f32
        %broadcast_in_dim3A_152 = vector.broadcast %jit3A : f32 to vector<16xf32>
        %broadcast_in_dim3A_153 = vector.broadcast %jit3A_151 : f32 to vector<16xf32>
        %select_n3A = arith.select %gt3A_150, %broadcast_in_dim3A_152, %broadcast_in_dim3A_153 : vector<16xi1>, vector<16xf32>
        %swap3A = arith.constant 5 : i32
        %swap3A_154 = arith.index_cast %swap3A : i32 to index
        %swap3A_155 = arith.index_cast %multiple_of3A : i32 to index
        %swap3A_156 = tpu.vector_load %arg7[%swap3A_154, %swap3A_155] {strides = array<i32>} : memref<8x2048xf32, #tpu.memory_space<vmem>>, vector<16xf32>,
        tpu.vector_store %arg7[%swap3A_154, %swap3A_155], %select_n3A {strides = array<i32>} : memref<8x2048xf32, #tpu.memory_space<vmem>>, vector<16xf32>,
      }
      %scan3A_58 = arith.constant 128 : i32
      %broadcast_in_dim3A_59 = arith.constant 6 : i32
      %broadcast_in_dim3A_60 = vector.broadcast %broadcast_in_dim3A_59 : i32 to vector<16xi32>
      %scan3A_61 = arith.constant 0 : i32
      %scan3A_62 = arith.constant 0 : i32
      %scan3A_63 = arith.constant 128 : i32
      %scan3A_64 = arith.addi %scan3A_62, %scan3A_63 : i32
      %scan3A_65 = arith.constant 1 : i32
      scf.for %scan3A_143 = %scan3A_62 to %scan3A_64 step %scan3A_65  : i32 {
        %mul3A_144 = arith.constant 16 : i32
        %mul3A_145 = arith.muli %scan3A_143, %mul3A_144 : i32
        %multiple_of3A = tpu.assume_multiple %mul3A_145, 16 : i32
        %get3A = arith.constant 6 : i32
        %get3A_146 = arith.index_cast %get3A : i32 to index
        %get3A_147 = arith.index_cast %multiple_of3A : i32 to index
        %get3A_148 = tpu.vector_load %arg6[%get3A_146, %get3A_147] {strides = array<i32>} : memref<16x2048xi32, #tpu.memory_space<vmem>>, vector<16xi32>,
        %gather3A = tpu.vector_load_idx %arg5[%broadcast_in_dim3A_60, %get3A_148] : memref<16x4096xf32, #tpu.memory_space<vmem>>[vector<16xi32>, vector<16xi32>], vector<16xf32>,
        %gt3A = arith.constant 5.000000e-01 : f32
        %gt3A_149 = vector.broadcast %gt3A : f32 to vector<16xf32>
        %gt3A_150 = arith.cmpf ogt, %gather3A, %gt3A_149 : vector<16xf32>
        %jit3A = arith.constant 1.000000e+00 : f32
        %jit3A_151 = arith.constant 0.000000e+00 : f32
        %broadcast_in_dim3A_152 = vector.broadcast %jit3A : f32 to vector<16xf32>
        %broadcast_in_dim3A_153 = vector.broadcast %jit3A_151 : f32 to vector<16xf32>
        %select_n3A = arith.select %gt3A_150, %broadcast_in_dim3A_152, %broadcast_in_dim3A_153 : vector<16xi1>, vector<16xf32>
        %swap3A = arith.constant 6 : i32
        %swap3A_154 = arith.index_cast %swap3A : i32 to index
        %swap3A_155 = arith.index_cast %multiple_of3A : i32 to index
        %swap3A_156 = tpu.vector_load %arg7[%swap3A_154, %swap3A_155] {strides = array<i32>} : memref<8x2048xf32, #tpu.memory_space<vmem>>, vector<16xf32>,
        tpu.vector_store %arg7[%swap3A_154, %swap3A_155], %select_n3A {strides = array<i32>} : memref<8x2048xf32, #tpu.memory_space<vmem>>, vector<16xf32>,
      }
      %scan3A_66 = arith.constant 128 : i32
      %broadcast_in_dim3A_67 = arith.constant 7 : i32
      %broadcast_in_dim3A_68 = vector.broadcast %broadcast_in_dim3A_67 : i32 to vector<16xi32>
      %scan3A_69 = arith.constant 0 : i32
      %scan3A_70 = arith.constant 0 : i32
      %scan3A_71 = arith.constant 128 : i32
      %scan3A_72 = arith.addi %scan3A_70, %scan3A_71 : i32
      %scan3A_73 = arith.constant 1 : i32
      scf.for %scan3A_143 = %scan3A_70 to %scan3A_72 step %scan3A_73  : i32 {
        %mul3A_144 = arith.constant 16 : i32
        %mul3A_145 = arith.muli %scan3A_143, %mul3A_144 : i32
        %multiple_of3A = tpu.assume_multiple %mul3A_145, 16 : i32
        %get3A = arith.constant 7 : i32
        %get3A_146 = arith.index_cast %get3A : i32 to index
        %get3A_147 = arith.index_cast %multiple_of3A : i32 to index
        %get3A_148 = tpu.vector_load %arg6[%get3A_146, %get3A_147] {strides = array<i32>} : memref<16x2048xi32, #tpu.memory_space<vmem>>, vector<16xi32>,
        %gather3A = tpu.vector_load_idx %arg5[%broadcast_in_dim3A_68, %get3A_148] : memref<16x4096xf32, #tpu.memory_space<vmem>>[vector<16xi32>, vector<16xi32>], vector<16xf32>,
        %gt3A = arith.constant 5.000000e-01 : f32
        %gt3A_149 = vector.broadcast %gt3A : f32 to vector<16xf32>
        %gt3A_150 = arith.cmpf ogt, %gather3A, %gt3A_149 : vector<16xf32>
        %jit3A = arith.constant 1.000000e+00 : f32
        %jit3A_151 = arith.constant 0.000000e+00 : f32
        %broadcast_in_dim3A_152 = vector.broadcast %jit3A : f32 to vector<16xf32>
        %broadcast_in_dim3A_153 = vector.broadcast %jit3A_151 : f32 to vector<16xf32>
        %select_n3A = arith.select %gt3A_150, %broadcast_in_dim3A_152, %broadcast_in_dim3A_153 : vector<16xi1>, vector<16xf32>
        %swap3A = arith.constant 7 : i32
        %swap3A_154 = arith.index_cast %swap3A : i32 to index
        %swap3A_155 = arith.index_cast %multiple_of3A : i32 to index
        %swap3A_156 = tpu.vector_load %arg7[%swap3A_154, %swap3A_155] {strides = array<i32>} : memref<8x2048xf32, #tpu.memory_space<vmem>>, vector<16xf32>,
        tpu.vector_store %arg7[%swap3A_154, %swap3A_155], %select_n3A {strides = array<i32>} : memref<8x2048xf32, #tpu.memory_space<vmem>>, vector<16xf32>,
      }
      %scan3A_74 = arith.constant 128 : i32
      %add3A_75 = arith.constant 0 : i32
      %add3A_76 = arith.addi %add3A_11, %add3A_75 : i32
      "tpu.region"() ({
        %run_scoped3A = tpu.sem_alloc : memref<!tpu.dma_semaphore, #tpu.memory_space<semaphore_mem>>
        %dma_start3A = arith.constant 0 : i32
        %dma_start3A_143 = tpu.memref_slice %arg4[%add3A_76, %dma_start3A] : memref<2048x2048xf32, #tpu.memory_space<hbm>> -> memref<8x2048xf32, #tpu.memory_space<hbm>>
        %dma_start3A_144 = arith.constant 0 : i32
        %dma_start3A_145 = tpu.memref_slice %arg4[%add3A_76, %dma_start3A_144] : memref<2048x2048xf32, #tpu.memory_space<hbm>> -> memref<8x2048xf32, #tpu.memory_space<hbm>>
        tpu.enqueue_dma source(%arg7 : memref<8x2048xf32, #tpu.memory_space<vmem>>) target(%dma_start3A_145 : memref<8x2048xf32, #tpu.memory_space<hbm>>) target_semaphore(%run_scoped3A : memref<!tpu.dma_semaphore, #tpu.memory_space<semaphore_mem>>)
        %dma_wait3A = arith.constant 0 : i32
        %dma_wait3A_146 = tpu.memref_slice %arg4[%add3A_76, %dma_wait3A] : memref<2048x2048xf32, #tpu.memory_space<hbm>> -> memref<8x2048xf32, #tpu.memory_space<hbm>>
        %dma_wait3A_147 = arith.constant 0 : i32
        %dma_wait3A_148 = tpu.memref_slice %arg4[%add3A_76, %dma_wait3A_147] : memref<2048x2048xf32, #tpu.memory_space<hbm>> -> memref<8x2048xf32, #tpu.memory_space<hbm>>
        tpu.wait_dma2 semaphore(%run_scoped3A : memref<!tpu.dma_semaphore, #tpu.memory_space<semaphore_mem>>) src(%arg7 : memref<8x2048xf32, #tpu.memory_space<vmem>>) dst(%dma_wait3A_148 : memref<8x2048xf32, #tpu.memory_space<hbm>>)
        tpu.yield
      }) : () -> ()
      %broadcast_in_dim3A_77 = arith.constant 8 : i32
      %broadcast_in_dim3A_78 = vector.broadcast %broadcast_in_dim3A_77 : i32 to vector<16xi32>
      %scan3A_79 = arith.constant 0 : i32
      %scan3A_80 = arith.constant 0 : i32
      %scan3A_81 = arith.constant 128 : i32
      %scan3A_82 = arith.addi %scan3A_80, %scan3A_81 : i32
      %scan3A_83 = arith.constant 1 : i32
      scf.for %scan3A_143 = %scan3A_80 to %scan3A_82 step %scan3A_83  : i32 {
        %mul3A_144 = arith.constant 16 : i32
        %mul3A_145 = arith.muli %scan3A_143, %mul3A_144 : i32
        %multiple_of3A = tpu.assume_multiple %mul3A_145, 16 : i32
        %get3A = arith.constant 8 : i32
        %get3A_146 = arith.index_cast %get3A : i32 to index
        %get3A_147 = arith.index_cast %multiple_of3A : i32 to index
        %get3A_148 = tpu.vector_load %arg6[%get3A_146, %get3A_147] {strides = array<i32>} : memref<16x2048xi32, #tpu.memory_space<vmem>>, vector<16xi32>,
        %gather3A = tpu.vector_load_idx %arg5[%broadcast_in_dim3A_78, %get3A_148] : memref<16x4096xf32, #tpu.memory_space<vmem>>[vector<16xi32>, vector<16xi32>], vector<16xf32>,
        %gt3A = arith.constant 5.000000e-01 : f32
        %gt3A_149 = vector.broadcast %gt3A : f32 to vector<16xf32>
        %gt3A_150 = arith.cmpf ogt, %gather3A, %gt3A_149 : vector<16xf32>
        %jit3A = arith.constant 1.000000e+00 : f32
        %jit3A_151 = arith.constant 0.000000e+00 : f32
        %broadcast_in_dim3A_152 = vector.broadcast %jit3A : f32 to vector<16xf32>
        %broadcast_in_dim3A_153 = vector.broadcast %jit3A_151 : f32 to vector<16xf32>
        %select_n3A = arith.select %gt3A_150, %broadcast_in_dim3A_152, %broadcast_in_dim3A_153 : vector<16xi1>, vector<16xf32>
        %swap3A = arith.constant 0 : i32
        %swap3A_154 = arith.index_cast %swap3A : i32 to index
        %swap3A_155 = arith.index_cast %multiple_of3A : i32 to index
        %swap3A_156 = tpu.vector_load %arg7[%swap3A_154, %swap3A_155] {strides = array<i32>} : memref<8x2048xf32, #tpu.memory_space<vmem>>, vector<16xf32>,
        tpu.vector_store %arg7[%swap3A_154, %swap3A_155], %select_n3A {strides = array<i32>} : memref<8x2048xf32, #tpu.memory_space<vmem>>, vector<16xf32>,
      }
      %scan3A_84 = arith.constant 128 : i32
      %broadcast_in_dim3A_85 = arith.constant 9 : i32
      %broadcast_in_dim3A_86 = vector.broadcast %broadcast_in_dim3A_85 : i32 to vector<16xi32>
      %scan3A_87 = arith.constant 0 : i32
      %scan3A_88 = arith.constant 0 : i32
      %scan3A_89 = arith.constant 128 : i32
      %scan3A_90 = arith.addi %scan3A_88, %scan3A_89 : i32
      %scan3A_91 = arith.constant 1 : i32
      scf.for %scan3A_143 = %scan3A_88 to %scan3A_90 step %scan3A_91  : i32 {
        %mul3A_144 = arith.constant 16 : i32
        %mul3A_145 = arith.muli %scan3A_143, %mul3A_144 : i32
        %multiple_of3A = tpu.assume_multiple %mul3A_145, 16 : i32
        %get3A = arith.constant 9 : i32
        %get3A_146 = arith.index_cast %get3A : i32 to index
        %get3A_147 = arith.index_cast %multiple_of3A : i32 to index
        %get3A_148 = tpu.vector_load %arg6[%get3A_146, %get3A_147] {strides = array<i32>} : memref<16x2048xi32, #tpu.memory_space<vmem>>, vector<16xi32>,
        %gather3A = tpu.vector_load_idx %arg5[%broadcast_in_dim3A_86, %get3A_148] : memref<16x4096xf32, #tpu.memory_space<vmem>>[vector<16xi32>, vector<16xi32>], vector<16xf32>,
        %gt3A = arith.constant 5.000000e-01 : f32
        %gt3A_149 = vector.broadcast %gt3A : f32 to vector<16xf32>
        %gt3A_150 = arith.cmpf ogt, %gather3A, %gt3A_149 : vector<16xf32>
        %jit3A = arith.constant 1.000000e+00 : f32
        %jit3A_151 = arith.constant 0.000000e+00 : f32
        %broadcast_in_dim3A_152 = vector.broadcast %jit3A : f32 to vector<16xf32>
        %broadcast_in_dim3A_153 = vector.broadcast %jit3A_151 : f32 to vector<16xf32>
        %select_n3A = arith.select %gt3A_150, %broadcast_in_dim3A_152, %broadcast_in_dim3A_153 : vector<16xi1>, vector<16xf32>
        %swap3A = arith.constant 1 : i32
        %swap3A_154 = arith.index_cast %swap3A : i32 to index
        %swap3A_155 = arith.index_cast %multiple_of3A : i32 to index
        %swap3A_156 = tpu.vector_load %arg7[%swap3A_154, %swap3A_155] {strides = array<i32>} : memref<8x2048xf32, #tpu.memory_space<vmem>>, vector<16xf32>,
        tpu.vector_store %arg7[%swap3A_154, %swap3A_155], %select_n3A {strides = array<i32>} : memref<8x2048xf32, #tpu.memory_space<vmem>>, vector<16xf32>,
      }
      %scan3A_92 = arith.constant 128 : i32
      %broadcast_in_dim3A_93 = arith.constant 10 : i32
      %broadcast_in_dim3A_94 = vector.broadcast %broadcast_in_dim3A_93 : i32 to vector<16xi32>
      %scan3A_95 = arith.constant 0 : i32
      %scan3A_96 = arith.constant 0 : i32
      %scan3A_97 = arith.constant 128 : i32
      %scan3A_98 = arith.addi %scan3A_96, %scan3A_97 : i32
      %scan3A_99 = arith.constant 1 : i32
      scf.for %scan3A_143 = %scan3A_96 to %scan3A_98 step %scan3A_99  : i32 {
        %mul3A_144 = arith.constant 16 : i32
        %mul3A_145 = arith.muli %scan3A_143, %mul3A_144 : i32
        %multiple_of3A = tpu.assume_multiple %mul3A_145, 16 : i32
        %get3A = arith.constant 10 : i32
        %get3A_146 = arith.index_cast %get3A : i32 to index
        %get3A_147 = arith.index_cast %multiple_of3A : i32 to index
        %get3A_148 = tpu.vector_load %arg6[%get3A_146, %get3A_147] {strides = array<i32>} : memref<16x2048xi32, #tpu.memory_space<vmem>>, vector<16xi32>,
        %gather3A = tpu.vector_load_idx %arg5[%broadcast_in_dim3A_94, %get3A_148] : memref<16x4096xf32, #tpu.memory_space<vmem>>[vector<16xi32>, vector<16xi32>], vector<16xf32>,
        %gt3A = arith.constant 5.000000e-01 : f32
        %gt3A_149 = vector.broadcast %gt3A : f32 to vector<16xf32>
        %gt3A_150 = arith.cmpf ogt, %gather3A, %gt3A_149 : vector<16xf32>
        %jit3A = arith.constant 1.000000e+00 : f32
        %jit3A_151 = arith.constant 0.000000e+00 : f32
        %broadcast_in_dim3A_152 = vector.broadcast %jit3A : f32 to vector<16xf32>
        %broadcast_in_dim3A_153 = vector.broadcast %jit3A_151 : f32 to vector<16xf32>
        %select_n3A = arith.select %gt3A_150, %broadcast_in_dim3A_152, %broadcast_in_dim3A_153 : vector<16xi1>, vector<16xf32>
        %swap3A = arith.constant 2 : i32
        %swap3A_154 = arith.index_cast %swap3A : i32 to index
        %swap3A_155 = arith.index_cast %multiple_of3A : i32 to index
        %swap3A_156 = tpu.vector_load %arg7[%swap3A_154, %swap3A_155] {strides = array<i32>} : memref<8x2048xf32, #tpu.memory_space<vmem>>, vector<16xf32>,
        tpu.vector_store %arg7[%swap3A_154, %swap3A_155], %select_n3A {strides = array<i32>} : memref<8x2048xf32, #tpu.memory_space<vmem>>, vector<16xf32>,
      }
      %scan3A_100 = arith.constant 128 : i32
      %broadcast_in_dim3A_101 = arith.constant 11 : i32
      %broadcast_in_dim3A_102 = vector.broadcast %broadcast_in_dim3A_101 : i32 to vector<16xi32>
      %scan3A_103 = arith.constant 0 : i32
      %scan3A_104 = arith.constant 0 : i32
      %scan3A_105 = arith.constant 128 : i32
      %scan3A_106 = arith.addi %scan3A_104, %scan3A_105 : i32
      %scan3A_107 = arith.constant 1 : i32
      scf.for %scan3A_143 = %scan3A_104 to %scan3A_106 step %scan3A_107  : i32 {
        %mul3A_144 = arith.constant 16 : i32
        %mul3A_145 = arith.muli %scan3A_143, %mul3A_144 : i32
        %multiple_of3A = tpu.assume_multiple %mul3A_145, 16 : i32
        %get3A = arith.constant 11 : i32
        %get3A_146 = arith.index_cast %get3A : i32 to index
        %get3A_147 = arith.index_cast %multiple_of3A : i32 to index
        %get3A_148 = tpu.vector_load %arg6[%get3A_146, %get3A_147] {strides = array<i32>} : memref<16x2048xi32, #tpu.memory_space<vmem>>, vector<16xi32>,
        %gather3A = tpu.vector_load_idx %arg5[%broadcast_in_dim3A_102, %get3A_148] : memref<16x4096xf32, #tpu.memory_space<vmem>>[vector<16xi32>, vector<16xi32>], vector<16xf32>,
        %gt3A = arith.constant 5.000000e-01 : f32
        %gt3A_149 = vector.broadcast %gt3A : f32 to vector<16xf32>
        %gt3A_150 = arith.cmpf ogt, %gather3A, %gt3A_149 : vector<16xf32>
        %jit3A = arith.constant 1.000000e+00 : f32
        %jit3A_151 = arith.constant 0.000000e+00 : f32
        %broadcast_in_dim3A_152 = vector.broadcast %jit3A : f32 to vector<16xf32>
        %broadcast_in_dim3A_153 = vector.broadcast %jit3A_151 : f32 to vector<16xf32>
        %select_n3A = arith.select %gt3A_150, %broadcast_in_dim3A_152, %broadcast_in_dim3A_153 : vector<16xi1>, vector<16xf32>
        %swap3A = arith.constant 3 : i32
        %swap3A_154 = arith.index_cast %swap3A : i32 to index
        %swap3A_155 = arith.index_cast %multiple_of3A : i32 to index
        %swap3A_156 = tpu.vector_load %arg7[%swap3A_154, %swap3A_155] {strides = array<i32>} : memref<8x2048xf32, #tpu.memory_space<vmem>>, vector<16xf32>,
        tpu.vector_store %arg7[%swap3A_154, %swap3A_155], %select_n3A {strides = array<i32>} : memref<8x2048xf32, #tpu.memory_space<vmem>>, vector<16xf32>,
      }
      %scan3A_108 = arith.constant 128 : i32
      %broadcast_in_dim3A_109 = arith.constant 12 : i32
      %broadcast_in_dim3A_110 = vector.broadcast %broadcast_in_dim3A_109 : i32 to vector<16xi32>
      %scan3A_111 = arith.constant 0 : i32
      %scan3A_112 = arith.constant 0 : i32
      %scan3A_113 = arith.constant 128 : i32
      %scan3A_114 = arith.addi %scan3A_112, %scan3A_113 : i32
      %scan3A_115 = arith.constant 1 : i32
      scf.for %scan3A_143 = %scan3A_112 to %scan3A_114 step %scan3A_115  : i32 {
        %mul3A_144 = arith.constant 16 : i32
        %mul3A_145 = arith.muli %scan3A_143, %mul3A_144 : i32
        %multiple_of3A = tpu.assume_multiple %mul3A_145, 16 : i32
        %get3A = arith.constant 12 : i32
        %get3A_146 = arith.index_cast %get3A : i32 to index
        %get3A_147 = arith.index_cast %multiple_of3A : i32 to index
        %get3A_148 = tpu.vector_load %arg6[%get3A_146, %get3A_147] {strides = array<i32>} : memref<16x2048xi32, #tpu.memory_space<vmem>>, vector<16xi32>,
        %gather3A = tpu.vector_load_idx %arg5[%broadcast_in_dim3A_110, %get3A_148] : memref<16x4096xf32, #tpu.memory_space<vmem>>[vector<16xi32>, vector<16xi32>], vector<16xf32>,
        %gt3A = arith.constant 5.000000e-01 : f32
        %gt3A_149 = vector.broadcast %gt3A : f32 to vector<16xf32>
        %gt3A_150 = arith.cmpf ogt, %gather3A, %gt3A_149 : vector<16xf32>
        %jit3A = arith.constant 1.000000e+00 : f32
        %jit3A_151 = arith.constant 0.000000e+00 : f32
        %broadcast_in_dim3A_152 = vector.broadcast %jit3A : f32 to vector<16xf32>
        %broadcast_in_dim3A_153 = vector.broadcast %jit3A_151 : f32 to vector<16xf32>
        %select_n3A = arith.select %gt3A_150, %broadcast_in_dim3A_152, %broadcast_in_dim3A_153 : vector<16xi1>, vector<16xf32>
        %swap3A = arith.constant 4 : i32
        %swap3A_154 = arith.index_cast %swap3A : i32 to index
        %swap3A_155 = arith.index_cast %multiple_of3A : i32 to index
        %swap3A_156 = tpu.vector_load %arg7[%swap3A_154, %swap3A_155] {strides = array<i32>} : memref<8x2048xf32, #tpu.memory_space<vmem>>, vector<16xf32>,
        tpu.vector_store %arg7[%swap3A_154, %swap3A_155], %select_n3A {strides = array<i32>} : memref<8x2048xf32, #tpu.memory_space<vmem>>, vector<16xf32>,
      }
      %scan3A_116 = arith.constant 128 : i32
      %broadcast_in_dim3A_117 = arith.constant 13 : i32
      %broadcast_in_dim3A_118 = vector.broadcast %broadcast_in_dim3A_117 : i32 to vector<16xi32>
      %scan3A_119 = arith.constant 0 : i32
      %scan3A_120 = arith.constant 0 : i32
      %scan3A_121 = arith.constant 128 : i32
      %scan3A_122 = arith.addi %scan3A_120, %scan3A_121 : i32
      %scan3A_123 = arith.constant 1 : i32
      scf.for %scan3A_143 = %scan3A_120 to %scan3A_122 step %scan3A_123  : i32 {
        %mul3A_144 = arith.constant 16 : i32
        %mul3A_145 = arith.muli %scan3A_143, %mul3A_144 : i32
        %multiple_of3A = tpu.assume_multiple %mul3A_145, 16 : i32
        %get3A = arith.constant 13 : i32
        %get3A_146 = arith.index_cast %get3A : i32 to index
        %get3A_147 = arith.index_cast %multiple_of3A : i32 to index
        %get3A_148 = tpu.vector_load %arg6[%get3A_146, %get3A_147] {strides = array<i32>} : memref<16x2048xi32, #tpu.memory_space<vmem>>, vector<16xi32>,
        %gather3A = tpu.vector_load_idx %arg5[%broadcast_in_dim3A_118, %get3A_148] : memref<16x4096xf32, #tpu.memory_space<vmem>>[vector<16xi32>, vector<16xi32>], vector<16xf32>,
        %gt3A = arith.constant 5.000000e-01 : f32
        %gt3A_149 = vector.broadcast %gt3A : f32 to vector<16xf32>
        %gt3A_150 = arith.cmpf ogt, %gather3A, %gt3A_149 : vector<16xf32>
        %jit3A = arith.constant 1.000000e+00 : f32
        %jit3A_151 = arith.constant 0.000000e+00 : f32
        %broadcast_in_dim3A_152 = vector.broadcast %jit3A : f32 to vector<16xf32>
        %broadcast_in_dim3A_153 = vector.broadcast %jit3A_151 : f32 to vector<16xf32>
        %select_n3A = arith.select %gt3A_150, %broadcast_in_dim3A_152, %broadcast_in_dim3A_153 : vector<16xi1>, vector<16xf32>
        %swap3A = arith.constant 5 : i32
        %swap3A_154 = arith.index_cast %swap3A : i32 to index
        %swap3A_155 = arith.index_cast %multiple_of3A : i32 to index
        %swap3A_156 = tpu.vector_load %arg7[%swap3A_154, %swap3A_155] {strides = array<i32>} : memref<8x2048xf32, #tpu.memory_space<vmem>>, vector<16xf32>,
        tpu.vector_store %arg7[%swap3A_154, %swap3A_155], %select_n3A {strides = array<i32>} : memref<8x2048xf32, #tpu.memory_space<vmem>>, vector<16xf32>,
      }
      %scan3A_124 = arith.constant 128 : i32
      %broadcast_in_dim3A_125 = arith.constant 14 : i32
      %broadcast_in_dim3A_126 = vector.broadcast %broadcast_in_dim3A_125 : i32 to vector<16xi32>
      %scan3A_127 = arith.constant 0 : i32
      %scan3A_128 = arith.constant 0 : i32
      %scan3A_129 = arith.constant 128 : i32
      %scan3A_130 = arith.addi %scan3A_128, %scan3A_129 : i32
      %scan3A_131 = arith.constant 1 : i32
      scf.for %scan3A_143 = %scan3A_128 to %scan3A_130 step %scan3A_131  : i32 {
        %mul3A_144 = arith.constant 16 : i32
        %mul3A_145 = arith.muli %scan3A_143, %mul3A_144 : i32
        %multiple_of3A = tpu.assume_multiple %mul3A_145, 16 : i32
        %get3A = arith.constant 14 : i32
        %get3A_146 = arith.index_cast %get3A : i32 to index
        %get3A_147 = arith.index_cast %multiple_of3A : i32 to index
        %get3A_148 = tpu.vector_load %arg6[%get3A_146, %get3A_147] {strides = array<i32>} : memref<16x2048xi32, #tpu.memory_space<vmem>>, vector<16xi32>,
        %gather3A = tpu.vector_load_idx %arg5[%broadcast_in_dim3A_126, %get3A_148] : memref<16x4096xf32, #tpu.memory_space<vmem>>[vector<16xi32>, vector<16xi32>], vector<16xf32>,
        %gt3A = arith.constant 5.000000e-01 : f32
        %gt3A_149 = vector.broadcast %gt3A : f32 to vector<16xf32>
        %gt3A_150 = arith.cmpf ogt, %gather3A, %gt3A_149 : vector<16xf32>
        %jit3A = arith.constant 1.000000e+00 : f32
        %jit3A_151 = arith.constant 0.000000e+00 : f32
        %broadcast_in_dim3A_152 = vector.broadcast %jit3A : f32 to vector<16xf32>
        %broadcast_in_dim3A_153 = vector.broadcast %jit3A_151 : f32 to vector<16xf32>
        %select_n3A = arith.select %gt3A_150, %broadcast_in_dim3A_152, %broadcast_in_dim3A_153 : vector<16xi1>, vector<16xf32>
        %swap3A = arith.constant 6 : i32
        %swap3A_154 = arith.index_cast %swap3A : i32 to index
        %swap3A_155 = arith.index_cast %multiple_of3A : i32 to index
        %swap3A_156 = tpu.vector_load %arg7[%swap3A_154, %swap3A_155] {strides = array<i32>} : memref<8x2048xf32, #tpu.memory_space<vmem>>, vector<16xf32>,
        tpu.vector_store %arg7[%swap3A_154, %swap3A_155], %select_n3A {strides = array<i32>} : memref<8x2048xf32, #tpu.memory_space<vmem>>, vector<16xf32>,
      }
      %scan3A_132 = arith.constant 128 : i32
      %broadcast_in_dim3A_133 = arith.constant 15 : i32
      %broadcast_in_dim3A_134 = vector.broadcast %broadcast_in_dim3A_133 : i32 to vector<16xi32>
      %scan3A_135 = arith.constant 0 : i32
      %scan3A_136 = arith.constant 0 : i32
      %scan3A_137 = arith.constant 128 : i32
      %scan3A_138 = arith.addi %scan3A_136, %scan3A_137 : i32
      %scan3A_139 = arith.constant 1 : i32
      scf.for %scan3A_143 = %scan3A_136 to %scan3A_138 step %scan3A_139  : i32 {
        %mul3A_144 = arith.constant 16 : i32
        %mul3A_145 = arith.muli %scan3A_143, %mul3A_144 : i32
        %multiple_of3A = tpu.assume_multiple %mul3A_145, 16 : i32
        %get3A = arith.constant 15 : i32
        %get3A_146 = arith.index_cast %get3A : i32 to index
        %get3A_147 = arith.index_cast %multiple_of3A : i32 to index
        %get3A_148 = tpu.vector_load %arg6[%get3A_146, %get3A_147] {strides = array<i32>} : memref<16x2048xi32, #tpu.memory_space<vmem>>, vector<16xi32>,
        %gather3A = tpu.vector_load_idx %arg5[%broadcast_in_dim3A_134, %get3A_148] : memref<16x4096xf32, #tpu.memory_space<vmem>>[vector<16xi32>, vector<16xi32>], vector<16xf32>,
        %gt3A = arith.constant 5.000000e-01 : f32
        %gt3A_149 = vector.broadcast %gt3A : f32 to vector<16xf32>
        %gt3A_150 = arith.cmpf ogt, %gather3A, %gt3A_149 : vector<16xf32>
        %jit3A = arith.constant 1.000000e+00 : f32
        %jit3A_151 = arith.constant 0.000000e+00 : f32
        %broadcast_in_dim3A_152 = vector.broadcast %jit3A : f32 to vector<16xf32>
        %broadcast_in_dim3A_153 = vector.broadcast %jit3A_151 : f32 to vector<16xf32>
        %select_n3A = arith.select %gt3A_150, %broadcast_in_dim3A_152, %broadcast_in_dim3A_153 : vector<16xi1>, vector<16xf32>
        %swap3A = arith.constant 7 : i32
        %swap3A_154 = arith.index_cast %swap3A : i32 to index
        %swap3A_155 = arith.index_cast %multiple_of3A : i32 to index
        %swap3A_156 = tpu.vector_load %arg7[%swap3A_154, %swap3A_155] {strides = array<i32>} : memref<8x2048xf32, #tpu.memory_space<vmem>>, vector<16xf32>,
        tpu.vector_store %arg7[%swap3A_154, %swap3A_155], %select_n3A {strides = array<i32>} : memref<8x2048xf32, #tpu.memory_space<vmem>>, vector<16xf32>,
      }
      %scan3A_140 = arith.constant 128 : i32
      %add3A_141 = arith.constant 8 : i32
      %add3A_142 = arith.addi %add3A_11, %add3A_141 : i32
      "tpu.region"() ({
        %run_scoped3A = tpu.sem_alloc : memref<!tpu.dma_semaphore, #tpu.memory_space<semaphore_mem>>
        %dma_start3A = arith.constant 0 : i32
        %dma_start3A_143 = tpu.memref_slice %arg4[%add3A_142, %dma_start3A] : memref<2048x2048xf32, #tpu.memory_space<hbm>> -> memref<8x2048xf32, #tpu.memory_space<hbm>>
        %dma_start3A_144 = arith.constant 0 : i32
        %dma_start3A_145 = tpu.memref_slice %arg4[%add3A_142, %dma_start3A_144] : memref<2048x2048xf32, #tpu.memory_space<hbm>> -> memref<8x2048xf32, #tpu.memory_space<hbm>>
        tpu.enqueue_dma source(%arg7 : memref<8x2048xf32, #tpu.memory_space<vmem>>) target(%dma_start3A_145 : memref<8x2048xf32, #tpu.memory_space<hbm>>) target_semaphore(%run_scoped3A : memref<!tpu.dma_semaphore, #tpu.memory_space<semaphore_mem>>)
        %dma_wait3A = arith.constant 0 : i32
        %dma_wait3A_146 = tpu.memref_slice %arg4[%add3A_142, %dma_wait3A] : memref<2048x2048xf32, #tpu.memory_space<hbm>> -> memref<8x2048xf32, #tpu.memory_space<hbm>>
        %dma_wait3A_147 = arith.constant 0 : i32
        %dma_wait3A_148 = tpu.memref_slice %arg4[%add3A_142, %dma_wait3A_147] : memref<2048x2048xf32, #tpu.memory_space<hbm>> -> memref<8x2048xf32, #tpu.memory_space<hbm>>
        tpu.wait_dma2 semaphore(%run_scoped3A : memref<!tpu.dma_semaphore, #tpu.memory_space<semaphore_mem>>) src(%arg7 : memref<8x2048xf32, #tpu.memory_space<vmem>>) dst(%dma_wait3A_148 : memref<8x2048xf32, #tpu.memory_space<hbm>>)
        tpu.yield
      }) : () -> ()
    }
    %scan3A_7 = arith.constant 4 : i32
    return
  }
}

#map = affine_map<(d0, d1) -> (0, 0)>
module attributes {stable_mosaic.version = 14 : i64} {
  func.func @k(%arg0: i32, %arg1: i32, %arg2: memref<20x4096xf32, #tpu.memory_space<hbm>>, %arg3: memref<32x2048xi32, #tpu.memory_space<hbm>>, %arg4: memref<20x2048xf32, #tpu.memory_space<hbm>>, %arg5: memref<1x4096xf32, #tpu.memory_space<vmem>>, %arg6: memref<1x2048xi32, #tpu.memory_space<vmem>>, %arg7: memref<1x2048xf32, #tpu.memory_space<vmem>>) attributes {dimension_semantics = [#tpu.dimension_semantics<core_parallel>, #tpu.dimension_semantics<subcore_parallel>], iteration_bounds = array<i64: 2, 16>, scalar_prefetch = 0 : i64, scratch_operands = 3 : i64, tpu.core_type = #tpu.core_type<sc_vector_subcore>, window_params = [{transform_indices = #map}, {transform_indices = #map}, {transform_indices = #map}]} {
    %mul3A = arith.constant 2 : i32
    %mul3A_0 = arith.muli %arg1, %mul3A : i32
    %add3A = arith.addi %mul3A_0, %arg0 : i32
    %lt3A = arith.constant 20 : i32
    %lt3A_1 = arith.cmpi slt, %add3A, %lt3A : i32
    %convert_element_type3A = arith.extui %lt3A_1 : i1 to i32
    %cond3A = arith.constant 0 : i32
    %cond3A_2 = arith.cmpi ne, %convert_element_type3A, %cond3A : i32
    scf.if %cond3A_2 {
      "tpu.region"() ({
        %run_scoped3A = tpu.sem_alloc : memref<!tpu.dma_semaphore, #tpu.memory_space<semaphore_mem>>
        %dma_start3A = arith.constant 0 : i32
        %dma_start3A_9 = tpu.memref_slice %arg2[%add3A, %dma_start3A] : memref<20x4096xf32, #tpu.memory_space<hbm>> -> memref<1x4096xf32, #tpu.memory_space<hbm>>
        %dma_start3A_10 = arith.constant 0 : i32
        %dma_start3A_11 = tpu.memref_slice %arg2[%add3A, %dma_start3A_10] : memref<20x4096xf32, #tpu.memory_space<hbm>> -> memref<1x4096xf32, #tpu.memory_space<hbm>>
        tpu.enqueue_dma source(%dma_start3A_11 : memref<1x4096xf32, #tpu.memory_space<hbm>>) target(%arg5 : memref<1x4096xf32, #tpu.memory_space<vmem>>) target_semaphore(%run_scoped3A : memref<!tpu.dma_semaphore, #tpu.memory_space<semaphore_mem>>)
        %dma_wait3A = arith.constant 0 : i32
        %dma_wait3A_12 = tpu.memref_slice %arg2[%add3A, %dma_wait3A] : memref<20x4096xf32, #tpu.memory_space<hbm>> -> memref<1x4096xf32, #tpu.memory_space<hbm>>
        %dma_wait3A_13 = arith.constant 0 : i32
        %dma_wait3A_14 = tpu.memref_slice %arg2[%add3A, %dma_wait3A_13] : memref<20x4096xf32, #tpu.memory_space<hbm>> -> memref<1x4096xf32, #tpu.memory_space<hbm>>
        tpu.wait_dma2 semaphore(%run_scoped3A : memref<!tpu.dma_semaphore, #tpu.memory_space<semaphore_mem>>) src(%dma_wait3A_14 : memref<1x4096xf32, #tpu.memory_space<hbm>>) dst(%arg5 : memref<1x4096xf32, #tpu.memory_space<vmem>>)
        tpu.yield
      }) : () -> ()
      "tpu.region"() ({
        %run_scoped3A = tpu.sem_alloc : memref<!tpu.dma_semaphore, #tpu.memory_space<semaphore_mem>>
        %dma_start3A = arith.constant 0 : i32
        %dma_start3A_9 = tpu.memref_slice %arg3[%add3A, %dma_start3A] : memref<32x2048xi32, #tpu.memory_space<hbm>> -> memref<1x2048xi32, #tpu.memory_space<hbm>>
        %dma_start3A_10 = arith.constant 0 : i32
        %dma_start3A_11 = tpu.memref_slice %arg3[%add3A, %dma_start3A_10] : memref<32x2048xi32, #tpu.memory_space<hbm>> -> memref<1x2048xi32, #tpu.memory_space<hbm>>
        tpu.enqueue_dma source(%dma_start3A_11 : memref<1x2048xi32, #tpu.memory_space<hbm>>) target(%arg6 : memref<1x2048xi32, #tpu.memory_space<vmem>>) target_semaphore(%run_scoped3A : memref<!tpu.dma_semaphore, #tpu.memory_space<semaphore_mem>>)
        %dma_wait3A = arith.constant 0 : i32
        %dma_wait3A_12 = tpu.memref_slice %arg3[%add3A, %dma_wait3A] : memref<32x2048xi32, #tpu.memory_space<hbm>> -> memref<1x2048xi32, #tpu.memory_space<hbm>>
        %dma_wait3A_13 = arith.constant 0 : i32
        %dma_wait3A_14 = tpu.memref_slice %arg3[%add3A, %dma_wait3A_13] : memref<32x2048xi32, #tpu.memory_space<hbm>> -> memref<1x2048xi32, #tpu.memory_space<hbm>>
        tpu.wait_dma2 semaphore(%run_scoped3A : memref<!tpu.dma_semaphore, #tpu.memory_space<semaphore_mem>>) src(%dma_wait3A_14 : memref<1x2048xi32, #tpu.memory_space<hbm>>) dst(%arg6 : memref<1x2048xi32, #tpu.memory_space<vmem>>)
        tpu.yield
      }) : () -> ()
      %broadcast_in_dim3A = arith.constant 0 : i32
      %broadcast_in_dim3A_3 = vector.broadcast %broadcast_in_dim3A : i32 to vector<16xi32>
      %scan3A = arith.constant 0 : i32
      %scan3A_4 = arith.constant 0 : i32
      %scan3A_5 = arith.constant 128 : i32
      %scan3A_6 = arith.addi %scan3A_4, %scan3A_5 : i32
      %scan3A_7 = arith.constant 1 : i32
      scf.for %scan3A_9 = %scan3A_4 to %scan3A_6 step %scan3A_7  : i32 {
        %mul3A_10 = arith.constant 16 : i32
        %mul3A_11 = arith.muli %scan3A_9, %mul3A_10 : i32
        %multiple_of3A = tpu.assume_multiple %mul3A_11, 16 : i32
        %get3A = arith.constant 0 : i32
        %get3A_12 = arith.index_cast %get3A : i32 to index
        %get3A_13 = arith.index_cast %multiple_of3A : i32 to index
        %get3A_14 = tpu.vector_load %arg6[%get3A_12, %get3A_13] {strides = array<i32>} : memref<1x2048xi32, #tpu.memory_space<vmem>>, vector<16xi32>,
        %gather3A = tpu.vector_load_idx %arg5[%broadcast_in_dim3A_3, %get3A_14] : memref<1x4096xf32, #tpu.memory_space<vmem>>[vector<16xi32>, vector<16xi32>], vector<16xf32>,
        %swap3A = arith.constant 0 : i32
        %swap3A_15 = arith.index_cast %swap3A : i32 to index
        %swap3A_16 = arith.index_cast %multiple_of3A : i32 to index
        %swap3A_17 = tpu.vector_load %arg7[%swap3A_15, %swap3A_16] {strides = array<i32>} : memref<1x2048xf32, #tpu.memory_space<vmem>>, vector<16xf32>,
        tpu.vector_store %arg7[%swap3A_15, %swap3A_16], %gather3A {strides = array<i32>} : memref<1x2048xf32, #tpu.memory_space<vmem>>, vector<16xf32>,
      }
      %scan3A_8 = arith.constant 128 : i32
      "tpu.region"() ({
        %run_scoped3A = tpu.sem_alloc : memref<!tpu.dma_semaphore, #tpu.memory_space<semaphore_mem>>
        %dma_start3A = arith.constant 0 : i32
        %dma_start3A_9 = tpu.memref_slice %arg4[%add3A, %dma_start3A] : memref<20x2048xf32, #tpu.memory_space<hbm>> -> memref<1x2048xf32, #tpu.memory_space<hbm>>
        %dma_start3A_10 = arith.constant 0 : i32
        %dma_start3A_11 = tpu.memref_slice %arg4[%add3A, %dma_start3A_10] : memref<20x2048xf32, #tpu.memory_space<hbm>> -> memref<1x2048xf32, #tpu.memory_space<hbm>>
        tpu.enqueue_dma source(%arg7 : memref<1x2048xf32, #tpu.memory_space<vmem>>) target(%dma_start3A_11 : memref<1x2048xf32, #tpu.memory_space<hbm>>) target_semaphore(%run_scoped3A : memref<!tpu.dma_semaphore, #tpu.memory_space<semaphore_mem>>)
        %dma_wait3A = arith.constant 0 : i32
        %dma_wait3A_12 = tpu.memref_slice %arg4[%add3A, %dma_wait3A] : memref<20x2048xf32, #tpu.memory_space<hbm>> -> memref<1x2048xf32, #tpu.memory_space<hbm>>
        %dma_wait3A_13 = arith.constant 0 : i32
        %dma_wait3A_14 = tpu.memref_slice %arg4[%add3A, %dma_wait3A_13] : memref<20x2048xf32, #tpu.memory_space<hbm>> -> memref<1x2048xf32, #tpu.memory_space<hbm>>
        tpu.wait_dma2 semaphore(%run_scoped3A : memref<!tpu.dma_semaphore, #tpu.memory_space<semaphore_mem>>) src(%arg7 : memref<1x2048xf32, #tpu.memory_space<vmem>>) dst(%dma_wait3A_14 : memref<1x2048xf32, #tpu.memory_space<hbm>>)
        tpu.yield
      }) : () -> ()
    } else {
    }
    return
  }
}

module attributes {stable_mosaic.version = 14 : i64} {
  func.func @kern(%arg0: i32, %arg1: memref<512x12xi32, #tpu.memory_space<vmem>>, %arg2: memref<80x2048xf32, #tpu.memory_space<vmem>>, %arg3: memref<512x2048xi32, #tpu.memory_space<vmem>>) attributes {dimension_semantics = [#tpu.dimension_semantics<arbitrary>], iteration_bounds = array<i64: 4>, scalar_prefetch = 0 : i64, scratch_operands = 0 : i64, tpu.core_type = #tpu.core_type<tc>, window_params = [{transform_indices = @transform_0, window_bounds = array<i64: 512, 12>}, {pipeline_mode = #tpu.pipeline_mode<synchronous>, transform_indices = @transform_1, window_bounds = array<i64: 80, 2048>}, {transform_indices = @transform_2, window_bounds = array<i64: 512, 2048>}]} {
    %get3A = arith.constant 0 : index
    %get3A_0 = arith.constant 0 : index
    %get3A_1 = vector.load %arg1[%get3A, %get3A_0] : memref<512x12xi32, #tpu.memory_space<vmem>>, vector<512x12xi32>
    %iota3A = tpu.iota {dimensions = array<i32: 1>} : vector<512x80xi32>
    %broadcast_in_dim3A = arith.constant 0.000000e+00 : f32
    %broadcast_in_dim3A_2 = vector.broadcast %broadcast_in_dim3A : f32 to vector<512x80xf32>
    %broadcast_in_dim3A_3 = arith.constant 0.000000e+00 : f32
    %broadcast_in_dim3A_4 = vector.broadcast %broadcast_in_dim3A_3 : f32 to vector<512x80xf32>
    %slice3A = vector.extract_strided_slice %get3A_1 {offsets = [0, 0], sizes = [512, 1], strides = [1, 1]} : vector<512x12xi32> to vector<512x1xi32>
    %eq3A = vector.broadcast %slice3A : vector<512x1xi32> to vector<512x80xi32>
    %eq3A_5 = arith.cmpi eq, %eq3A, %iota3A : vector<512x80xi32>
    %jit3A = arith.constant 3.200000e+01 : f32
    %jit3A_6 = arith.constant 0.000000e+00 : f32
    %broadcast_in_dim3A_7 = vector.broadcast %jit3A : f32 to vector<512x80xf32>
    %broadcast_in_dim3A_8 = vector.broadcast %jit3A_6 : f32 to vector<512x80xf32>
    %select_n3A = arith.select %eq3A_5, %broadcast_in_dim3A_7, %broadcast_in_dim3A_8 : vector<512x80xi1>, vector<512x80xf32>
    %add3A = arith.addf %broadcast_in_dim3A_2, %select_n3A : vector<512x80xf32>
    %slice3A_9 = vector.extract_strided_slice %get3A_1 {offsets = [0, 1], sizes = [512, 1], strides = [1, 1]} : vector<512x12xi32> to vector<512x1xi32>
    %eq3A_10 = vector.broadcast %slice3A_9 : vector<512x1xi32> to vector<512x80xi32>
    %eq3A_11 = arith.cmpi eq, %eq3A_10, %iota3A : vector<512x80xi32>
    %jit3A_12 = arith.constant 1.600000e+01 : f32
    %jit3A_13 = arith.constant 0.000000e+00 : f32
    %broadcast_in_dim3A_14 = vector.broadcast %jit3A_12 : f32 to vector<512x80xf32>
    %broadcast_in_dim3A_15 = vector.broadcast %jit3A_13 : f32 to vector<512x80xf32>
    %select_n3A_16 = arith.select %eq3A_11, %broadcast_in_dim3A_14, %broadcast_in_dim3A_15 : vector<512x80xi1>, vector<512x80xf32>
    %add3A_17 = arith.addf %add3A, %select_n3A_16 : vector<512x80xf32>
    %slice3A_18 = vector.extract_strided_slice %get3A_1 {offsets = [0, 2], sizes = [512, 1], strides = [1, 1]} : vector<512x12xi32> to vector<512x1xi32>
    %eq3A_19 = vector.broadcast %slice3A_18 : vector<512x1xi32> to vector<512x80xi32>
    %eq3A_20 = arith.cmpi eq, %eq3A_19, %iota3A : vector<512x80xi32>
    %jit3A_21 = arith.constant 8.000000e+00 : f32
    %jit3A_22 = arith.constant 0.000000e+00 : f32
    %broadcast_in_dim3A_23 = vector.broadcast %jit3A_21 : f32 to vector<512x80xf32>
    %broadcast_in_dim3A_24 = vector.broadcast %jit3A_22 : f32 to vector<512x80xf32>
    %select_n3A_25 = arith.select %eq3A_20, %broadcast_in_dim3A_23, %broadcast_in_dim3A_24 : vector<512x80xi1>, vector<512x80xf32>
    %add3A_26 = arith.addf %add3A_17, %select_n3A_25 : vector<512x80xf32>
    %slice3A_27 = vector.extract_strided_slice %get3A_1 {offsets = [0, 3], sizes = [512, 1], strides = [1, 1]} : vector<512x12xi32> to vector<512x1xi32>
    %eq3A_28 = vector.broadcast %slice3A_27 : vector<512x1xi32> to vector<512x80xi32>
    %eq3A_29 = arith.cmpi eq, %eq3A_28, %iota3A : vector<512x80xi32>
    %jit3A_30 = arith.constant 4.000000e+00 : f32
    %jit3A_31 = arith.constant 0.000000e+00 : f32
    %broadcast_in_dim3A_32 = vector.broadcast %jit3A_30 : f32 to vector<512x80xf32>
    %broadcast_in_dim3A_33 = vector.broadcast %jit3A_31 : f32 to vector<512x80xf32>
    %select_n3A_34 = arith.select %eq3A_29, %broadcast_in_dim3A_32, %broadcast_in_dim3A_33 : vector<512x80xi1>, vector<512x80xf32>
    %add3A_35 = arith.addf %add3A_26, %select_n3A_34 : vector<512x80xf32>
    %slice3A_36 = vector.extract_strided_slice %get3A_1 {offsets = [0, 4], sizes = [512, 1], strides = [1, 1]} : vector<512x12xi32> to vector<512x1xi32>
    %eq3A_37 = vector.broadcast %slice3A_36 : vector<512x1xi32> to vector<512x80xi32>
    %eq3A_38 = arith.cmpi eq, %eq3A_37, %iota3A : vector<512x80xi32>
    %jit3A_39 = arith.constant 2.000000e+00 : f32
    %jit3A_40 = arith.constant 0.000000e+00 : f32
    %broadcast_in_dim3A_41 = vector.broadcast %jit3A_39 : f32 to vector<512x80xf32>
    %broadcast_in_dim3A_42 = vector.broadcast %jit3A_40 : f32 to vector<512x80xf32>
    %select_n3A_43 = arith.select %eq3A_38, %broadcast_in_dim3A_41, %broadcast_in_dim3A_42 : vector<512x80xi1>, vector<512x80xf32>
    %add3A_44 = arith.addf %add3A_35, %select_n3A_43 : vector<512x80xf32>
    %slice3A_45 = vector.extract_strided_slice %get3A_1 {offsets = [0, 5], sizes = [512, 1], strides = [1, 1]} : vector<512x12xi32> to vector<512x1xi32>
    %eq3A_46 = vector.broadcast %slice3A_45 : vector<512x1xi32> to vector<512x80xi32>
    %eq3A_47 = arith.cmpi eq, %eq3A_46, %iota3A : vector<512x80xi32>
    %jit3A_48 = arith.constant 1.000000e+00 : f32
    %jit3A_49 = arith.constant 0.000000e+00 : f32
    %broadcast_in_dim3A_50 = vector.broadcast %jit3A_48 : f32 to vector<512x80xf32>
    %broadcast_in_dim3A_51 = vector.broadcast %jit3A_49 : f32 to vector<512x80xf32>
    %select_n3A_52 = arith.select %eq3A_47, %broadcast_in_dim3A_50, %broadcast_in_dim3A_51 : vector<512x80xi1>, vector<512x80xf32>
    %add3A_53 = arith.addf %add3A_44, %select_n3A_52 : vector<512x80xf32>
    %slice3A_54 = vector.extract_strided_slice %get3A_1 {offsets = [0, 6], sizes = [512, 1], strides = [1, 1]} : vector<512x12xi32> to vector<512x1xi32>
    %eq3A_55 = vector.broadcast %slice3A_54 : vector<512x1xi32> to vector<512x80xi32>
    %eq3A_56 = arith.cmpi eq, %eq3A_55, %iota3A : vector<512x80xi32>
    %jit3A_57 = arith.constant 3.200000e+01 : f32
    %jit3A_58 = arith.constant 0.000000e+00 : f32
    %broadcast_in_dim3A_59 = vector.broadcast %jit3A_57 : f32 to vector<512x80xf32>
    %broadcast_in_dim3A_60 = vector.broadcast %jit3A_58 : f32 to vector<512x80xf32>
    %select_n3A_61 = arith.select %eq3A_56, %broadcast_in_dim3A_59, %broadcast_in_dim3A_60 : vector<512x80xi1>, vector<512x80xf32>
    %add3A_62 = arith.addf %broadcast_in_dim3A_4, %select_n3A_61 : vector<512x80xf32>
    %slice3A_63 = vector.extract_strided_slice %get3A_1 {offsets = [0, 7], sizes = [512, 1], strides = [1, 1]} : vector<512x12xi32> to vector<512x1xi32>
    %eq3A_64 = vector.broadcast %slice3A_63 : vector<512x1xi32> to vector<512x80xi32>
    %eq3A_65 = arith.cmpi eq, %eq3A_64, %iota3A : vector<512x80xi32>
    %jit3A_66 = arith.constant 1.600000e+01 : f32
    %jit3A_67 = arith.constant 0.000000e+00 : f32
    %broadcast_in_dim3A_68 = vector.broadcast %jit3A_66 : f32 to vector<512x80xf32>
    %broadcast_in_dim3A_69 = vector.broadcast %jit3A_67 : f32 to vector<512x80xf32>
    %select_n3A_70 = arith.select %eq3A_65, %broadcast_in_dim3A_68, %broadcast_in_dim3A_69 : vector<512x80xi1>, vector<512x80xf32>
    %add3A_71 = arith.addf %add3A_62, %select_n3A_70 : vector<512x80xf32>
    %slice3A_72 = vector.extract_strided_slice %get3A_1 {offsets = [0, 8], sizes = [512, 1], strides = [1, 1]} : vector<512x12xi32> to vector<512x1xi32>
    %eq3A_73 = vector.broadcast %slice3A_72 : vector<512x1xi32> to vector<512x80xi32>
    %eq3A_74 = arith.cmpi eq, %eq3A_73, %iota3A : vector<512x80xi32>
    %jit3A_75 = arith.constant 8.000000e+00 : f32
    %jit3A_76 = arith.constant 0.000000e+00 : f32
    %broadcast_in_dim3A_77 = vector.broadcast %jit3A_75 : f32 to vector<512x80xf32>
    %broadcast_in_dim3A_78 = vector.broadcast %jit3A_76 : f32 to vector<512x80xf32>
    %select_n3A_79 = arith.select %eq3A_74, %broadcast_in_dim3A_77, %broadcast_in_dim3A_78 : vector<512x80xi1>, vector<512x80xf32>
    %add3A_80 = arith.addf %add3A_71, %select_n3A_79 : vector<512x80xf32>
    %slice3A_81 = vector.extract_strided_slice %get3A_1 {offsets = [0, 9], sizes = [512, 1], strides = [1, 1]} : vector<512x12xi32> to vector<512x1xi32>
    %eq3A_82 = vector.broadcast %slice3A_81 : vector<512x1xi32> to vector<512x80xi32>
    %eq3A_83 = arith.cmpi eq, %eq3A_82, %iota3A : vector<512x80xi32>
    %jit3A_84 = arith.constant 4.000000e+00 : f32
    %jit3A_85 = arith.constant 0.000000e+00 : f32
    %broadcast_in_dim3A_86 = vector.broadcast %jit3A_84 : f32 to vector<512x80xf32>
    %broadcast_in_dim3A_87 = vector.broadcast %jit3A_85 : f32 to vector<512x80xf32>
    %select_n3A_88 = arith.select %eq3A_83, %broadcast_in_dim3A_86, %broadcast_in_dim3A_87 : vector<512x80xi1>, vector<512x80xf32>
    %add3A_89 = arith.addf %add3A_80, %select_n3A_88 : vector<512x80xf32>
    %slice3A_90 = vector.extract_strided_slice %get3A_1 {offsets = [0, 10], sizes = [512, 1], strides = [1, 1]} : vector<512x12xi32> to vector<512x1xi32>
    %eq3A_91 = vector.broadcast %slice3A_90 : vector<512x1xi32> to vector<512x80xi32>
    %eq3A_92 = arith.cmpi eq, %eq3A_91, %iota3A : vector<512x80xi32>
    %jit3A_93 = arith.constant 2.000000e+00 : f32
    %jit3A_94 = arith.constant 0.000000e+00 : f32
    %broadcast_in_dim3A_95 = vector.broadcast %jit3A_93 : f32 to vector<512x80xf32>
    %broadcast_in_dim3A_96 = vector.broadcast %jit3A_94 : f32 to vector<512x80xf32>
    %select_n3A_97 = arith.select %eq3A_92, %broadcast_in_dim3A_95, %broadcast_in_dim3A_96 : vector<512x80xi1>, vector<512x80xf32>
    %add3A_98 = arith.addf %add3A_89, %select_n3A_97 : vector<512x80xf32>
    %slice3A_99 = vector.extract_strided_slice %get3A_1 {offsets = [0, 11], sizes = [512, 1], strides = [1, 1]} : vector<512x12xi32> to vector<512x1xi32>
    %eq3A_100 = vector.broadcast %slice3A_99 : vector<512x1xi32> to vector<512x80xi32>
    %eq3A_101 = arith.cmpi eq, %eq3A_100, %iota3A : vector<512x80xi32>
    %jit3A_102 = arith.constant 1.000000e+00 : f32
    %jit3A_103 = arith.constant 0.000000e+00 : f32
    %broadcast_in_dim3A_104 = vector.broadcast %jit3A_102 : f32 to vector<512x80xf32>
    %broadcast_in_dim3A_105 = vector.broadcast %jit3A_103 : f32 to vector<512x80xf32>
    %select_n3A_106 = arith.select %eq3A_101, %broadcast_in_dim3A_104, %broadcast_in_dim3A_105 : vector<512x80xi1>, vector<512x80xf32>
    %add3A_107 = arith.addf %add3A_98, %select_n3A_106 : vector<512x80xf32>
    %get3A_108 = arith.constant 0 : index
    %get3A_109 = arith.constant 0 : index
    %get3A_110 = vector.load %arg2[%get3A_108, %get3A_109] : memref<80x2048xf32, #tpu.memory_space<vmem>>, vector<80x2048xf32>
    %convert_element_type3A = arith.truncf %get3A_110 : vector<80x2048xf32> to vector<80x2048xbf16>
    %convert_element_type3A_111 = arith.truncf %add3A_53 : vector<512x80xf32> to vector<512x80xbf16>
    %dot_general3A = arith.constant dense<0.000000e+00> : vector<512x2048xf32>
    %dot_general3A_112 = tpu.matmul %convert_element_type3A_111, %convert_element_type3A, %dot_general3A {dimension_numbers = #tpu.dot_dimension_numbers<[1], [0], [0], [1], [0, 0, 1, 1], [], []>, transpose_lhs_hint = false} : vector<512x80xbf16>, vector<80x2048xbf16>, vector<512x2048xf32> -> vector<512x2048xf32>
    %convert_element_type3A_113 = arith.truncf %add3A_107 : vector<512x80xf32> to vector<512x80xbf16>
    %dot_general3A_114 = arith.constant dense<0.000000e+00> : vector<512x2048xf32>
    %dot_general3A_115 = tpu.matmul %convert_element_type3A_113, %convert_element_type3A, %dot_general3A_114 {dimension_numbers = #tpu.dot_dimension_numbers<[1], [0], [0], [1], [0, 0, 1, 1], [], []>, transpose_lhs_hint = false} : vector<512x80xbf16>, vector<80x2048xbf16>, vector<512x2048xf32> -> vector<512x2048xf32>
    %mul3A = arith.constant 6.400000e+01 : f32
    %mul3A_116 = vector.broadcast %mul3A : f32 to vector<512x2048xf32>
    %mul3A_117 = arith.mulf %dot_general3A_112, %mul3A_116 : vector<512x2048xf32>
    %add3A_118 = arith.addf %mul3A_117, %dot_general3A_115 : vector<512x2048xf32>
    %convert_element_type3A_119 = arith.fptosi %add3A_118 : vector<512x2048xf32> to vector<512x2048xi32>
    %swap3A = arith.constant 0 : index
    %swap3A_120 = arith.constant 0 : index
    %swap3A_121 = vector.load %arg3[%swap3A, %swap3A_120] : memref<512x2048xi32, #tpu.memory_space<vmem>>, vector<512x2048xi32>
    tpu.vector_store %arg3[%swap3A, %swap3A_120], %convert_element_type3A_119 {strides = array<i32>} : memref<512x2048xi32, #tpu.memory_space<vmem>>, vector<512x2048xi32>,
    return
  }
  func.func @transform_0(%arg0: i32) -> (i32, i32) {
    %c0_i32 = arith.constant 0 : i32
    %c0_i32_0 = arith.constant 0 : i32
    return %arg0, %c0_i32 : i32, i32
  }
  func.func @transform_1(%arg0: i32) -> (i32, i32) {
    %c0_i32 = arith.constant 0 : i32
    %c0_i32_0 = arith.constant 0 : i32
    %c0_i32_1 = arith.constant 0 : i32
    return %c0_i32, %c0_i32_0 : i32, i32
  }
  func.func @transform_2(%arg0: i32) -> (i32, i32) {
    %c0_i32 = arith.constant 0 : i32
    %c0_i32_0 = arith.constant 0 : i32
    return %arg0, %c0_i32 : i32, i32
  }
}

module attributes {stable_mosaic.version = 14 : i64} {
  func.func @kern(%arg0: i32, %arg1: memref<512x12xi32, #tpu.memory_space<vmem>>, %arg2: memref<2048x2048xf32, #tpu.memory_space<vmem>>, %arg3: memref<512x2048xi32, #tpu.memory_space<vmem>>) attributes {dimension_semantics = [#tpu.dimension_semantics<arbitrary>], iteration_bounds = array<i64: 4>, scalar_prefetch = 0 : i64, scratch_operands = 0 : i64, tpu.core_type = #tpu.core_type<tc>, window_params = [{transform_indices = @transform_0, window_bounds = array<i64: 512, 12>}, {pipeline_mode = #tpu.pipeline_mode<synchronous>, transform_indices = @transform_1, window_bounds = array<i64: 2048, 2048>}, {transform_indices = @transform_2, window_bounds = array<i64: 512, 2048>}]} {
    %get3A = arith.constant 0 : index
    %get3A_0 = arith.constant 0 : index
    %get3A_1 = vector.load %arg1[%get3A, %get3A_0] : memref<512x12xi32, #tpu.memory_space<vmem>>, vector<512x12xi32>
    %iota3A = tpu.iota {dimensions = array<i32: 1>} : vector<512x2048xi32>
    %broadcast_in_dim3A = arith.constant 0.000000e+00 : f32
    %broadcast_in_dim3A_2 = vector.broadcast %broadcast_in_dim3A : f32 to vector<512x2048xf32>
    %broadcast_in_dim3A_3 = arith.constant 0.000000e+00 : f32
    %broadcast_in_dim3A_4 = vector.broadcast %broadcast_in_dim3A_3 : f32 to vector<512x2048xf32>
    %slice3A = vector.extract_strided_slice %get3A_1 {offsets = [0, 0], sizes = [512, 1], strides = [1, 1]} : vector<512x12xi32> to vector<512x1xi32>
    %eq3A = vector.broadcast %slice3A : vector<512x1xi32> to vector<512x2048xi32>
    %eq3A_5 = arith.cmpi eq, %eq3A, %iota3A : vector<512x2048xi32>
    %jit3A = arith.constant 3.200000e+01 : f32
    %jit3A_6 = arith.constant 0.000000e+00 : f32
    %broadcast_in_dim3A_7 = vector.broadcast %jit3A : f32 to vector<512x2048xf32>
    %broadcast_in_dim3A_8 = vector.broadcast %jit3A_6 : f32 to vector<512x2048xf32>
    %select_n3A = arith.select %eq3A_5, %broadcast_in_dim3A_7, %broadcast_in_dim3A_8 : vector<512x2048xi1>, vector<512x2048xf32>
    %add3A = arith.addf %broadcast_in_dim3A_2, %select_n3A : vector<512x2048xf32>
    %slice3A_9 = vector.extract_strided_slice %get3A_1 {offsets = [0, 1], sizes = [512, 1], strides = [1, 1]} : vector<512x12xi32> to vector<512x1xi32>
    %eq3A_10 = vector.broadcast %slice3A_9 : vector<512x1xi32> to vector<512x2048xi32>
    %eq3A_11 = arith.cmpi eq, %eq3A_10, %iota3A : vector<512x2048xi32>
    %jit3A_12 = arith.constant 1.600000e+01 : f32
    %jit3A_13 = arith.constant 0.000000e+00 : f32
    %broadcast_in_dim3A_14 = vector.broadcast %jit3A_12 : f32 to vector<512x2048xf32>
    %broadcast_in_dim3A_15 = vector.broadcast %jit3A_13 : f32 to vector<512x2048xf32>
    %select_n3A_16 = arith.select %eq3A_11, %broadcast_in_dim3A_14, %broadcast_in_dim3A_15 : vector<512x2048xi1>, vector<512x2048xf32>
    %add3A_17 = arith.addf %add3A, %select_n3A_16 : vector<512x2048xf32>
    %slice3A_18 = vector.extract_strided_slice %get3A_1 {offsets = [0, 2], sizes = [512, 1], strides = [1, 1]} : vector<512x12xi32> to vector<512x1xi32>
    %eq3A_19 = vector.broadcast %slice3A_18 : vector<512x1xi32> to vector<512x2048xi32>
    %eq3A_20 = arith.cmpi eq, %eq3A_19, %iota3A : vector<512x2048xi32>
    %jit3A_21 = arith.constant 8.000000e+00 : f32
    %jit3A_22 = arith.constant 0.000000e+00 : f32
    %broadcast_in_dim3A_23 = vector.broadcast %jit3A_21 : f32 to vector<512x2048xf32>
    %broadcast_in_dim3A_24 = vector.broadcast %jit3A_22 : f32 to vector<512x2048xf32>
    %select_n3A_25 = arith.select %eq3A_20, %broadcast_in_dim3A_23, %broadcast_in_dim3A_24 : vector<512x2048xi1>, vector<512x2048xf32>
    %add3A_26 = arith.addf %add3A_17, %select_n3A_25 : vector<512x2048xf32>
    %slice3A_27 = vector.extract_strided_slice %get3A_1 {offsets = [0, 3], sizes = [512, 1], strides = [1, 1]} : vector<512x12xi32> to vector<512x1xi32>
    %eq3A_28 = vector.broadcast %slice3A_27 : vector<512x1xi32> to vector<512x2048xi32>
    %eq3A_29 = arith.cmpi eq, %eq3A_28, %iota3A : vector<512x2048xi32>
    %jit3A_30 = arith.constant 4.000000e+00 : f32
    %jit3A_31 = arith.constant 0.000000e+00 : f32
    %broadcast_in_dim3A_32 = vector.broadcast %jit3A_30 : f32 to vector<512x2048xf32>
    %broadcast_in_dim3A_33 = vector.broadcast %jit3A_31 : f32 to vector<512x2048xf32>
    %select_n3A_34 = arith.select %eq3A_29, %broadcast_in_dim3A_32, %broadcast_in_dim3A_33 : vector<512x2048xi1>, vector<512x2048xf32>
    %add3A_35 = arith.addf %add3A_26, %select_n3A_34 : vector<512x2048xf32>
    %slice3A_36 = vector.extract_strided_slice %get3A_1 {offsets = [0, 4], sizes = [512, 1], strides = [1, 1]} : vector<512x12xi32> to vector<512x1xi32>
    %eq3A_37 = vector.broadcast %slice3A_36 : vector<512x1xi32> to vector<512x2048xi32>
    %eq3A_38 = arith.cmpi eq, %eq3A_37, %iota3A : vector<512x2048xi32>
    %jit3A_39 = arith.constant 2.000000e+00 : f32
    %jit3A_40 = arith.constant 0.000000e+00 : f32
    %broadcast_in_dim3A_41 = vector.broadcast %jit3A_39 : f32 to vector<512x2048xf32>
    %broadcast_in_dim3A_42 = vector.broadcast %jit3A_40 : f32 to vector<512x2048xf32>
    %select_n3A_43 = arith.select %eq3A_38, %broadcast_in_dim3A_41, %broadcast_in_dim3A_42 : vector<512x2048xi1>, vector<512x2048xf32>
    %add3A_44 = arith.addf %add3A_35, %select_n3A_43 : vector<512x2048xf32>
    %slice3A_45 = vector.extract_strided_slice %get3A_1 {offsets = [0, 5], sizes = [512, 1], strides = [1, 1]} : vector<512x12xi32> to vector<512x1xi32>
    %eq3A_46 = vector.broadcast %slice3A_45 : vector<512x1xi32> to vector<512x2048xi32>
    %eq3A_47 = arith.cmpi eq, %eq3A_46, %iota3A : vector<512x2048xi32>
    %jit3A_48 = arith.constant 1.000000e+00 : f32
    %jit3A_49 = arith.constant 0.000000e+00 : f32
    %broadcast_in_dim3A_50 = vector.broadcast %jit3A_48 : f32 to vector<512x2048xf32>
    %broadcast_in_dim3A_51 = vector.broadcast %jit3A_49 : f32 to vector<512x2048xf32>
    %select_n3A_52 = arith.select %eq3A_47, %broadcast_in_dim3A_50, %broadcast_in_dim3A_51 : vector<512x2048xi1>, vector<512x2048xf32>
    %add3A_53 = arith.addf %add3A_44, %select_n3A_52 : vector<512x2048xf32>
    %slice3A_54 = vector.extract_strided_slice %get3A_1 {offsets = [0, 6], sizes = [512, 1], strides = [1, 1]} : vector<512x12xi32> to vector<512x1xi32>
    %eq3A_55 = vector.broadcast %slice3A_54 : vector<512x1xi32> to vector<512x2048xi32>
    %eq3A_56 = arith.cmpi eq, %eq3A_55, %iota3A : vector<512x2048xi32>
    %jit3A_57 = arith.constant 3.200000e+01 : f32
    %jit3A_58 = arith.constant 0.000000e+00 : f32
    %broadcast_in_dim3A_59 = vector.broadcast %jit3A_57 : f32 to vector<512x2048xf32>
    %broadcast_in_dim3A_60 = vector.broadcast %jit3A_58 : f32 to vector<512x2048xf32>
    %select_n3A_61 = arith.select %eq3A_56, %broadcast_in_dim3A_59, %broadcast_in_dim3A_60 : vector<512x2048xi1>, vector<512x2048xf32>
    %add3A_62 = arith.addf %broadcast_in_dim3A_4, %select_n3A_61 : vector<512x2048xf32>
    %slice3A_63 = vector.extract_strided_slice %get3A_1 {offsets = [0, 7], sizes = [512, 1], strides = [1, 1]} : vector<512x12xi32> to vector<512x1xi32>
    %eq3A_64 = vector.broadcast %slice3A_63 : vector<512x1xi32> to vector<512x2048xi32>
    %eq3A_65 = arith.cmpi eq, %eq3A_64, %iota3A : vector<512x2048xi32>
    %jit3A_66 = arith.constant 1.600000e+01 : f32
    %jit3A_67 = arith.constant 0.000000e+00 : f32
    %broadcast_in_dim3A_68 = vector.broadcast %jit3A_66 : f32 to vector<512x2048xf32>
    %broadcast_in_dim3A_69 = vector.broadcast %jit3A_67 : f32 to vector<512x2048xf32>
    %select_n3A_70 = arith.select %eq3A_65, %broadcast_in_dim3A_68, %broadcast_in_dim3A_69 : vector<512x2048xi1>, vector<512x2048xf32>
    %add3A_71 = arith.addf %add3A_62, %select_n3A_70 : vector<512x2048xf32>
    %slice3A_72 = vector.extract_strided_slice %get3A_1 {offsets = [0, 8], sizes = [512, 1], strides = [1, 1]} : vector<512x12xi32> to vector<512x1xi32>
    %eq3A_73 = vector.broadcast %slice3A_72 : vector<512x1xi32> to vector<512x2048xi32>
    %eq3A_74 = arith.cmpi eq, %eq3A_73, %iota3A : vector<512x2048xi32>
    %jit3A_75 = arith.constant 8.000000e+00 : f32
    %jit3A_76 = arith.constant 0.000000e+00 : f32
    %broadcast_in_dim3A_77 = vector.broadcast %jit3A_75 : f32 to vector<512x2048xf32>
    %broadcast_in_dim3A_78 = vector.broadcast %jit3A_76 : f32 to vector<512x2048xf32>
    %select_n3A_79 = arith.select %eq3A_74, %broadcast_in_dim3A_77, %broadcast_in_dim3A_78 : vector<512x2048xi1>, vector<512x2048xf32>
    %add3A_80 = arith.addf %add3A_71, %select_n3A_79 : vector<512x2048xf32>
    %slice3A_81 = vector.extract_strided_slice %get3A_1 {offsets = [0, 9], sizes = [512, 1], strides = [1, 1]} : vector<512x12xi32> to vector<512x1xi32>
    %eq3A_82 = vector.broadcast %slice3A_81 : vector<512x1xi32> to vector<512x2048xi32>
    %eq3A_83 = arith.cmpi eq, %eq3A_82, %iota3A : vector<512x2048xi32>
    %jit3A_84 = arith.constant 4.000000e+00 : f32
    %jit3A_85 = arith.constant 0.000000e+00 : f32
    %broadcast_in_dim3A_86 = vector.broadcast %jit3A_84 : f32 to vector<512x2048xf32>
    %broadcast_in_dim3A_87 = vector.broadcast %jit3A_85 : f32 to vector<512x2048xf32>
    %select_n3A_88 = arith.select %eq3A_83, %broadcast_in_dim3A_86, %broadcast_in_dim3A_87 : vector<512x2048xi1>, vector<512x2048xf32>
    %add3A_89 = arith.addf %add3A_80, %select_n3A_88 : vector<512x2048xf32>
    %slice3A_90 = vector.extract_strided_slice %get3A_1 {offsets = [0, 10], sizes = [512, 1], strides = [1, 1]} : vector<512x12xi32> to vector<512x1xi32>
    %eq3A_91 = vector.broadcast %slice3A_90 : vector<512x1xi32> to vector<512x2048xi32>
    %eq3A_92 = arith.cmpi eq, %eq3A_91, %iota3A : vector<512x2048xi32>
    %jit3A_93 = arith.constant 2.000000e+00 : f32
    %jit3A_94 = arith.constant 0.000000e+00 : f32
    %broadcast_in_dim3A_95 = vector.broadcast %jit3A_93 : f32 to vector<512x2048xf32>
    %broadcast_in_dim3A_96 = vector.broadcast %jit3A_94 : f32 to vector<512x2048xf32>
    %select_n3A_97 = arith.select %eq3A_92, %broadcast_in_dim3A_95, %broadcast_in_dim3A_96 : vector<512x2048xi1>, vector<512x2048xf32>
    %add3A_98 = arith.addf %add3A_89, %select_n3A_97 : vector<512x2048xf32>
    %slice3A_99 = vector.extract_strided_slice %get3A_1 {offsets = [0, 11], sizes = [512, 1], strides = [1, 1]} : vector<512x12xi32> to vector<512x1xi32>
    %eq3A_100 = vector.broadcast %slice3A_99 : vector<512x1xi32> to vector<512x2048xi32>
    %eq3A_101 = arith.cmpi eq, %eq3A_100, %iota3A : vector<512x2048xi32>
    %jit3A_102 = arith.constant 1.000000e+00 : f32
    %jit3A_103 = arith.constant 0.000000e+00 : f32
    %broadcast_in_dim3A_104 = vector.broadcast %jit3A_102 : f32 to vector<512x2048xf32>
    %broadcast_in_dim3A_105 = vector.broadcast %jit3A_103 : f32 to vector<512x2048xf32>
    %select_n3A_106 = arith.select %eq3A_101, %broadcast_in_dim3A_104, %broadcast_in_dim3A_105 : vector<512x2048xi1>, vector<512x2048xf32>
    %add3A_107 = arith.addf %add3A_98, %select_n3A_106 : vector<512x2048xf32>
    %get3A_108 = arith.constant 0 : index
    %get3A_109 = arith.constant 0 : index
    %get3A_110 = vector.load %arg2[%get3A_108, %get3A_109] : memref<2048x2048xf32, #tpu.memory_space<vmem>>, vector<2048x2048xf32>
    %convert_element_type3A = arith.truncf %get3A_110 : vector<2048x2048xf32> to vector<2048x2048xbf16>
    %convert_element_type3A_111 = arith.truncf %add3A_53 : vector<512x2048xf32> to vector<512x2048xbf16>
    %dot_general3A = arith.constant dense<0.000000e+00> : vector<512x2048xf32>
    %dot_general3A_112 = tpu.matmul %convert_element_type3A_111, %convert_element_type3A, %dot_general3A {dimension_numbers = #tpu.dot_dimension_numbers<[1], [0], [0], [1], [0, 0, 1, 1], [], []>, transpose_lhs_hint = false} : vector<512x2048xbf16>, vector<2048x2048xbf16>, vector<512x2048xf32> -> vector<512x2048xf32>
    %convert_element_type3A_113 = arith.truncf %add3A_107 : vector<512x2048xf32> to vector<512x2048xbf16>
    %dot_general3A_114 = arith.constant dense<0.000000e+00> : vector<512x2048xf32>
    %dot_general3A_115 = tpu.matmul %convert_element_type3A_113, %convert_element_type3A, %dot_general3A_114 {dimension_numbers = #tpu.dot_dimension_numbers<[1], [0], [0], [1], [0, 0, 1, 1], [], []>, transpose_lhs_hint = false} : vector<512x2048xbf16>, vector<2048x2048xbf16>, vector<512x2048xf32> -> vector<512x2048xf32>
    %mul3A = arith.constant 6.400000e+01 : f32
    %mul3A_116 = vector.broadcast %mul3A : f32 to vector<512x2048xf32>
    %mul3A_117 = arith.mulf %dot_general3A_112, %mul3A_116 : vector<512x2048xf32>
    %add3A_118 = arith.addf %mul3A_117, %dot_general3A_115 : vector<512x2048xf32>
    %convert_element_type3A_119 = arith.fptosi %add3A_118 : vector<512x2048xf32> to vector<512x2048xi32>
    %swap3A = arith.constant 0 : index
    %swap3A_120 = arith.constant 0 : index
    %swap3A_121 = vector.load %arg3[%swap3A, %swap3A_120] : memref<512x2048xi32, #tpu.memory_space<vmem>>, vector<512x2048xi32>
    tpu.vector_store %arg3[%swap3A, %swap3A_120], %convert_element_type3A_119 {strides = array<i32>} : memref<512x2048xi32, #tpu.memory_space<vmem>>, vector<512x2048xi32>,
    return
  }
  func.func @transform_0(%arg0: i32) -> (i32, i32) {
    %c0_i32 = arith.constant 0 : i32
    %c0_i32_0 = arith.constant 0 : i32
    return %arg0, %c0_i32 : i32, i32
  }
  func.func @transform_1(%arg0: i32) -> (i32, i32) {
    %c0_i32 = arith.constant 0 : i32
    %c0_i32_0 = arith.constant 0 : i32
    %c0_i32_1 = arith.constant 0 : i32
    return %c0_i32, %c0_i32_0 : i32, i32
  }
  func.func @transform_2(%arg0: i32) -> (i32, i32) {
    %c0_i32 = arith.constant 0 : i32
    %c0_i32_0 = arith.constant 0 : i32
    return %arg0, %c0_i32 : i32, i32
  }
}

module attributes {stable_mosaic.version = 14 : i64} {
  func.func @kern(%arg0: i32, %arg1: memref<32x12xi32, #tpu.memory_space<vmem>>, %arg2: memref<2048x2048xf32, #tpu.memory_space<vmem>>, %arg3: memref<32x2048xi32, #tpu.memory_space<vmem>>) attributes {dimension_semantics = [#tpu.dimension_semantics<arbitrary>], iteration_bounds = array<i64: 1>, scalar_prefetch = 0 : i64, scratch_operands = 0 : i64, tpu.core_type = #tpu.core_type<tc>, window_params = [{transform_indices = @transform_0, window_bounds = array<i64: 32, 12>}, {pipeline_mode = #tpu.pipeline_mode<synchronous>, transform_indices = @transform_1, window_bounds = array<i64: 2048, 2048>}, {transform_indices = @transform_2, window_bounds = array<i64: 32, 2048>}]} {
    %get3A = arith.constant 0 : index
    %get3A_0 = arith.constant 0 : index
    %get3A_1 = vector.load %arg1[%get3A, %get3A_0] : memref<32x12xi32, #tpu.memory_space<vmem>>, vector<32x12xi32>
    %iota3A = tpu.iota {dimensions = array<i32: 1>} : vector<32x2048xi32>
    %broadcast_in_dim3A = arith.constant 0.000000e+00 : f32
    %broadcast_in_dim3A_2 = vector.broadcast %broadcast_in_dim3A : f32 to vector<32x2048xf32>
    %broadcast_in_dim3A_3 = arith.constant 0.000000e+00 : f32
    %broadcast_in_dim3A_4 = vector.broadcast %broadcast_in_dim3A_3 : f32 to vector<32x2048xf32>
    %slice3A = vector.extract_strided_slice %get3A_1 {offsets = [0, 0], sizes = [32, 1], strides = [1, 1]} : vector<32x12xi32> to vector<32x1xi32>
    %eq3A = vector.broadcast %slice3A : vector<32x1xi32> to vector<32x2048xi32>
    %eq3A_5 = arith.cmpi eq, %eq3A, %iota3A : vector<32x2048xi32>
    %jit3A = arith.constant 3.200000e+01 : f32
    %jit3A_6 = arith.constant 0.000000e+00 : f32
    %broadcast_in_dim3A_7 = vector.broadcast %jit3A : f32 to vector<32x2048xf32>
    %broadcast_in_dim3A_8 = vector.broadcast %jit3A_6 : f32 to vector<32x2048xf32>
    %select_n3A = arith.select %eq3A_5, %broadcast_in_dim3A_7, %broadcast_in_dim3A_8 : vector<32x2048xi1>, vector<32x2048xf32>
    %add3A = arith.addf %broadcast_in_dim3A_2, %select_n3A : vector<32x2048xf32>
    %slice3A_9 = vector.extract_strided_slice %get3A_1 {offsets = [0, 1], sizes = [32, 1], strides = [1, 1]} : vector<32x12xi32> to vector<32x1xi32>
    %eq3A_10 = vector.broadcast %slice3A_9 : vector<32x1xi32> to vector<32x2048xi32>
    %eq3A_11 = arith.cmpi eq, %eq3A_10, %iota3A : vector<32x2048xi32>
    %jit3A_12 = arith.constant 1.600000e+01 : f32
    %jit3A_13 = arith.constant 0.000000e+00 : f32
    %broadcast_in_dim3A_14 = vector.broadcast %jit3A_12 : f32 to vector<32x2048xf32>
    %broadcast_in_dim3A_15 = vector.broadcast %jit3A_13 : f32 to vector<32x2048xf32>
    %select_n3A_16 = arith.select %eq3A_11, %broadcast_in_dim3A_14, %broadcast_in_dim3A_15 : vector<32x2048xi1>, vector<32x2048xf32>
    %add3A_17 = arith.addf %add3A, %select_n3A_16 : vector<32x2048xf32>
    %slice3A_18 = vector.extract_strided_slice %get3A_1 {offsets = [0, 2], sizes = [32, 1], strides = [1, 1]} : vector<32x12xi32> to vector<32x1xi32>
    %eq3A_19 = vector.broadcast %slice3A_18 : vector<32x1xi32> to vector<32x2048xi32>
    %eq3A_20 = arith.cmpi eq, %eq3A_19, %iota3A : vector<32x2048xi32>
    %jit3A_21 = arith.constant 8.000000e+00 : f32
    %jit3A_22 = arith.constant 0.000000e+00 : f32
    %broadcast_in_dim3A_23 = vector.broadcast %jit3A_21 : f32 to vector<32x2048xf32>
    %broadcast_in_dim3A_24 = vector.broadcast %jit3A_22 : f32 to vector<32x2048xf32>
    %select_n3A_25 = arith.select %eq3A_20, %broadcast_in_dim3A_23, %broadcast_in_dim3A_24 : vector<32x2048xi1>, vector<32x2048xf32>
    %add3A_26 = arith.addf %add3A_17, %select_n3A_25 : vector<32x2048xf32>
    %slice3A_27 = vector.extract_strided_slice %get3A_1 {offsets = [0, 3], sizes = [32, 1], strides = [1, 1]} : vector<32x12xi32> to vector<32x1xi32>
    %eq3A_28 = vector.broadcast %slice3A_27 : vector<32x1xi32> to vector<32x2048xi32>
    %eq3A_29 = arith.cmpi eq, %eq3A_28, %iota3A : vector<32x2048xi32>
    %jit3A_30 = arith.constant 4.000000e+00 : f32
    %jit3A_31 = arith.constant 0.000000e+00 : f32
    %broadcast_in_dim3A_32 = vector.broadcast %jit3A_30 : f32 to vector<32x2048xf32>
    %broadcast_in_dim3A_33 = vector.broadcast %jit3A_31 : f32 to vector<32x2048xf32>
    %select_n3A_34 = arith.select %eq3A_29, %broadcast_in_dim3A_32, %broadcast_in_dim3A_33 : vector<32x2048xi1>, vector<32x2048xf32>
    %add3A_35 = arith.addf %add3A_26, %select_n3A_34 : vector<32x2048xf32>
    %slice3A_36 = vector.extract_strided_slice %get3A_1 {offsets = [0, 4], sizes = [32, 1], strides = [1, 1]} : vector<32x12xi32> to vector<32x1xi32>
    %eq3A_37 = vector.broadcast %slice3A_36 : vector<32x1xi32> to vector<32x2048xi32>
    %eq3A_38 = arith.cmpi eq, %eq3A_37, %iota3A : vector<32x2048xi32>
    %jit3A_39 = arith.constant 2.000000e+00 : f32
    %jit3A_40 = arith.constant 0.000000e+00 : f32
    %broadcast_in_dim3A_41 = vector.broadcast %jit3A_39 : f32 to vector<32x2048xf32>
    %broadcast_in_dim3A_42 = vector.broadcast %jit3A_40 : f32 to vector<32x2048xf32>
    %select_n3A_43 = arith.select %eq3A_38, %broadcast_in_dim3A_41, %broadcast_in_dim3A_42 : vector<32x2048xi1>, vector<32x2048xf32>
    %add3A_44 = arith.addf %add3A_35, %select_n3A_43 : vector<32x2048xf32>
    %slice3A_45 = vector.extract_strided_slice %get3A_1 {offsets = [0, 5], sizes = [32, 1], strides = [1, 1]} : vector<32x12xi32> to vector<32x1xi32>
    %eq3A_46 = vector.broadcast %slice3A_45 : vector<32x1xi32> to vector<32x2048xi32>
    %eq3A_47 = arith.cmpi eq, %eq3A_46, %iota3A : vector<32x2048xi32>
    %jit3A_48 = arith.constant 1.000000e+00 : f32
    %jit3A_49 = arith.constant 0.000000e+00 : f32
    %broadcast_in_dim3A_50 = vector.broadcast %jit3A_48 : f32 to vector<32x2048xf32>
    %broadcast_in_dim3A_51 = vector.broadcast %jit3A_49 : f32 to vector<32x2048xf32>
    %select_n3A_52 = arith.select %eq3A_47, %broadcast_in_dim3A_50, %broadcast_in_dim3A_51 : vector<32x2048xi1>, vector<32x2048xf32>
    %add3A_53 = arith.addf %add3A_44, %select_n3A_52 : vector<32x2048xf32>
    %slice3A_54 = vector.extract_strided_slice %get3A_1 {offsets = [0, 6], sizes = [32, 1], strides = [1, 1]} : vector<32x12xi32> to vector<32x1xi32>
    %eq3A_55 = vector.broadcast %slice3A_54 : vector<32x1xi32> to vector<32x2048xi32>
    %eq3A_56 = arith.cmpi eq, %eq3A_55, %iota3A : vector<32x2048xi32>
    %jit3A_57 = arith.constant 3.200000e+01 : f32
    %jit3A_58 = arith.constant 0.000000e+00 : f32
    %broadcast_in_dim3A_59 = vector.broadcast %jit3A_57 : f32 to vector<32x2048xf32>
    %broadcast_in_dim3A_60 = vector.broadcast %jit3A_58 : f32 to vector<32x2048xf32>
    %select_n3A_61 = arith.select %eq3A_56, %broadcast_in_dim3A_59, %broadcast_in_dim3A_60 : vector<32x2048xi1>, vector<32x2048xf32>
    %add3A_62 = arith.addf %broadcast_in_dim3A_4, %select_n3A_61 : vector<32x2048xf32>
    %slice3A_63 = vector.extract_strided_slice %get3A_1 {offsets = [0, 7], sizes = [32, 1], strides = [1, 1]} : vector<32x12xi32> to vector<32x1xi32>
    %eq3A_64 = vector.broadcast %slice3A_63 : vector<32x1xi32> to vector<32x2048xi32>
    %eq3A_65 = arith.cmpi eq, %eq3A_64, %iota3A : vector<32x2048xi32>
    %jit3A_66 = arith.constant 1.600000e+01 : f32
    %jit3A_67 = arith.constant 0.000000e+00 : f32
    %broadcast_in_dim3A_68 = vector.broadcast %jit3A_66 : f32 to vector<32x2048xf32>
    %broadcast_in_dim3A_69 = vector.broadcast %jit3A_67 : f32 to vector<32x2048xf32>
    %select_n3A_70 = arith.select %eq3A_65, %broadcast_in_dim3A_68, %broadcast_in_dim3A_69 : vector<32x2048xi1>, vector<32x2048xf32>
    %add3A_71 = arith.addf %add3A_62, %select_n3A_70 : vector<32x2048xf32>
    %slice3A_72 = vector.extract_strided_slice %get3A_1 {offsets = [0, 8], sizes = [32, 1], strides = [1, 1]} : vector<32x12xi32> to vector<32x1xi32>
    %eq3A_73 = vector.broadcast %slice3A_72 : vector<32x1xi32> to vector<32x2048xi32>
    %eq3A_74 = arith.cmpi eq, %eq3A_73, %iota3A : vector<32x2048xi32>
    %jit3A_75 = arith.constant 8.000000e+00 : f32
    %jit3A_76 = arith.constant 0.000000e+00 : f32
    %broadcast_in_dim3A_77 = vector.broadcast %jit3A_75 : f32 to vector<32x2048xf32>
    %broadcast_in_dim3A_78 = vector.broadcast %jit3A_76 : f32 to vector<32x2048xf32>
    %select_n3A_79 = arith.select %eq3A_74, %broadcast_in_dim3A_77, %broadcast_in_dim3A_78 : vector<32x2048xi1>, vector<32x2048xf32>
    %add3A_80 = arith.addf %add3A_71, %select_n3A_79 : vector<32x2048xf32>
    %slice3A_81 = vector.extract_strided_slice %get3A_1 {offsets = [0, 9], sizes = [32, 1], strides = [1, 1]} : vector<32x12xi32> to vector<32x1xi32>
    %eq3A_82 = vector.broadcast %slice3A_81 : vector<32x1xi32> to vector<32x2048xi32>
    %eq3A_83 = arith.cmpi eq, %eq3A_82, %iota3A : vector<32x2048xi32>
    %jit3A_84 = arith.constant 4.000000e+00 : f32
    %jit3A_85 = arith.constant 0.000000e+00 : f32
    %broadcast_in_dim3A_86 = vector.broadcast %jit3A_84 : f32 to vector<32x2048xf32>
    %broadcast_in_dim3A_87 = vector.broadcast %jit3A_85 : f32 to vector<32x2048xf32>
    %select_n3A_88 = arith.select %eq3A_83, %broadcast_in_dim3A_86, %broadcast_in_dim3A_87 : vector<32x2048xi1>, vector<32x2048xf32>
    %add3A_89 = arith.addf %add3A_80, %select_n3A_88 : vector<32x2048xf32>
    %slice3A_90 = vector.extract_strided_slice %get3A_1 {offsets = [0, 10], sizes = [32, 1], strides = [1, 1]} : vector<32x12xi32> to vector<32x1xi32>
    %eq3A_91 = vector.broadcast %slice3A_90 : vector<32x1xi32> to vector<32x2048xi32>
    %eq3A_92 = arith.cmpi eq, %eq3A_91, %iota3A : vector<32x2048xi32>
    %jit3A_93 = arith.constant 2.000000e+00 : f32
    %jit3A_94 = arith.constant 0.000000e+00 : f32
    %broadcast_in_dim3A_95 = vector.broadcast %jit3A_93 : f32 to vector<32x2048xf32>
    %broadcast_in_dim3A_96 = vector.broadcast %jit3A_94 : f32 to vector<32x2048xf32>
    %select_n3A_97 = arith.select %eq3A_92, %broadcast_in_dim3A_95, %broadcast_in_dim3A_96 : vector<32x2048xi1>, vector<32x2048xf32>
    %add3A_98 = arith.addf %add3A_89, %select_n3A_97 : vector<32x2048xf32>
    %slice3A_99 = vector.extract_strided_slice %get3A_1 {offsets = [0, 11], sizes = [32, 1], strides = [1, 1]} : vector<32x12xi32> to vector<32x1xi32>
    %eq3A_100 = vector.broadcast %slice3A_99 : vector<32x1xi32> to vector<32x2048xi32>
    %eq3A_101 = arith.cmpi eq, %eq3A_100, %iota3A : vector<32x2048xi32>
    %jit3A_102 = arith.constant 1.000000e+00 : f32
    %jit3A_103 = arith.constant 0.000000e+00 : f32
    %broadcast_in_dim3A_104 = vector.broadcast %jit3A_102 : f32 to vector<32x2048xf32>
    %broadcast_in_dim3A_105 = vector.broadcast %jit3A_103 : f32 to vector<32x2048xf32>
    %select_n3A_106 = arith.select %eq3A_101, %broadcast_in_dim3A_104, %broadcast_in_dim3A_105 : vector<32x2048xi1>, vector<32x2048xf32>
    %add3A_107 = arith.addf %add3A_98, %select_n3A_106 : vector<32x2048xf32>
    %get3A_108 = arith.constant 0 : index
    %get3A_109 = arith.constant 0 : index
    %get3A_110 = vector.load %arg2[%get3A_108, %get3A_109] : memref<2048x2048xf32, #tpu.memory_space<vmem>>, vector<2048x2048xf32>
    %convert_element_type3A = arith.truncf %get3A_110 : vector<2048x2048xf32> to vector<2048x2048xbf16>
    %convert_element_type3A_111 = arith.truncf %add3A_53 : vector<32x2048xf32> to vector<32x2048xbf16>
    %dot_general3A = arith.constant dense<0.000000e+00> : vector<32x2048xf32>
    %dot_general3A_112 = tpu.matmul %convert_element_type3A_111, %convert_element_type3A, %dot_general3A {dimension_numbers = #tpu.dot_dimension_numbers<[1], [0], [0], [1], [0, 0, 1, 1], [], []>, transpose_lhs_hint = false} : vector<32x2048xbf16>, vector<2048x2048xbf16>, vector<32x2048xf32> -> vector<32x2048xf32>
    %convert_element_type3A_113 = arith.truncf %add3A_107 : vector<32x2048xf32> to vector<32x2048xbf16>
    %dot_general3A_114 = arith.constant dense<0.000000e+00> : vector<32x2048xf32>
    %dot_general3A_115 = tpu.matmul %convert_element_type3A_113, %convert_element_type3A, %dot_general3A_114 {dimension_numbers = #tpu.dot_dimension_numbers<[1], [0], [0], [1], [0, 0, 1, 1], [], []>, transpose_lhs_hint = false} : vector<32x2048xbf16>, vector<2048x2048xbf16>, vector<32x2048xf32> -> vector<32x2048xf32>
    %mul3A = arith.constant 6.400000e+01 : f32
    %mul3A_116 = vector.broadcast %mul3A : f32 to vector<32x2048xf32>
    %mul3A_117 = arith.mulf %dot_general3A_112, %mul3A_116 : vector<32x2048xf32>
    %add3A_118 = arith.addf %mul3A_117, %dot_general3A_115 : vector<32x2048xf32>
    %convert_element_type3A_119 = arith.fptosi %add3A_118 : vector<32x2048xf32> to vector<32x2048xi32>
    %swap3A = arith.constant 0 : index
    %swap3A_120 = arith.constant 0 : index
    %swap3A_121 = vector.load %arg3[%swap3A, %swap3A_120] : memref<32x2048xi32, #tpu.memory_space<vmem>>, vector<32x2048xi32>
    tpu.vector_store %arg3[%swap3A, %swap3A_120], %convert_element_type3A_119 {strides = array<i32>} : memref<32x2048xi32, #tpu.memory_space<vmem>>, vector<32x2048xi32>,
    return
  }
  func.func @transform_0(%arg0: i32) -> (i32, i32) {
    %c0_i32 = arith.constant 0 : i32
    %c0_i32_0 = arith.constant 0 : i32
    return %arg0, %c0_i32 : i32, i32
  }
  func.func @transform_1(%arg0: i32) -> (i32, i32) {
    %c0_i32 = arith.constant 0 : i32
    %c0_i32_0 = arith.constant 0 : i32
    %c0_i32_1 = arith.constant 0 : i32
    return %c0_i32, %c0_i32_0 : i32, i32
  }
  func.func @transform_2(%arg0: i32) -> (i32, i32) {
    %c0_i32 = arith.constant 0 : i32
    %c0_i32_0 = arith.constant 0 : i32
    return %arg0, %c0_i32 : i32, i32
  }
}

</mosaic_0001>

<sc_bundles>
// kernel: kernel.11.cloned.1.call-start
scs
__scs_entry_jumppad:
0x0: {  	(pc) =	sbr.rel $0x88, $3  }
0x1: {  	(tag) =	ssettag $0x0;
	lr =	simm.s32 $0x1  }
0x2: {  	[smem:$0x3F9A] =	sst lr;
	_ =	strace $0xD0000000  }
0x3: {  	_ = 	snop  }
0x4: {  	_ = 	snop  }
0x5: {  	_ = 	snop  }
0x6: {  	_ = 	snop  }
0x7: {  	_ = 	snop  }
__scs_overlays_trampoline_lowered:
0x8: {  	[smem:$0x3FA9] =	sst s0  }
0x9: {  	[smem:$0x3FAA] =	sst s1  }
0xa: {  	[smem:$0x3FAB] =	sst s2  }
0xb: {  	[smem:$0x3FAC] =	sst s3  }
0xc: {  	[smem:$0x3FAD] =	sst s4  }
0xd: {  	[smem:$0x3FAE] =	sst s5  }
0xe: {  	[smem:$0x3FAF] =	sst s6  }
0xf: {  	[smem:$0x3FB0] =	sst s7  }
0x10: {  	[smem:$0x3FB1] =	sst s8  }
0x11: {  	[smem:$0x3FB2] =	sst s9;
	s0 =	simm.s32 @!p0 $0x0  }
0x12: {  	s1 =	sld [smem:$0x3F98];
	s0 =	simm.s32 @p0 $0x1  }
0x13: {  	[smem:$0x3FB3] =	sst s0;
	s0 =	simm.s32 @!p1 $0x0  }
0x14: {  	s2 =	sld [smem:$0x3F97];
	s0 =	simm.s32 @p1 $0x1  }
0x15: {  	[smem:$0x3FB4] =	sst s0;
	s0 =	simm.s32 @!p2 $0x0  }
0x16: {  	s3 =	sld [smem:$0x3FDB];
	s0 =	simm.s32 @p2 $0x1  }
0x17: {  	s4 =	simm.s32 $0x1BF5;
	[smem:$0x3FB6] =	sst s0  }
0x18: {  	s0 =	sld [smem:$0x3F99];
	_ =	swait.ge [sflag:s4], $0x0  }
0x19: {  	s7 =	sld [smem:$0x3F9A]  }
0x1a: {  	s8 =	sadd.s32 $0xFFFFE003, lr  }
0x1b: {  	s9 =	sadd.s32 $0xFFFFFEF7, lr;
	s5 =	simm.s32 $0xFFFFFFFF;
	p2 =	slt.u32 s8, $0xFFFFF086  }
0x1c: {  	p1 =	slt.u32 s9, $0xF7A;
	s5 =	simm.s32 @!p2 $0x0  }
0x1d: {  	s5 =	simm.s32 @p1 $0x1;
	p0 =	seq.s32 s7, s2  }
0x1e: {  	s7 =	smul.u32 @!p0 $0xF7A, s2;
	p2 =	seq.s32 @!p0 s5, $0x0  }
0x1f: {  	s9 =	smul.u32 $0xF7A, s1;
	s8 =	simm.s32 @!p0 $0x1BF5;
	p2 =	por !p2, p0  }
0x20: {  	[sflag:s8] =	ssyncset.s32 @!p0 $0xFFFFF086;
	s6 =	sadd.s32 @!p0 s3, s7;
	s7 =	simm.s32 @!p0 $0x108  }
0x21: {  	s3 =	sadd.s32 s3, s9;
	s6 =	sadd.s32 @!p0 $0x88, s6;
	s7 =	simm.s32 @p2 $0x1082  }
0x22: {  	[simem:s7], [sflag:s8] =	dma.local @!p0 [hbm:s6], $0xF7A  }
0x23: {  	s9 =	sor.u32 $0xD0000000, s2;
	s6 =	simm.s32 $0x108;
	_ =	swait.ge @!p0 [sflag:s8], $0x0  }
0x24: {  	s3 =	sadd.s32 $0x88, s3;
	s6 =	simm.s32 @!p1 $0x1082;
	[sflag:s4] =	ssyncset.s32 $0xFFFFF086  }
0x25: {  	[simem:s6], [sflag:s4] =	dma.local [hbm:s3], $0xF7A  }
0x26: {  	[smem:$0x3F9A] =	sst s1;
	(tag) =	ssettag s2;
	_ =	strace s9  }
0x27: {  	s1 =	sld [smem:$0x3FAA]  }
0x28: {  	s2 =	sld [smem:$0x3FAB]  }
0x29: {  	s4 =	sld [smem:$0x3FAD]  }
0x2a: {  	p0 =	seq.s32 s5, $0x0;
	s5 =	sld [smem:$0x3FAE]  }
0x2b: {  	s6 =	sld [smem:$0x3FAF]  }
0x2c: {  	s7 =	sld [smem:$0x3FB0]  }
0x2d: {  	s3 =	simm.s32 $0x108;
	s8 =	sld [smem:$0x3FB1]  }
0x2e: {  	s3 =	simm.s32 @!p0 $0x1082;
	s9 =	sld [smem:$0x3FB2]  }
0x2f: {  	lr =	sadd.s32 s0, s3;
	s0 =	sld [smem:$0x3FA9]  }
0x30: {  	s3 =	sld [smem:$0x3FAC]  }
0x31: {  	[smem:$0x3FB5] =	sst s10  }
0x32: {  	s10 =	sld [smem:$0x3FB3];
	_ =	sdelay $0x3  }
0x33: {  	p0 =	seq.s32 s10, $0x1;
	s10 =	sld [smem:$0x3FB5];
	_ =	sdelay $0x3  }
0x34: {  	[smem:$0x3FB5] =	sst s10  }
0x35: {  	s10 =	sld [smem:$0x3FB4];
	_ =	sdelay $0x3  }
0x36: {  	p1 =	seq.s32 s10, $0x1;
	s10 =	sld [smem:$0x3FB5];
	_ =	sdelay $0x3  }
0x37: {  	[smem:$0x3FB5] =	sst s10  }
0x38: {  	s10 =	sld [smem:$0x3FB6]  }
0x39: {  	_ = 	snop;
	(pc) =	sbr.ind lr, $3  }
0x3a: {  	_ = 	snop  }
0x3b: {  	_ = 	snop  }
0x3c: {  	p2 =	seq.s32 s10, $0x1;
	s10 =	sld [smem:$0x3FB5]  }
0x3d: {  	_ =	shalt  }
0x3e: {  	_ =	shalt  }
0x3f: {  	_ =	shalt  }
0x40: {  	_ =	shalt  }
0x41: {  	_ =	shalt  }
0x42: {  	_ =	shalt  }
0x43: {  	_ =	shalt  }
0x44: {  	_ =	shalt  }
0x45: {  	_ =	shalt  }
0x46: {  	_ =	shalt  }
0x47: {  	_ =	shalt  }
0x48: {  	_ =	shalt  }
0x49: {  	_ =	shalt  }
0x4a: {  	_ =	shalt  }
0x4b: {  	_ =	shalt  }
0x4c: {  	_ =	shalt  }
0x4d: {  	_ =	shalt  }
0x4e: {  	_ =	shalt  }
0x4f: {  	_ =	shalt  }
0x50: {  	_ =	shalt  }
0x51: {  	_ =	shalt  }
0x52: {  	_ =	shalt  }
0x53: {  	_ =	shalt  }
0x54: {  	_ =	shalt  }
0x55: {  	_ =	shalt  }
0x56: {  	_ =	shalt  }
0x57: {  	_ =	shalt  }
0x58: {  	_ =	shalt  }
0x59: {  	_ =	shalt  }
0x5a: {  	_ =	shalt  }
0x5b: {  	_ =	shalt  }
0x5c: {  	_ =	shalt  }
0x5d: {  	_ =	shalt  }
0x5e: {  	_ =	shalt  }
0x5f: {  	_ =	shalt  }
0x60: {  	_ =	shalt  }
0x61: {  	_ =	shalt  }
0x62: {  	_ =	shalt  }
0x63: {  	_ =	shalt  }
0x64: {  	_ =	shalt  }
0x65: {  	_ =	shalt  }
0x66: {  	_ =	shalt  }
0x67: {  	_ =	shalt  }
0x68: {  	_ =	shalt  }
0x69: {  	_ =	shalt  }
0x6a: {  	_ =	shalt  }
0x6b: {  	_ =	shalt  }
0x6c: {  	_ =	shalt  }
0x6d: {  	_ =	shalt  }
0x6e: {  	_ =	shalt  }
0x6f: {  	_ =	shalt  }
0x70: {  	_ =	shalt  }
0x71: {  	_ =	shalt  }
0x72: {  	_ =	shalt  }
0x73: {  	_ =	shalt  }
0x74: {  	_ =	shalt  }
0x75: {  	_ =	shalt  }
0x76: {  	_ =	shalt  }
0x77: {  	_ =	shalt  }
0x78: {  	_ =	shalt  }
0x79: {  	_ =	shalt  }
0x7a: {  	_ =	shalt  }
0x7b: {  	_ =	shalt  }
0x7c: {  	_ =	shalt  }
0x7d: {  	_ =	shalt  }
0x7e: {  	_ =	shalt  }
0x7f: {  	_ =	shalt  }
0x80: {  	_ =	shalt  }
0x81: {  	_ =	shalt  }
0x82: {  	_ =	shalt  }
0x83: {  	_ =	shalt  }
0x84: {  	_ =	shalt  }
0x85: {  	_ =	shalt  }
0x86: {  	_ =	shalt  }
0x87: {  	_ =	shalt  }
.Lfunc_end0:
.L_simem_size_0:
called_computation.1_lowered:
.L_overlay_start_0:
0x88: {  	s2 =	sld [smem:$0x3FD9]  }
0x89: {  	s3 =	sld [smem:$0x3FFE];
	_ =	sdelay $0x1  }
0x8a: {  	s1 =	srdreg.scid  }
0x8b: {  	s0 =	sand.u32 $0x1, s1  }
0x8c: {  	s17 =	sshll.u32 s0, $0xA;
	s2 =	sadd.s32 s3, s2  }
0x8d: {  	s2 =	sadd.s32 s2, s17  }
0x8e: {  	[smem:$0x3FC1] =	sst s2  }
0x8f: {  	_ = 	snop  }
0x90: {  	s2 =	sld [smem:$0x3FC4];
	(tm) =	ssettm $0x1  }
0x91: {  	s18 =	sld [smem:$0x3FFB];
	_ =	sdelay $0x3  }
0x92: {  	_ =	strace s18  }
0x93: {  	s3 =	sld [smem:$0x3FFC];
	_ =	sdelay $0x3  }
0x94: {  	_ =	strace s3  }
0x95: {  	s3 =	sld [smem:$0x3FFD];
	_ =	sdelay $0x3  }
0x96: {  	_ =	strace s3  }
0x97: {  	_ =	strace $0x8FFFFFFF  }
0x98: {  	s19 =	sld [smem:$0x3FDB];
	_ =	sdelay $0x1  }
0x99: {  	s4 =	simm.s32 $_scs_section_size  }
0x9a: {  	s5 =	simm.s32 $_size__tile_overlayer_lowered;
	s6 =	simm.s32 $_tile_overlayer_lowered  }
0x9b: {  	s22 =	simm.s32 $0x1BFF;
	s21 =	sshll.u32 s6, $0x1;
	s3 =	sadd.s32 s4, s19  }
0x9c: {  	s7 =	simm.s32 $0x0;
	s20 =	sshll.u32 s5, $0x1;
	s5 =	sadd.s32 s21, s3  }
0x9d: {  	[timem:s7], [sflag:s22] =	dma.local [hbm:s5], s20  }
0x9e: {  	_ =	swait.ge [sflag:s22], s20  }
0x9f: {  	s4 =	ssub.s32 $0x0, s20;
	[sflag:s22] =	ssyncset.done $0x0  }
0xa0: {  	[sflag:s22] =	ssyncadd.s32 s4;
	_ =	sdelay $0x1  }
0xa1: {  	s23 =	simm.s32 $0x1B8B  }
0xa2: {  	_ =	swait.ge [sflag:s23], $0x1  }
0xa3: {  	[sflag:s23] =	ssyncset.done $0x0  }
0xa4: {  	s25 =	simm.s32 $0x1B8E;
	s24 =	sld [smem:$0x3FFE];
	[sflag:s23] =	ssyncadd.s32 $0xFFFFFFFF  }
0xa5: {  	s26 =	simm.s32 $execute0_lowered;
	[smem:$0x3FD2] =	sst s25  }
0xa6: {  	s5 =	sshll.u32 s26, $0x1;
	_ =	strace $0x80000049;
	[dreg:$0x1] =	wrdreg $0xFFFFFFFF  }
0xa7: {  	s28 =	simm.s32 $_size_execute0_lowered;
	s3 =	sadd.s32 s3, s5;
	[dreg:$0x0] =	wrdreg $0x0  }
0xa8: {  	s5 =	sshll.u32 s28, $0x1;
	[dreg:$0x2] =	wrdreg s3  }
0xa9: {  	[dreg:$0x3] =	wrdreg s5  }
0xaa: {  	[dreg:$0x4] =	wrdreg $0xC0  }
0xab: {  	_ =	task [dreg:s7], $0x5FFFF  }
0xac: {  	[dreg:$0x1] =	wrdreg $0xFFFFFFFF  }
0xad: {  	[dreg:$0x0] =	wrdreg $0x60  }
0xae: {  	[dreg:$0x2] =	wrdreg s2  }
0xaf: {  	[dreg:$0x3] =	wrdreg s24  }
0xb0: {  	[dreg:$0x4] =	wrdreg $0x9  }
0xb1: {  	_ =	task.clear_ibuf [dreg:s7], $0x5FFFF;
	_ =	strace $0x90000049  }
0xb2: {  	s29 =	simm.s32 $0x9;
	_ =	strace $0x8000004B  }
0xb3: {  	_ =	swait.ge [sflag:s29], $0x1  }
0xb4: {  	[sflag:s29] =	ssyncadd.s32 $0xFFFFFFFF  }
0xb5: {  	_ =	strace $0x9000004B  }
0xb6: {  	_ =	sfence  }
0xb7: {  	s30 =	sld [smem:$0x0];
	_ =	sdelay $0x2  }
0xb8: {  	s31 =	sshll.u32 s1, $0xD;
	s1 =	sshrl.u32 s1, $0x2  }
0xb9: {  	s3 =	sand.u32 $0x4000, s31;
	s1 =	sadd.s32 s1, s30  }
0xba: {  	s0 =	sor.u32 s3, s0;
	s1 =	sshll.u32 s1, $0x11  }
0xbb: {  	s0 =	sor.u32 s1, s0  }
0xbc: {  	s0 =	sadd.s32 $0x8F2B, s0  }
0xbd: {  	[sflag:s0] =	ssyncadd.remote.s32 $0x1  }
0xbe: {  	_ =	sfence.sel $0xFFFF  }
0xbf: {  	[dreg:$0x0] =	wrdreg $0xFFFFFFFF;
	(pc) =	sbr.abs _section_cstart, $3  }
0xc0: {  	[dreg:$0x1] =	wrdreg $0xFFFFFFFF  }
0xc1: {  	_ =	task.clear_ibuf [dreg:s7], $0x2FFFF;
	_ =	strace $0x9FFFFFFF  }
0xc2: {  	(tm) =	ssettm $0x7FFFFFFF  }
0xc3: {  	_ =	shalt  }
tec
execute0_lowered:
.L_overlay_start_1:
0x0: {  	(tag) =	ssettag $0x1  }
0x1: {  	s1 =	rddreg [dreg:$0x0]  }
0x2: {  	s7 =	rddreg [dreg:$0x1]  }
0x3: {  	s0 =	rddreg [dreg:$0x2]  }
0x4: {  	s2 =	simm.s32 $0x0;
	s3 =	srdreg.scid;
	s11 =	simm.s32 $0x18000  }
0x5: {  	s12 =	simm.s32 $0x0;
	[smem:$0x7FF] =	sst s2;
	s5 =	sand.u32 $0x1, s3  }
.Ltmp0:
0x6: {  	s4 =	sadd.s32 $0x1800, s7;
	s3 =	stileid.u32;
	(pc) =	sbr.rel .LBB2_1-.Ltmp0, $4  }
0x7: {  	_ =	strace $0x8000004A;
	s6 =	ssub.s32 $0x2, s5;
	s9 =	sshll.u32 s3, $0x7  }
0x8: {  	s10 =	sshll.u32 s5, $0x6;
	s5 =	sadd.s32 $0x81800, s7;
	s8 =	sshrl.u32 s6, $0x1  }
0x9: {  	s7 =	sadd.s32 $0x82000, s7;
	s8 =	ssub.s32 s6, s8;
	s6 =	sor.u32 s10, s9  }
0xa: {  	v0 =	vimm.f32 $0.0e+00;
	s9 =	simm.s32 $0x1;
	s10 =	simm.s32 $0x10000;
	s8 =	smax.u32 s8, $0x1  }
.LBB2_99:
0xb: {  	s12 =	sadd.s32 $0x1, s12  }
0xc: {  	p0 =	sne.s32 s12, s8  }
.Ltmp1:
0xd: {  	_ = 	snop;
	(pc) =	sbr.rel @!p0 .LBB2_100-.Ltmp1, $1  }
0xe: {  	_ =	sdelay $0x3  }
.LBB2_1:
0xf: {  	s13 =	simm.s32 $0x0  }
.LBB2_2:
0x10: {  	s14 =	sshll.u32 s13, $0x4  }
0x11: {  	s14 =	sadd.s32 s6, s14  }
0x12: {  	s15 =	sshll.u32 s14, $0x9  }
0x13: {  	s16 =	sadd.s32 s1, s15;
	s15 =	simm.s32 $0x0  }
0x14: {  	[tilespmem:s15], [sflag:$0x1] =	stream.linear.gather [hbm4b:s16+s15], $0x10000, $0x38;
	[tilespmem:$0x1C000] =	vst v63  }
0x15: {  	_ =	swait.ge [sflag:s9], $0x10000  }
0x16: {  	s14 =	sshll.u32 s14, $0x8;
	[sflag:s9] =	ssyncset.done $0x0  }
0x17: {  	s31 =	sadd.s32 s4, s14;
	[sflag:s9] =	ssyncadd.s32 $0xFFFF0000  }
0x18: {  	[tilespmem:s10], [sflag:$0x1] =	stream.linear.gather [hbm4b:s31+s15], $0x8000, $0x38;
	[tilespmem:$0x1C000] =	vst v63  }
0x19: {  	_ =	swait.ge [sflag:s9], $0x8000  }
0x1a: {  	s16 =	sand.u32 $0x70, s15;
	s17 =	sand.u32 $0x3C00, s15;
	[sflag:s9] =	ssyncset.done $0x0  }
0x1b: {  	s22 =	sor.u32 s16, s17;
	[sflag:s9] =	ssyncadd.s32 $0xFFFF8000  }
0x1c: {  	v1 =	vld [tilespmem:s22+$0x10000];
	_ =	sdelay $0x4  }
0x1d: {  	s18 =	simm.s32 $0x10;
	s20 =	simm.s32 $0x80;
	v2 =	vshll.u32 v1, $0x3  }
0x1e: {  	s19 =	sand.u32 $0x70, s18;
	s20 =	sand.u32 $0x3C00, s20;
	v1 =	vand.u32 $0x7F, v1;
	v2 =	vand.u32 $0xFFFFFC00, v2  }
0x1f: {  	s21 =	sor.u32 s19, s20;
	v1 =	vor.u32 v1, v2  }
0x20: {  	v3 =	vld [tilespmem:s21+$0x10000];
	_ =	sdelay $0x3  }
0x21: {  	v1 =	vld.idx.msk [tilespmem:v1+s15+$0x0], $0xffff  }
0x22: {  	v2 =	vshll.u32 v3, $0x3  }
0x23: {  	s23 =	simm.s32 $0x100;
	s18 =	simm.s32 $0x20;
	v3 =	vand.u32 $0x7F, v3;
	v2 =	vand.u32 $0xFFFFFC00, v2  }
0x24: {  	s24 =	simm.s32 $0x30;
	s26 =	sand.u32 $0x3C00, s23;
	s25 =	sand.u32 $0x70, s18;
	v2 =	vor.u32 v3, v2  }
.LBB2_3:
0x25: {  	p0 =	sne.s32 s24, $0x7F0;
	s25 =	sor.u32 s25, s26  }
0x26: {  	vm0 =	vgt.f32 v1, $5.000000000e-01;
	v3 =	vld [tilespmem:s25+$0x10000]  }
0x27: {  	v1 =	vsel vm0, $0x3F800000, v0  }
0x28: {  	[tilespmem:s22+$0x18000] =	vst v1;
	s22 =	smov.u32 s21;
	s21 =	smov.u32 s25  }
.Ltmp2:
0x29: {  	v1 =	vld.idx.msk [tilespmem:v2+s15+$0x0], $0xffff;
	(pc) =	sbr.rel @p0 .LBB2_3-.Ltmp2, $4  }
0x2a: {  	_ = 	snop  }
0x2b: {  	v2 =	vshll.u32 v3, $0x3  }
0x2c: {  	s23 =	sadd.s32 $0x80, s23;
	v3 =	vand.u32 $0x7F, v3;
	v2 =	vand.u32 $0xFFFFFC00, v2  }
0x2d: {  	s26 =	sand.u32 $0x3C00, s23;
	s25 =	sand.u32 $0x70, s24;
	s24 =	sadd.s32 $0x10, s24;
	v2 =	vor.u32 v3, v2  }
0x2e: {  	s23 =	sor.u32 s25, s26  }
0x2f: {  	v3 =	vld [tilespmem:s23+$0x10000]  }
0x30: {  	vm0 =	vgt.f32 v1, $5.000000000e-01  }
0x31: {  	v1 =	vsel vm0, $0x3F800000, v0  }
0x32: {  	[tilespmem:s22+$0x18000] =	vst v1  }
0x33: {  	v1 =	vld.idx.msk [tilespmem:v2+s15+$0x0], $0xffff  }
0x34: {  	v2 =	vshll.u32 v3, $0x3  }
0x35: {  	v3 =	vand.u32 $0x7F, v3;
	v2 =	vand.u32 $0xFFFFFC00, v2  }
0x36: {  	v2 =	vor.u32 v3, v2;
	_ =	sdelay $0x1  }
0x37: {  	vm14 =	vgt.f32 v1, $5.000000000e-01  }
0x38: {  	v1 =	vsel vm14, $0x3F800000, v0  }
0x39: {  	[tilespmem:s21+$0x18000] =	vst v1  }
0x3a: {  	v1 =	vld.idx.msk [tilespmem:v2+s15+$0x0], $0xffff;
	_ =	sdelay $0x4  }
0x3b: {  	vm15 =	vgt.f32 v1, $5.000000000e-01  }
0x3c: {  	v1 =	vsel vm15, $0x3F800000, v0  }
0x3d: {  	s16 =	sor.u32 s17, s16;
	[tilespmem:s23+$0x18000] =	vst v1  }
0x3e: {  	v1 =	vld [tilespmem:s16+$0x10080];
	_ =	sdelay $0x4  }
0x3f: {  	v2 =	vshll.u32 v1, $0x3  }
0x40: {  	v1 =	vand.u32 $0x7F, v1;
	v2 =	vand.u32 $0xFFFFFC00, v2  }
0x41: {  	s15 =	sor.u32 s20, s19;
	v1 =	vor.u32 v2, v1  }
0x42: {  	v3 =	vld [tilespmem:s15+$0x10080];
	v1 =	vor.u32 $0x80, v1;
	_ =	sdelay $0x3  }
0x43: {  	s17 =	simm.s32 $0x0  }
0x44: {  	v2 =	vshll.u32 v3, $0x3;
	v1 =	vld.idx.msk [tilespmem:v1+s17+$0x0], $0xffff  }
0x45: {  	s19 =	simm.s32 $0x100;
	v3 =	vand.u32 $0x7F, v3;
	v2 =	vand.u32 $0xFFFFFC00, v2  }
0x46: {  	s20 =	sand.u32 $0x70, s18;
	s18 =	simm.s32 $0x30;
	s21 =	sand.u32 $0x3C00, s19;
	v2 =	vor.u32 v2, v3  }
.LBB2_5:
0x47: {  	p0 =	sne.s32 s18, $0x7F0;
	s20 =	sor.u32 s21, s20;
	v2 =	vor.u32 $0x80, v2  }
0x48: {  	v3 =	vld [tilespmem:s20+$0x10080]  }
0x49: {  	vm0 =	vgt.f32 v1, $5.000000000e-01  }
0x4a: {  	v1 =	vsel vm0, $0x3F800000, v0  }
.Ltmp3:
0x4b: {  	[tilespmem:s16+$0x18080] =	vst v1;
	s16 =	smov.u32 s15;
	(pc) =	sbr.rel @p0 .LBB2_5-.Ltmp3, $4  }
0x4c: {  	s15 =	smov.u32 s20;
	v1 =	vld.idx.msk [tilespmem:v2+s17+$0x0], $0xffff  }
0x4d: {  	v2 =	vshll.u32 v3, $0x3  }
0x4e: {  	s19 =	sadd.s32 $0x80, s19;
	v3 =	vand.u32 $0x7F, v3;
	v2 =	vand.u32 $0xFFFFFC00, v2  }
0x4f: {  	s21 =	sand.u32 $0x3C00, s19;
	s20 =	sand.u32 $0x70, s18;
	s18 =	sadd.s32 $0x10, s18;
	v2 =	vor.u32 v2, v3  }
0x50: {  	s19 =	sor.u32 s21, s20  }
0x51: {  	v2 =	vor.u32 $0x80, v2;
	v3 =	vld [tilespmem:s19+$0x10080];
	_ =	sdelay $0x1  }
0x52: {  	vm0 =	vgt.f32 v1, $5.000000000e-01  }
0x53: {  	v1 =	vsel vm0, $0x3F800000, v0  }
0x54: {  	s17 =	simm.s32 $0x0;
	[tilespmem:s16+$0x18080] =	vst v1  }
0x55: {  	v1 =	vld.idx.msk [tilespmem:v2+s17+$0x0], $0xffff;
	v2 =	vshll.u32 v3, $0x3  }
0x56: {  	v3 =	vand.u32 $0x7F, v3;
	v2 =	vand.u32 $0xFFFFFC00, v2  }
0x57: {  	v2 =	vor.u32 v2, v3  }
0x58: {  	v2 =	vor.u32 $0x80, v2;
	_ =	sdelay $0x1  }
0x59: {  	vm14 =	vgt.f32 v1, $5.000000000e-01  }
0x5a: {  	v1 =	vsel vm14, $0x3F800000, v0  }
0x5b: {  	[tilespmem:s15+$0x18080] =	vst v1  }
0x5c: {  	v1 =	vld.idx.msk [tilespmem:v2+s17+$0x0], $0xffff;
	_ =	sdelay $0x1  }
0x5d: {  	p1 =	por $0x1, $0x1  }
.Ltmp4:
0x5e: {  	_ = 	snop;
	(pc) =	sbr.rel @!p1 .LBB2_13-.Ltmp4, $4  }
0x5f: {  	_ = 	snop  }
0x60: {  	s18 =	simm.s32 $0x10;
	p2 =	por $0x0, $0x0;
	vm15 =	vgt.f32 v1, $5.000000000e-01  }
0x61: {  	p0 =	por $0x0, $0x0;
	s16 =	sand.u32 $0x3C00, s17;
	s15 =	sand.u32 $0x70, s17;
	v1 =	vsel vm15, $0x3F800000, v0  }
0x62: {  	p3 =	por $0x0, $0x0;
	s22 =	smov.u32 s16;
	s21 =	smov.u32 s15;
	[tilespmem:s19+$0x18080] =	vst v1  }
0x63: {  	s19 =	sor.u32 s16, s15  }
0x64: {  	v1 =	vld [tilespmem:s19+$0x10100];
	_ =	sdelay $0x1  }
0x65: {  	p3 =	por $0x1, $0x1  }
.Ltmp5:
0x66: {  	_ = 	snop;
	(pc) =	sbr.rel @!p3 .LBB2_8-.Ltmp5, $4  }
0x67: {  	_ = 	snop  }
0x68: {  	v2 =	vshll.u32 v1, $0x3  }
0x69: {  	s20 =	simm.s32 $0x80;
	s21 =	sand.u32 $0x70, s18;
	v1 =	vand.u32 $0x7F, v1;
	v2 =	vand.u32 $0xFFFFFC00, v2  }
0x6a: {  	s24 =	simm.s32 $0x20;
	p2 =	por $0x1, $0x1;
	s22 =	sand.u32 $0x3C00, s20;
	v2 =	vor.u32 v2, v1  }
0x6b: {  	s20 =	sor.u32 s22, s21  }
0x6c: {  	v2 =	vor.u32 $0x100, v2;
	v1 =	vld [tilespmem:s20+$0x10100];
	_ =	sdelay $0x1  }
0x6d: {  	p4 =	por $0x1, $0x1  }
.Ltmp6:
0x6e: {  	_ = 	snop;
	(pc) =	sbr.rel @!p4 .LBB2_10-.Ltmp6, $4  }
0x6f: {  	_ = 	snop  }
0x70: {  	v3 =	vshll.u32 v1, $0x3;
	v4 =	vand.u32 $0x7F, v1;
	v1 =	vld.idx.msk [tilespmem:v2+s17+$0x0], $0xffff  }
0x71: {  	s23 =	simm.s32 $0x100;
	s21 =	sand.u32 $0x70, s24;
	v3 =	vand.u32 $0xFFFFFC00, v3  }
0x72: {  	s24 =	simm.s32 $0x30;
	p3 =	por $0x1, $0x1;
	s22 =	sand.u32 $0x3C00, s23;
	v2 =	vor.u32 v3, v4  }
.LBB2_11:
0x73: {  	p4 =	sne.s32 s24, $0x7F0;
	s21 =	sor.u32 s22, s21;
	v2 =	vor.u32 $0x100, v2  }
0x74: {  	v3 =	vld [tilespmem:s21+$0x10100]  }
0x75: {  	vm0 =	vgt.f32 v1, $5.000000000e-01  }
0x76: {  	v1 =	vsel vm0, $0x3F800000, v0  }
.Ltmp7:
0x77: {  	[tilespmem:s19+$0x18100] =	vst v1;
	s19 =	smov.u32 s20;
	s20 =	smov.u32 s21;
	(pc) =	sbr.rel @p4 .LBB2_11-.Ltmp7, $4  }
0x78: {  	v1 =	vld.idx.msk [tilespmem:v2+s17+$0x0], $0xffff  }
0x79: {  	v2 =	vshll.u32 v3, $0x3  }
0x7a: {  	s23 =	sadd.s32 $0x80, s23;
	v3 =	vand.u32 $0x7F, v3;
	v2 =	vand.u32 $0xFFFFFC00, v2  }
0x7b: {  	s22 =	sand.u32 $0x3C00, s23;
	s21 =	sand.u32 $0x70, s24;
	s24 =	sadd.s32 $0x10, s24;
	v2 =	vor.u32 v2, v3  }
0x7c: {  	s23 =	smov.u32 s19;
	s19 =	smov.u32 s20  }
.LBB2_13:
0x7d: {  	s20 =	sor.u32 s22, s21;
	v2 =	vor.u32 @p2 $0x100, v2  }
0x7e: {  	v3 =	vld [tilespmem:s20+$0x10100]  }
0x7f: {  	vm0 =	vgt.f32 @p3 v1, $5.000000000e-01  }
0x80: {  	v1 =	vsel @p3 vm0, $0x3F800000, v0  }
0x81: {  	[tilespmem:s23+$0x18100] =	vst @p3 v1  }
0x82: {  	v1 =	vld.idx.msk @p2 [tilespmem:v2+s17+$0x0], $0xffff  }
0x83: {  	v2 =	vshll.u32 v3, $0x3  }
0x84: {  	v3 =	vand.u32 $0x7F, v3;
	v2 =	vand.u32 $0xFFFFFC00, v2  }
0x85: {  	v2 =	vor.u32 v2, v3  }
0x86: {  	v2 =	vor.u32 $0x100, v2  }
0x87: {  	v1 =	vpsel p2, v1, v0  }
0x88: {  	vm0 =	vgt.f32 @p2 v1, $5.000000000e-01  }
0x89: {  	s19 =	smov.u32 @p2 s19;
	v1 =	vsel @p2 vm0, $0x3F800000, v0  }
0x8a: {  	[tilespmem:s19+$0x18100] =	vst @p2 v1  }
0x8b: {  	v1 =	vld.idx.msk [tilespmem:v2+s17+$0x0], $0xffff;
	_ =	sdelay $0x2  }
.Ltmp8:
0x8c: {  	_ = 	snop;
	(pc) =	sbr.rel @!p1 .LBB2_14-.Ltmp8, $4  }
0x8d: {  	_ = 	snop  }
0x8e: {  	vm15 =	vgt.f32 v1, $5.000000000e-01  }
0x8f: {  	v1 =	vsel vm15, $0x3F800000, v0  }
0x90: {  	[tilespmem:s20+$0x18100] =	vst v1  }
0x91: {  	s17 =	sor.u32 s16, s15  }
0x92: {  	v1 =	vld [tilespmem:s17+$0x10180];
	_ =	sdelay $0x1  }
0x93: {  	p2 =	por $0x1, $0x1  }
.Ltmp9:
0x94: {  	_ = 	snop;
	(pc) =	sbr.rel @!p2 .LBB2_16-.Ltmp9, $4  }
0x95: {  	_ = 	snop  }
0x96: {  	v2 =	vshll.u32 v1, $0x3  }
0x97: {  	s31 =	simm.s32 $0x80;
	s15 =	sand.u32 $0x70, s18;
	v1 =	vand.u32 $0x7F, v1;
	v2 =	vand.u32 $0xFFFFFC00, v2  }
0x98: {  	s21 =	simm.s32 $0x20;
	p1 =	por $0x1, $0x1;
	s16 =	sand.u32 $0x3C00, s31;
	v2 =	vor.u32 v2, v1  }
0x99: {  	s18 =	sor.u32 s16, s15  }
0x9a: {  	v2 =	vor.u32 $0x180, v2;
	v1 =	vld [tilespmem:s18+$0x10180];
	_ =	sdelay $0x1  }
0x9b: {  	p2 =	por $0x1, $0x1  }
.Ltmp10:
0x9c: {  	_ = 	snop;
	(pc) =	sbr.rel @!p2 .LBB2_18-.Ltmp10, $4  }
0x9d: {  	s19 =	simm.s32 $0x0  }
0x9e: {  	v3 =	vshll.u32 v1, $0x3;
	v4 =	vand.u32 $0x7F, v1;
	v1 =	vld.idx.msk [tilespmem:v2+s19+$0x0], $0xffff  }
0x9f: {  	s20 =	simm.s32 $0x100;
	s15 =	sand.u32 $0x70, s21;
	v3 =	vand.u32 $0xFFFFFC00, v3  }
0xa0: {  	s21 =	simm.s32 $0x30;
	p0 =	por $0x1, $0x1;
	s16 =	sand.u32 $0x3C00, s20;
	v2 =	vor.u32 v3, v4  }
.LBB2_19:
0xa1: {  	p2 =	sne.s32 s21, $0x7F0;
	s15 =	sor.u32 s16, s15;
	v2 =	vor.u32 $0x180, v2  }
0xa2: {  	v3 =	vld [tilespmem:s15+$0x10180]  }
0xa3: {  	vm0 =	vgt.f32 v1, $5.000000000e-01  }
0xa4: {  	v1 =	vsel vm0, $0x3F800000, v0  }
.Ltmp11:
0xa5: {  	[tilespmem:s17+$0x18180] =	vst v1;
	s17 =	smov.u32 s18;
	(pc) =	sbr.rel @p2 .LBB2_19-.Ltmp11, $4  }
0xa6: {  	s18 =	smov.u32 s15;
	v1 =	vld.idx.msk [tilespmem:v2+s19+$0x0], $0xffff  }
0xa7: {  	v2 =	vshll.u32 v3, $0x3  }
0xa8: {  	s20 =	sadd.s32 $0x80, s20;
	v3 =	vand.u32 $0x7F, v3;
	v2 =	vand.u32 $0xFFFFFC00, v2  }
0xa9: {  	s16 =	sand.u32 $0x3C00, s20;
	s15 =	sand.u32 $0x70, s21;
	s21 =	sadd.s32 $0x10, s21;
	v2 =	vor.u32 v2, v3  }
0xaa: {  	s19 =	smov.u32 s17;
	s17 =	smov.u32 s18  }
.LBB2_21:
0xab: {  	s20 =	sor.u32 s16, s15;
	v2 =	vor.u32 @p1 $0x180, v2  }
0xac: {  	v3 =	vld [tilespmem:s20+$0x10180]  }
0xad: {  	vm0 =	vgt.f32 @p0 v1, $5.000000000e-01  }
0xae: {  	v1 =	vsel @p0 vm0, $0x3F800000, v0  }
0xaf: {  	s15 =	simm.s32 @p1 $0x0;
	[tilespmem:s19+$0x18180] =	vst @p0 v1  }
0xb0: {  	v1 =	vld.idx.msk @p1 [tilespmem:v2+s15+$0x0], $0xffff  }
0xb1: {  	v2 =	vshll.u32 v3, $0x3  }
0xb2: {  	v3 =	vand.u32 $0x7F, v3;
	v2 =	vand.u32 $0xFFFFFC00, v2  }
0xb3: {  	v2 =	vor.u32 v2, v3  }
0xb4: {  	v2 =	vor.u32 $0x180, v2  }
0xb5: {  	v1 =	vpsel p1, v1, v0  }
0xb6: {  	s15 =	smov.u32 @p1 s17;
	vm0 =	vgt.f32 @p1 v1, $5.000000000e-01  }
0xb7: {  	s15 =	smov.u32 @p1 s15;
	v1 =	vsel @p1 vm0, $0x3F800000, v0  }
0xb8: {  	s18 =	simm.s32 $0x0;
	[tilespmem:s15+$0x18180] =	vst @p1 v1  }
0xb9: {  	v1 =	vld.idx.msk [tilespmem:v2+s18+$0x0], $0xffff;
	_ =	sdelay $0x1  }
0xba: {  	p1 =	por $0x1, $0x1  }
.Ltmp12:
0xbb: {  	_ = 	snop;
	(pc) =	sbr.rel @!p1 .LBB2_28-.Ltmp12, $4  }
0xbc: {  	_ = 	snop  }
0xbd: {  	p2 =	por $0x0, $0x0;
	p3 =	por $0x0, $0x0;
	vm15 =	vgt.f32 v1, $5.000000000e-01  }
0xbe: {  	s16 =	sand.u32 $0x3C00, s18;
	p0 =	por $0x0, $0x0;
	s15 =	sand.u32 $0x70, s18;
	v1 =	vsel vm15, $0x3F800000, v0  }
0xbf: {  	s22 =	smov.u32 s16;
	s17 =	simm.s32 $0x10;
	s21 =	smov.u32 s15;
	[tilespmem:s20+$0x18180] =	vst v1  }
0xc0: {  	s19 =	sor.u32 s16, s15  }
0xc1: {  	v1 =	vld [tilespmem:s19+$0x10200];
	_ =	sdelay $0x1  }
0xc2: {  	p3 =	por $0x1, $0x1  }
.Ltmp13:
0xc3: {  	_ = 	snop;
	(pc) =	sbr.rel @!p3 .LBB2_23-.Ltmp13, $4  }
0xc4: {  	_ = 	snop  }
0xc5: {  	v2 =	vshll.u32 v1, $0x3  }
0xc6: {  	s20 =	simm.s32 $0x80;
	s21 =	sand.u32 $0x70, s17;
	v1 =	vand.u32 $0x7F, v1;
	v2 =	vand.u32 $0xFFFFFC00, v2  }
0xc7: {  	s24 =	simm.s32 $0x20;
	p2 =	por $0x1, $0x1;
	s22 =	sand.u32 $0x3C00, s20;
	v2 =	vor.u32 v2, v1  }
0xc8: {  	s20 =	sor.u32 s22, s21  }
0xc9: {  	v2 =	vor.u32 $0x200, v2;
	v1 =	vld [tilespmem:s20+$0x10200];
	_ =	sdelay $0x1  }
0xca: {  	p4 =	por $0x1, $0x1  }
.Ltmp14:
0xcb: {  	_ = 	snop;
	(pc) =	sbr.rel @!p4 .LBB2_25-.Ltmp14, $4  }
0xcc: {  	_ = 	snop  }
0xcd: {  	v3 =	vshll.u32 v1, $0x3;
	v4 =	vand.u32 $0x7F, v1;
	v1 =	vld.idx.msk [tilespmem:v2+s18+$0x0], $0xffff  }
0xce: {  	s23 =	simm.s32 $0x100;
	s21 =	sand.u32 $0x70, s24;
	v3 =	vand.u32 $0xFFFFFC00, v3  }
0xcf: {  	s24 =	simm.s32 $0x30;
	p3 =	por $0x1, $0x1;
	s22 =	sand.u32 $0x3C00, s23;
	v2 =	vor.u32 v3, v4  }
.LBB2_26:
0xd0: {  	p4 =	sne.s32 s24, $0x7F0;
	s21 =	sor.u32 s22, s21;
	v2 =	vor.u32 $0x200, v2  }
0xd1: {  	v3 =	vld [tilespmem:s21+$0x10200]  }
0xd2: {  	vm0 =	vgt.f32 v1, $5.000000000e-01  }
0xd3: {  	v1 =	vsel vm0, $0x3F800000, v0  }
.Ltmp15:
0xd4: {  	[tilespmem:s19+$0x18200] =	vst v1;
	s19 =	smov.u32 s20;
	s20 =	smov.u32 s21;
	(pc) =	sbr.rel @p4 .LBB2_26-.Ltmp15, $4  }
0xd5: {  	v1 =	vld.idx.msk [tilespmem:v2+s18+$0x0], $0xffff  }
0xd6: {  	v2 =	vshll.u32 v3, $0x3  }
0xd7: {  	s23 =	sadd.s32 $0x80, s23;
	v3 =	vand.u32 $0x7F, v3;
	v2 =	vand.u32 $0xFFFFFC00, v2  }
0xd8: {  	s22 =	sand.u32 $0x3C00, s23;
	s21 =	sand.u32 $0x70, s24;
	s24 =	sadd.s32 $0x10, s24;
	v2 =	vor.u32 v2, v3  }
0xd9: {  	s23 =	smov.u32 s19;
	s19 =	smov.u32 s20  }
.LBB2_28:
0xda: {  	s20 =	sor.u32 s22, s21;
	v2 =	vor.u32 @p2 $0x200, v2  }
0xdb: {  	v3 =	vld [tilespmem:s20+$0x10200]  }
0xdc: {  	vm0 =	vgt.f32 @p3 v1, $5.000000000e-01  }
0xdd: {  	v1 =	vsel @p3 vm0, $0x3F800000, v0  }
0xde: {  	[tilespmem:s23+$0x18200] =	vst @p3 v1  }
0xdf: {  	v1 =	vld.idx.msk @p2 [tilespmem:v2+s18+$0x0], $0xffff  }
0xe0: {  	v2 =	vshll.u32 v3, $0x3  }
0xe1: {  	v3 =	vand.u32 $0x7F, v3;
	v2 =	vand.u32 $0xFFFFFC00, v2  }
0xe2: {  	v2 =	vor.u32 v2, v3  }
0xe3: {  	v2 =	vor.u32 $0x200, v2  }
0xe4: {  	v1 =	vpsel p2, v1, v0  }
0xe5: {  	vm0 =	vgt.f32 @p2 v1, $5.000000000e-01  }
0xe6: {  	s19 =	smov.u32 @p2 s19;
	v1 =	vsel @p2 vm0, $0x3F800000, v0  }
0xe7: {  	[tilespmem:s19+$0x18200] =	vst @p2 v1  }
0xe8: {  	v1 =	vld.idx.msk [tilespmem:v2+s18+$0x0], $0xffff;
	_ =	sdelay $0x2  }
.Ltmp16:
0xe9: {  	_ = 	snop;
	(pc) =	sbr.rel @!p1 .LBB2_29-.Ltmp16, $4  }
0xea: {  	_ = 	snop  }
0xeb: {  	vm15 =	vgt.f32 v1, $5.000000000e-01  }
0xec: {  	v1 =	vsel vm15, $0x3F800000, v0  }
0xed: {  	[tilespmem:s20+$0x18200] =	vst v1  }
0xee: {  	s18 =	sor.u32 s16, s15  }
0xef: {  	v1 =	vld [tilespmem:s18+$0x10280];
	_ =	sdelay $0x1  }
0xf0: {  	p2 =	por $0x1, $0x1  }
.Ltmp17:
0xf1: {  	_ = 	snop;
	(pc) =	sbr.rel @!p2 .LBB2_31-.Ltmp17, $4  }
0xf2: {  	_ = 	snop  }
0xf3: {  	v2 =	vshll.u32 v1, $0x3  }
0xf4: {  	s31 =	simm.s32 $0x80;
	s15 =	sand.u32 $0x70, s17;
	v1 =	vand.u32 $0x7F, v1;
	v2 =	vand.u32 $0xFFFFFC00, v2  }
0xf5: {  	s21 =	simm.s32 $0x20;
	p1 =	por $0x1, $0x1;
	s16 =	sand.u32 $0x3C00, s31;
	v2 =	vor.u32 v2, v1  }
0xf6: {  	s17 =	sor.u32 s16, s15  }
0xf7: {  	v2 =	vor.u32 $0x280, v2;
	v1 =	vld [tilespmem:s17+$0x10280];
	_ =	sdelay $0x1  }
0xf8: {  	p2 =	por $0x1, $0x1  }
.Ltmp18:
0xf9: {  	_ = 	snop;
	(pc) =	sbr.rel @!p2 .LBB2_33-.Ltmp18, $4  }
0xfa: {  	s19 =	simm.s32 $0x0  }
0xfb: {  	v3 =	vshll.u32 v1, $0x3;
	v4 =	vand.u32 $0x7F, v1;
	v1 =	vld.idx.msk [tilespmem:v2+s19+$0x0], $0xffff  }
0xfc: {  	s20 =	simm.s32 $0x100;
	s15 =	sand.u32 $0x70, s21;
	v3 =	vand.u32 $0xFFFFFC00, v3  }
0xfd: {  	s21 =	simm.s32 $0x30;
	p0 =	por $0x1, $0x1;
	s16 =	sand.u32 $0x3C00, s20;
	v2 =	vor.u32 v3, v4  }
.LBB2_34:
0xfe: {  	p2 =	sne.s32 s21, $0x7F0;
	s15 =	sor.u32 s16, s15;
	v2 =	vor.u32 $0x280, v2  }
0xff: {  	v3 =	vld [tilespmem:s15+$0x10280]  }
0x100: {  	vm0 =	vgt.f32 v1, $5.000000000e-01  }
0x101: {  	v1 =	vsel vm0, $0x3F800000, v0  }
.Ltmp19:
0x102: {  	[tilespmem:s18+$0x18280] =	vst v1;
	s18 =	smov.u32 s17;
	(pc) =	sbr.rel @p2 .LBB2_34-.Ltmp19, $4  }
0x103: {  	s17 =	smov.u32 s15;
	v1 =	vld.idx.msk [tilespmem:v2+s19+$0x0], $0xffff  }
0x104: {  	v2 =	vshll.u32 v3, $0x3  }
0x105: {  	s20 =	sadd.s32 $0x80, s20;
	v3 =	vand.u32 $0x7F, v3;
	v2 =	vand.u32 $0xFFFFFC00, v2  }
0x106: {  	s16 =	sand.u32 $0x3C00, s20;
	s15 =	sand.u32 $0x70, s21;
	s21 =	sadd.s32 $0x10, s21;
	v2 =	vor.u32 v2, v3  }
0x107: {  	s19 =	smov.u32 s18;
	s18 =	smov.u32 s17  }
.LBB2_36:
0x108: {  	s16 =	sor.u32 s16, s15;
	v2 =	vor.u32 @p1 $0x280, v2  }
0x109: {  	v3 =	vld [tilespmem:s16+$0x10280]  }
0x10a: {  	vm0 =	vgt.f32 @p0 v1, $5.000000000e-01  }
0x10b: {  	v1 =	vsel @p0 vm0, $0x3F800000, v0  }
0x10c: {  	s15 =	simm.s32 @p1 $0x0;
	[tilespmem:s19+$0x18280] =	vst @p0 v1  }
0x10d: {  	v1 =	vld.idx.msk @p1 [tilespmem:v2+s15+$0x0], $0xffff  }
0x10e: {  	v2 =	vshll.u32 v3, $0x3  }
0x10f: {  	v3 =	vand.u32 $0x7F, v3;
	v2 =	vand.u32 $0xFFFFFC00, v2  }
0x110: {  	v2 =	vor.u32 v2, v3  }
0x111: {  	v2 =	vor.u32 $0x280, v2  }
0x112: {  	v1 =	vpsel p1, v1, v0  }
0x113: {  	s15 =	smov.u32 @p1 s18;
	vm0 =	vgt.f32 @p1 v1, $5.000000000e-01  }
0x114: {  	s17 =	smov.u32 @p1 s15;
	v1 =	vsel @p1 vm0, $0x3F800000, v0  }
0x115: {  	s15 =	simm.s32 $0x0;
	[tilespmem:s17+$0x18280] =	vst @p1 v1  }
0x116: {  	v1 =	vld.idx.msk [tilespmem:v2+s15+$0x0], $0xffff;
	_ =	sdelay $0x1  }
0x117: {  	p1 =	por $0x1, $0x1  }
.Ltmp20:
0x118: {  	_ = 	snop;
	(pc) =	sbr.rel @!p1 .LBB2_37-.Ltmp20, $4  }
0x119: {  	_ = 	snop  }
0x11a: {  	vm15 =	vgt.f32 v1, $5.000000000e-01  }
0x11b: {  	p2 =	por $0x0, $0x0;
	p0 =	por $0x0, $0x0;
	v1 =	vsel vm15, $0x3F800000, v0  }
0x11c: {  	s18 =	simm.s32 $0x10;
	s19 =	sand.u32 $0x3C00, s15;
	s17 =	sand.u32 $0x70, s15;
	[tilespmem:s16+$0x18280] =	vst v1  }
0x11d: {  	s16 =	sor.u32 s19, s17  }
0x11e: {  	v1 =	vld [tilespmem:s16+$0x10300];
	_ =	sdelay $0x1  }
0x11f: {  	p3 =	por $0x1, $0x1  }
.Ltmp21:
0x120: {  	_ = 	snop;
	(pc) =	sbr.rel @!p3 .LBB2_39-.Ltmp21, $4  }
0x121: {  	_ = 	snop  }
0x122: {  	v2 =	vshll.u32 v1, $0x3  }
0x123: {  	s31 =	simm.s32 $0x80;
	s17 =	sand.u32 $0x70, s18;
	v1 =	vand.u32 $0x7F, v1;
	v2 =	vand.u32 $0xFFFFFC00, v2  }
0x124: {  	s21 =	simm.s32 $0x20;
	p2 =	por $0x1, $0x1;
	s19 =	sand.u32 $0x3C00, s31;
	v2 =	vor.u32 v2, v1  }
0x125: {  	s18 =	sor.u32 s19, s17  }
0x126: {  	v2 =	vor.u32 $0x300, v2;
	v1 =	vld [tilespmem:s18+$0x10300];
	_ =	sdelay $0x1  }
0x127: {  	p4 =	por $0x1, $0x1  }
.Ltmp22:
0x128: {  	_ = 	snop;
	(pc) =	sbr.rel @!p4 .LBB2_41-.Ltmp22, $4  }
0x129: {  	_ = 	snop  }
0x12a: {  	v3 =	vshll.u32 v1, $0x3;
	v4 =	vand.u32 $0x7F, v1;
	v1 =	vld.idx.msk [tilespmem:v2+s15+$0x0], $0xffff  }
0x12b: {  	s20 =	simm.s32 $0x100;
	s17 =	sand.u32 $0x70, s21;
	v3 =	vand.u32 $0xFFFFFC00, v3  }
0x12c: {  	s21 =	simm.s32 $0x30;
	p3 =	por $0x1, $0x1;
	s19 =	sand.u32 $0x3C00, s20;
	v2 =	vor.u32 v3, v4  }
.LBB2_42:
0x12d: {  	p4 =	sne.s32 s21, $0x7F0;
	s17 =	sor.u32 s19, s17;
	v2 =	vor.u32 $0x300, v2  }
0x12e: {  	v3 =	vld [tilespmem:s17+$0x10300]  }
0x12f: {  	vm0 =	vgt.f32 v1, $5.000000000e-01  }
0x130: {  	v1 =	vsel vm0, $0x3F800000, v0  }
.Ltmp23:
0x131: {  	[tilespmem:s16+$0x18300] =	vst v1;
	s16 =	smov.u32 s18;
	s18 =	smov.u32 s17;
	(pc) =	sbr.rel @p4 .LBB2_42-.Ltmp23, $4  }
0x132: {  	v1 =	vld.idx.msk [tilespmem:v2+s15+$0x0], $0xffff  }
0x133: {  	v2 =	vshll.u32 v3, $0x3  }
0x134: {  	s20 =	sadd.s32 $0x80, s20;
	v3 =	vand.u32 $0x7F, v3;
	v2 =	vand.u32 $0xFFFFFC00, v2  }
0x135: {  	s19 =	sand.u32 $0x3C00, s20;
	s17 =	sand.u32 $0x70, s21;
	s21 =	sadd.s32 $0x10, s21;
	v2 =	vor.u32 v2, v3  }
0x136: {  	s20 =	smov.u32 s16;
	s16 =	smov.u32 s18  }
.LBB2_44:
0x137: {  	s17 =	sor.u32 s19, s17;
	v2 =	vor.u32 @p2 $0x300, v2  }
0x138: {  	v3 =	vld [tilespmem:s17+$0x10300]  }
0x139: {  	vm0 =	vgt.f32 @p3 v1, $5.000000000e-01  }
0x13a: {  	v1 =	vsel @p3 vm0, $0x3F800000, v0  }
0x13b: {  	[tilespmem:s20+$0x18300] =	vst @p3 v1  }
0x13c: {  	v1 =	vld.idx.msk @p2 [tilespmem:v2+s15+$0x0], $0xffff  }
0x13d: {  	v2 =	vshll.u32 v3, $0x3  }
0x13e: {  	v3 =	vand.u32 $0x7F, v3;
	v2 =	vand.u32 $0xFFFFFC00, v2  }
0x13f: {  	v2 =	vor.u32 v2, v3  }
0x140: {  	v2 =	vor.u32 $0x300, v2  }
0x141: {  	v1 =	vpsel p2, v1, v0  }
0x142: {  	vm0 =	vgt.f32 @p2 v1, $5.000000000e-01  }
0x143: {  	s16 =	smov.u32 @p2 s16;
	v1 =	vsel @p2 vm0, $0x3F800000, v0  }
0x144: {  	[tilespmem:s16+$0x18300] =	vst @p2 v1  }
0x145: {  	v1 =	vld.idx.msk [tilespmem:v2+s15+$0x0], $0xffff;
	_ =	sdelay $0x2  }
.Ltmp24:
0x146: {  	_ = 	snop;
	(pc) =	sbr.rel @!p1 .LBB2_45-.Ltmp24, $4  }
0x147: {  	_ = 	snop  }
0x148: {  	vm15 =	vgt.f32 v1, $5.000000000e-01  }
0x149: {  	v1 =	vsel vm15, $0x3F800000, v0  }
0x14a: {  	s19 =	sand.u32 $0x7, s15;
	[tilespmem:s17+$0x18300] =	vst v1  }
0x14b: {  	s16 =	sshll.u32 s19, $0x4  }
0x14c: {  	s16 =	sadd.s32 $0x0, s16  }
0x14d: {  	s16 =	sor.u32 $0x380, s16  }
0x14e: {  	p2 =	por $0x1, $0x1;
	v1 =	vld [tilespmem:s16+$0x10000]  }
.Ltmp25:
0x14f: {  	_ = 	snop;
	(pc) =	sbr.rel @!p2 .LBB2_47-.Ltmp25, $3  }
0x150: {  	_ =	sdelay $0x1  }
0x151: {  	s17 =	simm.s32 $0x1  }
0x152: {  	p1 =	por $0x1, $0x1;
	s19 =	sand.u32 $0x7, s17;
	v3 =	vshll.u32 v1, $0x3  }
0x153: {  	s17 =	sshll.u32 s19, $0x4  }
0x154: {  	v1 =	vand.u32 $0x7F, v1;
	v2 =	vand.u32 $0xFFFFFC00, v3;
	s17 =	sadd.s32 $0x80, s17  }
0x155: {  	v1 =	vor.u32 v2, v1;
	s18 =	sor.u32 $0x380, s17  }
0x156: {  	p2 =	por $0x1, $0x1;
	v2 =	vor.u32 $0x380, v1;
	v1 =	vld [tilespmem:s18+$0x10000]  }
.Ltmp26:
0x157: {  	_ = 	snop;
	(pc) =	sbr.rel @!p2 .LBB2_49-.Ltmp26, $3  }
0x158: {  	_ =	sdelay $0x1  }
0x159: {  	s20 =	simm.s32 $0x2;
	s21 =	simm.s32 $0x30  }
0x15a: {  	p0 =	por $0x1, $0x1;
	s19 =	sand.u32 $0x7, s20;
	s17 =	simm.s32 $0x80;
	v2 =	vld.idx.msk [tilespmem:v2+s2+$0x0], $0xffff;
	v3 =	vshll.u32 v1, $0x3  }
.LBB2_50:
0x15b: {  	p2 =	sne.s32 s21, $0x7F0;
	s19 =	sshll.u32 s19, $0x4;
	v1 =	vand.u32 $0x7F, v1;
	v3 =	vand.u32 $0xFFFFFC00, v3;
	s17 =	sadd.s32 $0x80, s17  }
0x15c: {  	s19 =	sadd.s32 s19, s17;
	v1 =	vor.u32 v3, v1  }
0x15d: {  	s19 =	sor.u32 $0x380, s19;
	v3 =	vor.u32 $0x380, v1  }
0x15e: {  	v1 =	vld [tilespmem:s19+$0x10000]  }
.Ltmp27:
0x15f: {  	vm0 =	vgt.f32 v2, $5.000000000e-01;
	(pc) =	sbr.rel @p2 .LBB2_50-.Ltmp27, $4  }
0x160: {  	v2 =	vsel vm0, $0x3F800000, v0  }
0x161: {  	[tilespmem:s16+$0x18000] =	vst v2;
	s16 =	smov.u32 s18;
	s18 =	smov.u32 s19  }
0x162: {  	s20 =	sadd.s32 $0x1, s20;
	v2 =	vld.idx.msk [tilespmem:v3+s2+$0x0], $0xffff  }
0x163: {  	s21 =	sadd.s32 $0x10, s21;
	s19 =	sand.u32 $0x7, s20;
	v3 =	vshll.u32 v1, $0x3  }
0x164: {  	s20 =	smov.u32 s16;
	s16 =	smov.u32 s18  }
.LBB2_52:
0x165: {  	s17 =	sadd.s32 @p1 $0x80, s17  }
0x166: {  	s18 =	sshll.u32 s19, $0x4;
	v1 =	vand.u32 @p1 $0x7F, v1;
	v3 =	vand.u32 @p1 $0xFFFFFC00, v3;
	s15 =	smov.u32 @p1 s17  }
0x167: {  	v1 =	vor.u32 @p1 v3, v1;
	s15 =	sadd.s32 s18, s15  }
0x168: {  	v1 =	vor.u32 @p1 $0x380, v1;
	s15 =	sor.u32 $0x380, s15  }
0x169: {  	v3 =	vld [tilespmem:s15+$0x10000]  }
0x16a: {  	vm0 =	vgt.f32 @p0 v2, $5.000000000e-01  }
0x16b: {  	v2 =	vsel @p0 vm0, $0x3F800000, v0  }
0x16c: {  	[tilespmem:s20+$0x18000] =	vst @p0 v2  }
0x16d: {  	v1 =	vld.idx.msk @p1 [tilespmem:v1+s2+$0x0], $0xffff  }
0x16e: {  	v2 =	vshll.u32 v3, $0x3  }
0x16f: {  	v3 =	vand.u32 $0x7F, v3;
	v2 =	vand.u32 $0xFFFFFC00, v2  }
0x170: {  	v2 =	vor.u32 v2, v3  }
0x171: {  	v2 =	vor.u32 $0x380, v2  }
0x172: {  	v1 =	vpsel p1, v1, v0  }
0x173: {  	vm0 =	vgt.f32 @p1 v1, $5.000000000e-01  }
0x174: {  	s16 =	smov.u32 @p1 s16;
	v1 =	vsel @p1 vm0, $0x3F800000, v0  }
0x175: {  	[tilespmem:s16+$0x18000] =	vst @p1 v1  }
0x176: {  	v1 =	vld.idx.msk [tilespmem:v2+s2+$0x0], $0xffff;
	_ =	sdelay $0x4  }
0x177: {  	vm15 =	vgt.f32 v1, $5.000000000e-01  }
0x178: {  	v1 =	vsel vm15, $0x3F800000, v0  }
0x179: {  	s26 =	sadd.s32 s5, s14;
	s17 =	simm.s32 $0x0;
	[tilespmem:s15+$0x18000] =	vst v1  }
0x17a: {  	[hbm4b:s26+s17] =	stream.linear.scatter [tilespmem:s11], [sflag:$0x1], $0x4000, $0x38;
	[tilespmem:$0x1C000] =	vst v63  }
0x17b: {  	_ =	swait.ge [sflag:s9], $0x4000  }
0x17c: {  	s28 =	sand.u32 $0x70, s17;
	s29 =	sand.u32 $0x3C00, s17;
	[sflag:s9] =	ssyncset.done $0x0  }
0x17d: {  	s15 =	sor.u32 s28, s29;
	[sflag:s9] =	ssyncadd.s32 $0xFFFFC000  }
0x17e: {  	v1 =	vld [tilespmem:s15+$0x14000];
	_ =	sdelay $0x4  }
0x17f: {  	s30 =	simm.s32 $0x10;
	s31 =	simm.s32 $0x80;
	v2 =	vshll.u32 v1, $0x3  }
0x180: {  	s18 =	sand.u32 $0x3C00, s31;
	s16 =	sand.u32 $0x70, s30;
	v1 =	vand.u32 $0x7F, v1;
	v2 =	vand.u32 $0xFFFFFC00, v2  }
0x181: {  	s16 =	sor.u32 s16, s18;
	v1 =	vor.u32 v1, v2  }
0x182: {  	v3 =	vld [tilespmem:s16+$0x14000];
	v1 =	vadd.s32 $0x8000, v1;
	_ =	sdelay $0x4  }
0x183: {  	s20 =	simm.s32 $0x100;
	v2 =	vshll.u32 v3, $0x3;
	v1 =	vld.idx.msk [tilespmem:v1+s17+$0x0], $0xffff  }
0x184: {  	s22 =	simm.s32 $0x30;
	s24 =	sand.u32 $0x3C00, s20;
	s18 =	simm.s32 $0x20;
	v3 =	vand.u32 $0x7F, v3;
	v2 =	vand.u32 $0xFFFFFC00, v2  }
0x185: {  	s23 =	sand.u32 $0x70, s18;
	s19 =	smov.u32 s16;
	s21 =	smov.u32 s15;
	v2 =	vor.u32 v3, v2  }
.LBB2_53:
0x186: {  	p0 =	sne.s32 s22, $0x7F0;
	s23 =	sor.u32 s23, s24;
	v2 =	vadd.s32 $0x8000, v2  }
0x187: {  	v3 =	vld [tilespmem:s23+$0x14000]  }
0x188: {  	vm0 =	vgt.f32 v1, $5.000000000e-01  }
0x189: {  	v1 =	vsel vm0, $0x3F800000, v0  }
.Ltmp28:
0x18a: {  	[tilespmem:s21+$0x18000] =	vst v1;
	s21 =	smov.u32 s19;
	s19 =	smov.u32 s23;
	(pc) =	sbr.rel @p0 .LBB2_53-.Ltmp28, $4  }
0x18b: {  	v1 =	vld.idx.msk [tilespmem:v2+s17+$0x0], $0xffff  }
0x18c: {  	v2 =	vshll.u32 v3, $0x3  }
0x18d: {  	s20 =	sadd.s32 $0x80, s20;
	v3 =	vand.u32 $0x7F, v3;
	v2 =	vand.u32 $0xFFFFFC00, v2  }
0x18e: {  	s24 =	sand.u32 $0x3C00, s20;
	s23 =	sand.u32 $0x70, s22;
	s22 =	sadd.s32 $0x10, s22;
	v2 =	vor.u32 v3, v2  }
0x18f: {  	s20 =	sor.u32 s23, s24  }
0x190: {  	v2 =	vadd.s32 $0x8000, v2;
	v3 =	vld [tilespmem:s20+$0x14000];
	_ =	sdelay $0x1  }
0x191: {  	vm0 =	vgt.f32 v1, $5.000000000e-01  }
0x192: {  	v1 =	vsel vm0, $0x3F800000, v0  }
0x193: {  	[tilespmem:s21+$0x18000] =	vst v1  }
0x194: {  	v1 =	vld.idx.msk [tilespmem:v2+s17+$0x0], $0xffff;
	v2 =	vshll.u32 v3, $0x3  }
0x195: {  	v3 =	vand.u32 $0x7F, v3;
	v2 =	vand.u32 $0xFFFFFC00, v2  }
0x196: {  	v2 =	vor.u32 v3, v2  }
0x197: {  	v2 =	vadd.s32 $0x8000, v2;
	_ =	sdelay $0x1  }
0x198: {  	vm14 =	vgt.f32 v1, $5.000000000e-01  }
0x199: {  	v1 =	vsel vm14, $0x3F800000, v0  }
0x19a: {  	[tilespmem:s19+$0x18000] =	vst v1  }
0x19b: {  	v1 =	vld.idx.msk [tilespmem:v2+s17+$0x0], $0xffff;
	_ =	sdelay $0x4  }
0x19c: {  	vm15 =	vgt.f32 v1, $5.000000000e-01  }
0x19d: {  	v1 =	vsel vm15, $0x3F800000, v0  }
0x19e: {  	[tilespmem:s20+$0x18000] =	vst v1  }
0x19f: {  	v1 =	vld [tilespmem:s15+$0x14080];
	_ =	sdelay $0x4  }
0x1a0: {  	v2 =	vshll.u32 v1, $0x3  }
0x1a1: {  	v1 =	vand.u32 $0x7F, v1;
	v2 =	vand.u32 $0xFFFFFC00, v2  }
0x1a2: {  	v1 =	vor.u32 v1, v2  }
0x1a3: {  	v3 =	vld [tilespmem:s16+$0x14080];
	v1 =	vadd.s32 $0x8080, v1;
	_ =	sdelay $0x3  }
0x1a4: {  	s17 =	simm.s32 $0x0  }
0x1a5: {  	v2 =	vshll.u32 v3, $0x3;
	v1 =	vld.idx.msk [tilespmem:v1+s17+$0x0], $0xffff  }
0x1a6: {  	s19 =	simm.s32 $0x100;
	v3 =	vand.u32 $0x7F, v3;
	v2 =	vand.u32 $0xFFFFFC00, v2  }
0x1a7: {  	s21 =	sand.u32 $0x3C00, s19;
	s20 =	sand.u32 $0x70, s18;
	s18 =	simm.s32 $0x30;
	v2 =	vor.u32 v3, v2  }
.LBB2_55:
0x1a8: {  	p0 =	sne.s32 s18, $0x7F0;
	s20 =	sor.u32 s20, s21;
	v2 =	vadd.s32 $0x8080, v2  }
0x1a9: {  	v3 =	vld [tilespmem:s20+$0x14080]  }
0x1aa: {  	vm0 =	vgt.f32 v1, $5.000000000e-01  }
0x1ab: {  	v1 =	vsel vm0, $0x3F800000, v0  }
.Ltmp29:
0x1ac: {  	[tilespmem:s15+$0x18080] =	vst v1;
	s15 =	smov.u32 s16;
	(pc) =	sbr.rel @p0 .LBB2_55-.Ltmp29, $4  }
0x1ad: {  	s16 =	smov.u32 s20;
	v1 =	vld.idx.msk [tilespmem:v2+s17+$0x0], $0xffff  }
0x1ae: {  	v2 =	vshll.u32 v3, $0x3  }
0x1af: {  	s19 =	sadd.s32 $0x80, s19;
	v3 =	vand.u32 $0x7F, v3;
	v2 =	vand.u32 $0xFFFFFC00, v2  }
0x1b0: {  	s21 =	sand.u32 $0x3C00, s19;
	s20 =	sand.u32 $0x70, s18;
	s18 =	sadd.s32 $0x10, s18;
	v2 =	vor.u32 v3, v2  }
0x1b1: {  	s19 =	sor.u32 s20, s21  }
0x1b2: {  	v2 =	vadd.s32 $0x8080, v2;
	v3 =	vld [tilespmem:s19+$0x14080];
	_ =	sdelay $0x1  }
0x1b3: {  	vm0 =	vgt.f32 v1, $5.000000000e-01  }
0x1b4: {  	v1 =	vsel vm0, $0x3F800000, v0  }
0x1b5: {  	s17 =	simm.s32 $0x0;
	[tilespmem:s15+$0x18080] =	vst v1  }
0x1b6: {  	v1 =	vld.idx.msk [tilespmem:v2+s17+$0x0], $0xffff;
	v2 =	vshll.u32 v3, $0x3  }
0x1b7: {  	v3 =	vand.u32 $0x7F, v3;
	v2 =	vand.u32 $0xFFFFFC00, v2  }
0x1b8: {  	v2 =	vor.u32 v3, v2  }
0x1b9: {  	v2 =	vadd.s32 $0x8080, v2;
	_ =	sdelay $0x1  }
0x1ba: {  	vm14 =	vgt.f32 v1, $5.000000000e-01  }
0x1bb: {  	v1 =	vsel vm14, $0x3F800000, v0  }
0x1bc: {  	[tilespmem:s16+$0x18080] =	vst v1  }
0x1bd: {  	v1 =	vld.idx.msk [tilespmem:v2+s17+$0x0], $0xffff;
	_ =	sdelay $0x1  }
0x1be: {  	p1 =	por $0x1, $0x1  }
.Ltmp30:
0x1bf: {  	_ = 	snop;
	(pc) =	sbr.rel @!p1 .LBB2_63-.Ltmp30, $4  }
0x1c0: {  	_ = 	snop  }
0x1c1: {  	s18 =	simm.s32 $0x10;
	p2 =	por $0x0, $0x0;
	vm15 =	vgt.f32 v1, $5.000000000e-01  }
0x1c2: {  	p0 =	por $0x0, $0x0;
	s15 =	sand.u32 $0x70, s17;
	s16 =	sand.u32 $0x3C00, s17;
	v1 =	vsel vm15, $0x3F800000, v0  }
0x1c3: {  	p3 =	por $0x0, $0x0;
	s21 =	smov.u32 s15;
	s22 =	smov.u32 s16;
	[tilespmem:s19+$0x18080] =	vst v1  }
0x1c4: {  	s19 =	sor.u32 s15, s16  }
0x1c5: {  	v1 =	vld [tilespmem:s19+$0x14100];
	_ =	sdelay $0x1  }
0x1c6: {  	p3 =	por $0x1, $0x1  }
.Ltmp31:
0x1c7: {  	_ = 	snop;
	(pc) =	sbr.rel @!p3 .LBB2_58-.Ltmp31, $4  }
0x1c8: {  	_ = 	snop  }
0x1c9: {  	v2 =	vshll.u32 v1, $0x3  }
0x1ca: {  	s20 =	simm.s32 $0x80;
	s21 =	sand.u32 $0x70, s18;
	v1 =	vand.u32 $0x7F, v1;
	v2 =	vand.u32 $0xFFFFFC00, v2  }
0x1cb: {  	s24 =	simm.s32 $0x20;
	p2 =	por $0x1, $0x1;
	s22 =	sand.u32 $0x3C00, s20;
	v2 =	vor.u32 v1, v2  }
0x1cc: {  	s20 =	sor.u32 s21, s22  }
0x1cd: {  	v2 =	vadd.s32 $0x8100, v2;
	v1 =	vld [tilespmem:s20+$0x14100];
	_ =	sdelay $0x1  }
0x1ce: {  	p4 =	por $0x1, $0x1  }
.Ltmp32:
0x1cf: {  	_ = 	snop;
	(pc) =	sbr.rel @!p4 .LBB2_60-.Ltmp32, $4  }
0x1d0: {  	_ = 	snop  }
0x1d1: {  	v3 =	vshll.u32 v1, $0x3;
	v4 =	vand.u32 $0x7F, v1;
	v1 =	vld.idx.msk [tilespmem:v2+s17+$0x0], $0xffff  }
0x1d2: {  	s23 =	simm.s32 $0x100;
	s21 =	sand.u32 $0x70, s24;
	v3 =	vand.u32 $0xFFFFFC00, v3  }
0x1d3: {  	s24 =	simm.s32 $0x30;
	p3 =	por $0x1, $0x1;
	s22 =	sand.u32 $0x3C00, s23;
	v2 =	vor.u32 v4, v3  }
.LBB2_61:
0x1d4: {  	p4 =	sne.s32 s24, $0x7F0;
	s21 =	sor.u32 s21, s22;
	v2 =	vadd.s32 $0x8100, v2  }
0x1d5: {  	v3 =	vld [tilespmem:s21+$0x14100]  }
0x1d6: {  	vm0 =	vgt.f32 v1, $5.000000000e-01  }
0x1d7: {  	v1 =	vsel vm0, $0x3F800000, v0  }
.Ltmp33:
0x1d8: {  	[tilespmem:s19+$0x18100] =	vst v1;
	s19 =	smov.u32 s20;
	s20 =	smov.u32 s21;
	(pc) =	sbr.rel @p4 .LBB2_61-.Ltmp33, $4  }
0x1d9: {  	v1 =	vld.idx.msk [tilespmem:v2+s17+$0x0], $0xffff  }
0x1da: {  	v2 =	vshll.u32 v3, $0x3  }
0x1db: {  	s23 =	sadd.s32 $0x80, s23;
	v3 =	vand.u32 $0x7F, v3;
	v2 =	vand.u32 $0xFFFFFC00, v2  }
0x1dc: {  	s22 =	sand.u32 $0x3C00, s23;
	s21 =	sand.u32 $0x70, s24;
	s24 =	sadd.s32 $0x10, s24;
	v2 =	vor.u32 v3, v2  }
0x1dd: {  	s23 =	smov.u32 s19;
	s19 =	smov.u32 s20  }
.LBB2_63:
0x1de: {  	s20 =	sor.u32 s21, s22;
	v2 =	vadd.s32 @p2 $0x8100, v2  }
0x1df: {  	v3 =	vld [tilespmem:s20+$0x14100]  }
0x1e0: {  	vm0 =	vgt.f32 @p3 v1, $5.000000000e-01  }
0x1e1: {  	v1 =	vsel @p3 vm0, $0x3F800000, v0  }
0x1e2: {  	[tilespmem:s23+$0x18100] =	vst @p3 v1  }
0x1e3: {  	v1 =	vld.idx.msk @p2 [tilespmem:v2+s17+$0x0], $0xffff  }
0x1e4: {  	v2 =	vshll.u32 v3, $0x3  }
0x1e5: {  	v3 =	vand.u32 $0x7F, v3;
	v2 =	vand.u32 $0xFFFFFC00, v2  }
0x1e6: {  	v2 =	vor.u32 v3, v2  }
0x1e7: {  	v2 =	vadd.s32 $0x8100, v2  }
0x1e8: {  	v1 =	vpsel p2, v1, v0  }
0x1e9: {  	vm0 =	vgt.f32 @p2 v1, $5.000000000e-01  }
0x1ea: {  	s19 =	smov.u32 @p2 s19;
	v1 =	vsel @p2 vm0, $0x3F800000, v0  }
0x1eb: {  	[tilespmem:s19+$0x18100] =	vst @p2 v1  }
0x1ec: {  	v1 =	vld.idx.msk [tilespmem:v2+s17+$0x0], $0xffff;
	_ =	sdelay $0x2  }
.Ltmp34:
0x1ed: {  	_ = 	snop;
	(pc) =	sbr.rel @!p1 .LBB2_64-.Ltmp34, $4  }
0x1ee: {  	_ = 	snop  }
0x1ef: {  	vm15 =	vgt.f32 v1, $5.000000000e-01  }
0x1f0: {  	v1 =	vsel vm15, $0x3F800000, v0  }
0x1f1: {  	[tilespmem:s20+$0x18100] =	vst v1  }
0x1f2: {  	s17 =	sor.u32 s15, s16  }
0x1f3: {  	v1 =	vld [tilespmem:s17+$0x14180];
	_ =	sdelay $0x1  }
0x1f4: {  	p2 =	por $0x1, $0x1  }
.Ltmp35:
0x1f5: {  	_ = 	snop;
	(pc) =	sbr.rel @!p2 .LBB2_66-.Ltmp35, $4  }
0x1f6: {  	_ = 	snop  }
0x1f7: {  	v2 =	vshll.u32 v1, $0x3  }
0x1f8: {  	s31 =	simm.s32 $0x80;
	s15 =	sand.u32 $0x70, s18;
	v1 =	vand.u32 $0x7F, v1;
	v2 =	vand.u32 $0xFFFFFC00, v2  }
0x1f9: {  	s21 =	simm.s32 $0x20;
	p1 =	por $0x1, $0x1;
	s16 =	sand.u32 $0x3C00, s31;
	v2 =	vor.u32 v1, v2  }
0x1fa: {  	s18 =	sor.u32 s15, s16  }
0x1fb: {  	v2 =	vadd.s32 $0x8180, v2;
	v1 =	vld [tilespmem:s18+$0x14180];
	_ =	sdelay $0x1  }
0x1fc: {  	p2 =	por $0x1, $0x1  }
.Ltmp36:
0x1fd: {  	_ = 	snop;
	(pc) =	sbr.rel @!p2 .LBB2_68-.Ltmp36, $4  }
0x1fe: {  	s19 =	simm.s32 $0x0  }
0x1ff: {  	v3 =	vshll.u32 v1, $0x3;
	v4 =	vand.u32 $0x7F, v1;
	v1 =	vld.idx.msk [tilespmem:v2+s19+$0x0], $0xffff  }
0x200: {  	s20 =	simm.s32 $0x100;
	s15 =	sand.u32 $0x70, s21;
	v3 =	vand.u32 $0xFFFFFC00, v3  }
0x201: {  	s21 =	simm.s32 $0x30;
	p0 =	por $0x1, $0x1;
	s16 =	sand.u32 $0x3C00, s20;
	v2 =	vor.u32 v4, v3  }
.LBB2_69:
0x202: {  	p2 =	sne.s32 s21, $0x7F0;
	s15 =	sor.u32 s15, s16;
	v2 =	vadd.s32 $0x8180, v2  }
0x203: {  	v3 =	vld [tilespmem:s15+$0x14180]  }
0x204: {  	vm0 =	vgt.f32 v1, $5.000000000e-01  }
0x205: {  	v1 =	vsel vm0, $0x3F800000, v0  }
.Ltmp37:
0x206: {  	[tilespmem:s17+$0x18180] =	vst v1;
	s17 =	smov.u32 s18;
	(pc) =	sbr.rel @p2 .LBB2_69-.Ltmp37, $4  }
0x207: {  	s18 =	smov.u32 s15;
	v1 =	vld.idx.msk [tilespmem:v2+s19+$0x0], $0xffff  }
0x208: {  	v2 =	vshll.u32 v3, $0x3  }
0x209: {  	s20 =	sadd.s32 $0x80, s20;
	v3 =	vand.u32 $0x7F, v3;
	v2 =	vand.u32 $0xFFFFFC00, v2  }
0x20a: {  	s16 =	sand.u32 $0x3C00, s20;
	s15 =	sand.u32 $0x70, s21;
	s21 =	sadd.s32 $0x10, s21;
	v2 =	vor.u32 v3, v2  }
0x20b: {  	s19 =	smov.u32 s17;
	s17 =	smov.u32 s18  }
.LBB2_71:
0x20c: {  	s20 =	sor.u32 s15, s16;
	v2 =	vadd.s32 @p1 $0x8180, v2  }
0x20d: {  	v3 =	vld [tilespmem:s20+$0x14180]  }
0x20e: {  	vm0 =	vgt.f32 @p0 v1, $5.000000000e-01  }
0x20f: {  	v1 =	vsel @p0 vm0, $0x3F800000, v0  }
0x210: {  	s15 =	simm.s32 @p1 $0x0;
	[tilespmem:s19+$0x18180] =	vst @p0 v1  }
0x211: {  	v1 =	vld.idx.msk @p1 [tilespmem:v2+s15+$0x0], $0xffff  }
0x212: {  	v2 =	vshll.u32 v3, $0x3  }
0x213: {  	v3 =	vand.u32 $0x7F, v3;
	v2 =	vand.u32 $0xFFFFFC00, v2  }
0x214: {  	v2 =	vor.u32 v3, v2  }
0x215: {  	v2 =	vadd.s32 $0x8180, v2  }
0x216: {  	v1 =	vpsel p1, v1, v0  }
0x217: {  	s15 =	smov.u32 @p1 s17;
	vm0 =	vgt.f32 @p1 v1, $5.000000000e-01  }
0x218: {  	s15 =	smov.u32 @p1 s15;
	v1 =	vsel @p1 vm0, $0x3F800000, v0  }
0x219: {  	s18 =	simm.s32 $0x0;
	[tilespmem:s15+$0x18180] =	vst @p1 v1  }
0x21a: {  	v1 =	vld.idx.msk [tilespmem:v2+s18+$0x0], $0xffff;
	_ =	sdelay $0x1  }
0x21b: {  	p1 =	por $0x1, $0x1  }
.Ltmp38:
0x21c: {  	_ = 	snop;
	(pc) =	sbr.rel @!p1 .LBB2_78-.Ltmp38, $4  }
0x21d: {  	_ = 	snop  }
0x21e: {  	p2 =	por $0x0, $0x0;
	p3 =	por $0x0, $0x0;
	vm15 =	vgt.f32 v1, $5.000000000e-01  }
0x21f: {  	s16 =	sand.u32 $0x3C00, s18;
	p0 =	por $0x0, $0x0;
	s15 =	sand.u32 $0x70, s18;
	v1 =	vsel vm15, $0x3F800000, v0  }
0x220: {  	s22 =	smov.u32 s16;
	s17 =	simm.s32 $0x10;
	s21 =	smov.u32 s15;
	[tilespmem:s20+$0x18180] =	vst v1  }
0x221: {  	s19 =	sor.u32 s15, s16  }
0x222: {  	v1 =	vld [tilespmem:s19+$0x14200];
	_ =	sdelay $0x1  }
0x223: {  	p3 =	por $0x1, $0x1  }
.Ltmp39:
0x224: {  	_ = 	snop;
	(pc) =	sbr.rel @!p3 .LBB2_73-.Ltmp39, $4  }
0x225: {  	_ = 	snop  }
0x226: {  	v2 =	vshll.u32 v1, $0x3  }
0x227: {  	s20 =	simm.s32 $0x80;
	s21 =	sand.u32 $0x70, s17;
	v1 =	vand.u32 $0x7F, v1;
	v2 =	vand.u32 $0xFFFFFC00, v2  }
0x228: {  	s24 =	simm.s32 $0x20;
	p2 =	por $0x1, $0x1;
	s22 =	sand.u32 $0x3C00, s20;
	v2 =	vor.u32 v1, v2  }
0x229: {  	s20 =	sor.u32 s21, s22  }
0x22a: {  	v2 =	vadd.s32 $0x8200, v2;
	v1 =	vld [tilespmem:s20+$0x14200];
	_ =	sdelay $0x1  }
0x22b: {  	p4 =	por $0x1, $0x1  }
.Ltmp40:
0x22c: {  	_ = 	snop;
	(pc) =	sbr.rel @!p4 .LBB2_75-.Ltmp40, $4  }
0x22d: {  	_ = 	snop  }
0x22e: {  	v3 =	vshll.u32 v1, $0x3;
	v4 =	vand.u32 $0x7F, v1;
	v1 =	vld.idx.msk [tilespmem:v2+s18+$0x0], $0xffff  }
0x22f: {  	s23 =	simm.s32 $0x100;
	s21 =	sand.u32 $0x70, s24;
	v3 =	vand.u32 $0xFFFFFC00, v3  }
0x230: {  	s24 =	simm.s32 $0x30;
	p3 =	por $0x1, $0x1;
	s22 =	sand.u32 $0x3C00, s23;
	v2 =	vor.u32 v4, v3  }
.LBB2_76:
0x231: {  	p4 =	sne.s32 s24, $0x7F0;
	s21 =	sor.u32 s21, s22;
	v2 =	vadd.s32 $0x8200, v2  }
0x232: {  	v3 =	vld [tilespmem:s21+$0x14200]  }
0x233: {  	vm0 =	vgt.f32 v1, $5.000000000e-01  }
0x234: {  	v1 =	vsel vm0, $0x3F800000, v0  }
.Ltmp41:
0x235: {  	[tilespmem:s19+$0x18200] =	vst v1;
	s19 =	smov.u32 s20;
	s20 =	smov.u32 s21;
	(pc) =	sbr.rel @p4 .LBB2_76-.Ltmp41, $4  }
0x236: {  	v1 =	vld.idx.msk [tilespmem:v2+s18+$0x0], $0xffff  }
0x237: {  	v2 =	vshll.u32 v3, $0x3  }
0x238: {  	s23 =	sadd.s32 $0x80, s23;
	v3 =	vand.u32 $0x7F, v3;
	v2 =	vand.u32 $0xFFFFFC00, v2  }
0x239: {  	s22 =	sand.u32 $0x3C00, s23;
	s21 =	sand.u32 $0x70, s24;
	s24 =	sadd.s32 $0x10, s24;
	v2 =	vor.u32 v3, v2  }
0x23a: {  	s23 =	smov.u32 s19;
	s19 =	smov.u32 s20  }
.LBB2_78:
0x23b: {  	s20 =	sor.u32 s21, s22;
	v2 =	vadd.s32 @p2 $0x8200, v2  }
0x23c: {  	v3 =	vld [tilespmem:s20+$0x14200]  }
0x23d: {  	vm0 =	vgt.f32 @p3 v1, $5.000000000e-01  }
0x23e: {  	v1 =	vsel @p3 vm0, $0x3F800000, v0  }
0x23f: {  	[tilespmem:s23+$0x18200] =	vst @p3 v1  }
0x240: {  	v1 =	vld.idx.msk @p2 [tilespmem:v2+s18+$0x0], $0xffff  }
0x241: {  	v2 =	vshll.u32 v3, $0x3  }
0x242: {  	v3 =	vand.u32 $0x7F, v3;
	v2 =	vand.u32 $0xFFFFFC00, v2  }
0x243: {  	v2 =	vor.u32 v3, v2  }
0x244: {  	v2 =	vadd.s32 $0x8200, v2  }
0x245: {  	v1 =	vpsel p2, v1, v0  }
0x246: {  	vm0 =	vgt.f32 @p2 v1, $5.000000000e-01  }
0x247: {  	s19 =	smov.u32 @p2 s19;
	v1 =	vsel @p2 vm0, $0x3F800000, v0  }
0x248: {  	[tilespmem:s19+$0x18200] =	vst @p2 v1  }
0x249: {  	v1 =	vld.idx.msk [tilespmem:v2+s18+$0x0], $0xffff;
	_ =	sdelay $0x2  }
.Ltmp42:
0x24a: {  	_ = 	snop;
	(pc) =	sbr.rel @!p1 .LBB2_79-.Ltmp42, $4  }
0x24b: {  	_ = 	snop  }
0x24c: {  	vm15 =	vgt.f32 v1, $5.000000000e-01  }
0x24d: {  	v1 =	vsel vm15, $0x3F800000, v0  }
0x24e: {  	[tilespmem:s20+$0x18200] =	vst v1  }
0x24f: {  	s18 =	sor.u32 s15, s16  }
0x250: {  	v1 =	vld [tilespmem:s18+$0x14280];
	_ =	sdelay $0x1  }
0x251: {  	p2 =	por $0x1, $0x1  }
.Ltmp43:
0x252: {  	_ = 	snop;
	(pc) =	sbr.rel @!p2 .LBB2_81-.Ltmp43, $4  }
0x253: {  	_ = 	snop  }
0x254: {  	v2 =	vshll.u32 v1, $0x3  }
0x255: {  	s31 =	simm.s32 $0x80;
	s15 =	sand.u32 $0x70, s17;
	v1 =	vand.u32 $0x7F, v1;
	v2 =	vand.u32 $0xFFFFFC00, v2  }
0x256: {  	s21 =	simm.s32 $0x20;
	p1 =	por $0x1, $0x1;
	s16 =	sand.u32 $0x3C00, s31;
	v2 =	vor.u32 v1, v2  }
0x257: {  	s17 =	sor.u32 s15, s16  }
0x258: {  	v2 =	vadd.s32 $0x8280, v2;
	v1 =	vld [tilespmem:s17+$0x14280];
	_ =	sdelay $0x1  }
0x259: {  	p2 =	por $0x1, $0x1  }
.Ltmp44:
0x25a: {  	_ = 	snop;
	(pc) =	sbr.rel @!p2 .LBB2_83-.Ltmp44, $4  }
0x25b: {  	s19 =	simm.s32 $0x0  }
0x25c: {  	v3 =	vshll.u32 v1, $0x3;
	v4 =	vand.u32 $0x7F, v1;
	v1 =	vld.idx.msk [tilespmem:v2+s19+$0x0], $0xffff  }
0x25d: {  	s20 =	simm.s32 $0x100;
	s15 =	sand.u32 $0x70, s21;
	v3 =	vand.u32 $0xFFFFFC00, v3  }
0x25e: {  	s21 =	simm.s32 $0x30;
	p0 =	por $0x1, $0x1;
	s16 =	sand.u32 $0x3C00, s20;
	v2 =	vor.u32 v4, v3  }
.LBB2_84:
0x25f: {  	p2 =	sne.s32 s21, $0x7F0;
	s15 =	sor.u32 s15, s16;
	v2 =	vadd.s32 $0x8280, v2  }
0x260: {  	v3 =	vld [tilespmem:s15+$0x14280]  }
0x261: {  	vm0 =	vgt.f32 v1, $5.000000000e-01  }
0x262: {  	v1 =	vsel vm0, $0x3F800000, v0  }
.Ltmp45:
0x263: {  	[tilespmem:s18+$0x18280] =	vst v1;
	s18 =	smov.u32 s17;
	(pc) =	sbr.rel @p2 .LBB2_84-.Ltmp45, $4  }
0x264: {  	s17 =	smov.u32 s15;
	v1 =	vld.idx.msk [tilespmem:v2+s19+$0x0], $0xffff  }
0x265: {  	v2 =	vshll.u32 v3, $0x3  }
0x266: {  	s20 =	sadd.s32 $0x80, s20;
	v3 =	vand.u32 $0x7F, v3;
	v2 =	vand.u32 $0xFFFFFC00, v2  }
0x267: {  	s16 =	sand.u32 $0x3C00, s20;
	s15 =	sand.u32 $0x70, s21;
	s21 =	sadd.s32 $0x10, s21;
	v2 =	vor.u32 v3, v2  }
0x268: {  	s19 =	smov.u32 s18;
	s18 =	smov.u32 s17  }
.LBB2_86:
0x269: {  	s20 =	sor.u32 s15, s16;
	v2 =	vadd.s32 @p1 $0x8280, v2  }
0x26a: {  	v3 =	vld [tilespmem:s20+$0x14280]  }
0x26b: {  	vm0 =	vgt.f32 @p0 v1, $5.000000000e-01  }
0x26c: {  	v1 =	vsel @p0 vm0, $0x3F800000, v0  }
0x26d: {  	s15 =	simm.s32 @p1 $0x0;
	[tilespmem:s19+$0x18280] =	vst @p0 v1  }
0x26e: {  	v1 =	vld.idx.msk @p1 [tilespmem:v2+s15+$0x0], $0xffff  }
0x26f: {  	v2 =	vshll.u32 v3, $0x3  }
0x270: {  	v3 =	vand.u32 $0x7F, v3;
	v2 =	vand.u32 $0xFFFFFC00, v2  }
0x271: {  	v2 =	vor.u32 v3, v2  }
0x272: {  	v2 =	vadd.s32 $0x8280, v2  }
0x273: {  	v1 =	vpsel p1, v1, v0  }
0x274: {  	s15 =	smov.u32 @p1 s18;
	vm0 =	vgt.f32 @p1 v1, $5.000000000e-01  }
0x275: {  	s16 =	smov.u32 @p1 s15;
	v1 =	vsel @p1 vm0, $0x3F800000, v0  }
0x276: {  	s15 =	simm.s32 $0x0;
	[tilespmem:s16+$0x18280] =	vst @p1 v1  }
0x277: {  	v1 =	vld.idx.msk [tilespmem:v2+s15+$0x0], $0xffff;
	_ =	sdelay $0x1  }
0x278: {  	p1 =	por $0x1, $0x1  }
.Ltmp46:
0x279: {  	_ = 	snop;
	(pc) =	sbr.rel @!p1 .LBB2_93-.Ltmp46, $4  }
0x27a: {  	_ = 	snop  }
0x27b: {  	p2 =	por $0x0, $0x0;
	p3 =	por $0x0, $0x0;
	vm15 =	vgt.f32 v1, $5.000000000e-01  }
0x27c: {  	p0 =	por $0x0, $0x0;
	s17 =	sand.u32 $0x3C00, s15;
	s16 =	sand.u32 $0x70, s15;
	v1 =	vsel vm15, $0x3F800000, v0  }
0x27d: {  	s18 =	simm.s32 $0x10;
	s22 =	smov.u32 s17;
	s21 =	smov.u32 s16;
	[tilespmem:s20+$0x18280] =	vst v1  }
0x27e: {  	s19 =	sor.u32 s16, s17  }
0x27f: {  	v1 =	vld [tilespmem:s19+$0x14300];
	_ =	sdelay $0x1  }
0x280: {  	p3 =	por $0x1, $0x1  }
.Ltmp47:
0x281: {  	_ = 	snop;
	(pc) =	sbr.rel @!p3 .LBB2_88-.Ltmp47, $4  }
0x282: {  	_ = 	snop  }
0x283: {  	v2 =	vshll.u32 v1, $0x3  }
0x284: {  	s20 =	simm.s32 $0x80;
	s21 =	sand.u32 $0x70, s18;
	v1 =	vand.u32 $0x7F, v1;
	v2 =	vand.u32 $0xFFFFFC00, v2  }
0x285: {  	s24 =	simm.s32 $0x20;
	p2 =	por $0x1, $0x1;
	s22 =	sand.u32 $0x3C00, s20;
	v2 =	vor.u32 v1, v2  }
0x286: {  	s20 =	sor.u32 s21, s22  }
0x287: {  	v2 =	vadd.s32 $0x8300, v2;
	v1 =	vld [tilespmem:s20+$0x14300];
	_ =	sdelay $0x1  }
0x288: {  	p4 =	por $0x1, $0x1  }
.Ltmp48:
0x289: {  	_ = 	snop;
	(pc) =	sbr.rel @!p4 .LBB2_90-.Ltmp48, $4  }
0x28a: {  	_ = 	snop  }
0x28b: {  	v3 =	vshll.u32 v1, $0x3;
	v4 =	vand.u32 $0x7F, v1;
	v1 =	vld.idx.msk [tilespmem:v2+s15+$0x0], $0xffff  }
0x28c: {  	s23 =	simm.s32 $0x100;
	s21 =	sand.u32 $0x70, s24;
	v3 =	vand.u32 $0xFFFFFC00, v3  }
0x28d: {  	s24 =	simm.s32 $0x30;
	p3 =	por $0x1, $0x1;
	s22 =	sand.u32 $0x3C00, s23;
	v2 =	vor.u32 v4, v3  }
.LBB2_91:
0x28e: {  	p4 =	sne.s32 s24, $0x7F0;
	s21 =	sor.u32 s21, s22;
	v2 =	vadd.s32 $0x8300, v2  }
0x28f: {  	v3 =	vld [tilespmem:s21+$0x14300]  }
0x290: {  	vm0 =	vgt.f32 v1, $5.000000000e-01  }
0x291: {  	v1 =	vsel vm0, $0x3F800000, v0  }
.Ltmp49:
0x292: {  	[tilespmem:s19+$0x18300] =	vst v1;
	s19 =	smov.u32 s20;
	s20 =	smov.u32 s21;
	(pc) =	sbr.rel @p4 .LBB2_91-.Ltmp49, $4  }
0x293: {  	v1 =	vld.idx.msk [tilespmem:v2+s15+$0x0], $0xffff  }
0x294: {  	v2 =	vshll.u32 v3, $0x3  }
0x295: {  	s23 =	sadd.s32 $0x80, s23;
	v3 =	vand.u32 $0x7F, v3;
	v2 =	vand.u32 $0xFFFFFC00, v2  }
0x296: {  	s22 =	sand.u32 $0x3C00, s23;
	s21 =	sand.u32 $0x70, s24;
	s24 =	sadd.s32 $0x10, s24;
	v2 =	vor.u32 v3, v2  }
0x297: {  	s23 =	smov.u32 s19;
	s19 =	smov.u32 s20  }
.LBB2_93:
0x298: {  	s20 =	sor.u32 s21, s22;
	v2 =	vadd.s32 @p2 $0x8300, v2  }
0x299: {  	v3 =	vld [tilespmem:s20+$0x14300]  }
0x29a: {  	vm0 =	vgt.f32 @p3 v1, $5.000000000e-01  }
0x29b: {  	v1 =	vsel @p3 vm0, $0x3F800000, v0  }
0x29c: {  	[tilespmem:s23+$0x18300] =	vst @p3 v1  }
0x29d: {  	v1 =	vld.idx.msk @p2 [tilespmem:v2+s15+$0x0], $0xffff  }
0x29e: {  	v2 =	vshll.u32 v3, $0x3  }
0x29f: {  	v3 =	vand.u32 $0x7F, v3;
	v2 =	vand.u32 $0xFFFFFC00, v2  }
0x2a0: {  	v2 =	vor.u32 v3, v2  }
0x2a1: {  	v2 =	vadd.s32 $0x8300, v2  }
0x2a2: {  	v1 =	vpsel p2, v1, v0  }
0x2a3: {  	vm0 =	vgt.f32 @p2 v1, $5.000000000e-01  }
0x2a4: {  	s19 =	smov.u32 @p2 s19;
	v1 =	vsel @p2 vm0, $0x3F800000, v0  }
0x2a5: {  	[tilespmem:s19+$0x18300] =	vst @p2 v1  }
0x2a6: {  	v1 =	vld.idx.msk [tilespmem:v2+s15+$0x0], $0xffff;
	_ =	sdelay $0x2  }
.Ltmp50:
0x2a7: {  	_ = 	snop;
	(pc) =	sbr.rel @!p1 .LBB2_94-.Ltmp50, $4  }
0x2a8: {  	_ = 	snop  }
0x2a9: {  	vm15 =	vgt.f32 v1, $5.000000000e-01  }
0x2aa: {  	v1 =	vsel vm15, $0x3F800000, v0  }
0x2ab: {  	[tilespmem:s20+$0x18300] =	vst v1  }
0x2ac: {  	s16 =	sor.u32 s16, s17  }
0x2ad: {  	v1 =	vld [tilespmem:s16+$0x14380];
	_ =	sdelay $0x4  }
0x2ae: {  	v2 =	vshll.u32 v1, $0x3  }
0x2af: {  	v1 =	vand.u32 $0x7F, v1;
	v2 =	vand.u32 $0xFFFFFC00, v2  }
0x2b0: {  	v1 =	vor.u32 v1, v2  }
0x2b1: {  	v1 =	vadd.s32 $0x8380, v1;
	_ =	sdelay $0x4  }
0x2b2: {  	v1 =	vld.idx.msk [tilespmem:v1+s2+$0x0], $0xffff  }
0x2b3: {  	p1 =	por $0x1, $0x1  }
.Ltmp51:
0x2b4: {  	_ = 	snop;
	(pc) =	sbr.rel @!p1 .LBB2_96-.Ltmp51, $4  }
0x2b5: {  	s30 =	sand.u32 $0x7, s15  }
0x2b6: {  	s20 =	simm.s32 $0x20;
	p0 =	por $0x1, $0x1;
	s31 =	sshll.u32 s30, $0x4  }
0x2b7: {  	s16 =	sand.u32 $0x70, s18;
	s18 =	simm.s32 $0x80;
	s19 =	sadd.s32 $0x0, s31;
	vm0 =	vgt.f32 v1, $5.000000000e-01  }
0x2b8: {  	s17 =	sand.u32 $0x3C00, s18;
	s21 =	sor.u32 $0x380, s19;
	s19 =	simm.s32 $0x0;
	v1 =	vsel vm0, $0x3F800000, v0  }
.LBB2_97:
0x2b9: {  	p1 =	sne.s32 s20, $0x7F0;
	s16 =	sor.u32 s16, s17;
	[tilespmem:s21+$0x18000] =	vst v1  }
0x2ba: {  	v1 =	vld [tilespmem:s16+$0x14380];
	_ =	sdelay $0x4  }
0x2bb: {  	v2 =	vshll.u32 v1, $0x3  }
0x2bc: {  	v1 =	vand.u32 $0x7F, v1;
	v2 =	vand.u32 $0xFFFFFC00, v2  }
0x2bd: {  	v1 =	vor.u32 v1, v2  }
0x2be: {  	v1 =	vadd.s32 $0x8380, v1;
	_ =	sdelay $0x4  }
0x2bf: {  	v1 =	vld.idx.msk [tilespmem:v1+s2+$0x0], $0xffff;
	_ =	sdelay $0x2  }
.Ltmp52:
0x2c0: {  	s19 =	sadd.s32 $0x1, s19;
	(pc) =	sbr.rel @p1 .LBB2_97-.Ltmp52, $4  }
0x2c1: {  	s16 =	sand.u32 $0x7, s19  }
0x2c2: {  	s17 =	sshll.u32 s16, $0x4  }
0x2c3: {  	s16 =	sand.u32 $0x70, s20;
	s21 =	sadd.s32 s17, s18;
	s18 =	sadd.s32 $0x80, s18;
	vm0 =	vgt.f32 v1, $5.000000000e-01  }
0x2c4: {  	s20 =	sadd.s32 $0x10, s20;
	s17 =	sand.u32 $0x3C00, s18;
	s21 =	sor.u32 $0x380, s21;
	v1 =	vsel vm0, $0x3F800000, v0  }
.LBB2_98:
0x2c5: {  	s16 =	sor.u32 s16, s17;
	[tilespmem:s21+$0x18000] =	vst @p0 v1  }
0x2c6: {  	v1 =	vld [tilespmem:s16+$0x14380];
	_ =	sdelay $0x4  }
0x2c7: {  	v2 =	vshll.u32 v1, $0x3  }
0x2c8: {  	v1 =	vand.u32 $0x7F, v1;
	v2 =	vand.u32 $0xFFFFFC00, v2  }
0x2c9: {  	v1 =	vor.u32 v1, v2  }
0x2ca: {  	v1 =	vadd.s32 $0x8380, v1;
	_ =	sdelay $0x4  }
0x2cb: {  	v1 =	vld.idx.msk [tilespmem:v1+s2+$0x0], $0xffff  }
0x2cc: {  	s16 =	sadd.s32 @p0 $0x1, s19  }
0x2cd: {  	s15 =	smov.u32 @p0 s16  }
0x2ce: {  	s15 =	sand.u32 $0x7, s15  }
0x2cf: {  	s15 =	sshll.u32 s15, $0x4  }
0x2d0: {  	s15 =	sadd.s32 s15, s18;
	vm0 =	vgt.f32 v1, $5.000000000e-01  }
0x2d1: {  	s13 =	sadd.s32 $0x1, s13;
	s15 =	sor.u32 $0x380, s15;
	v1 =	vsel vm0, $0x3F800000, v0  }
0x2d2: {  	s14 =	sadd.s32 s14, s7;
	p0 =	sne.s32 s13, $0x4;
	[tilespmem:s15+$0x18000] =	vst v1  }
0x2d3: {  	[hbm4b:s14+s2] =	stream.linear.scatter [tilespmem:s11], [sflag:$0x1], $0x4000, $0x38;
	[tilespmem:$0x1C000] =	vst v63  }
.Ltmp53:
0x2d4: {  	_ = 	snop;
	(pc) =	sbr.rel @p0 .LBB2_2-.Ltmp53, $4  }
.Ltmp54:
0x2d5: {  	_ = 	snop;
	(pc) =	sbr.rel @!p0 .LBB2_99-.Ltmp54, $4  }
0x2d6: {  	_ =	swait.ge [sflag:s9], $0x4000  }
0x2d7: {  	[sflag:s9] =	ssyncset.done $0x0  }
0x2d8: {  	[sflag:s9] =	ssyncadd.s32 $0xFFFFC000  }
0x2d9: {  	_ = 	snop  }
.LBB2_14:
.Ltmp55:
0x2da: {  	(pc) =	sbr.rel .LBB2_21-.Ltmp55, $2  }
0x2db: {  	_ =	sdelay $0x2  }
0x2dc: {  	p1 =	por $0x0, $0x0  }
.LBB2_29:
.Ltmp56:
0x2dd: {  	(pc) =	sbr.rel .LBB2_36-.Ltmp56, $2  }
0x2de: {  	_ =	sdelay $0x2  }
0x2df: {  	p1 =	por $0x0, $0x0  }
.LBB2_37:
.Ltmp57:
0x2e0: {  	(pc) =	sbr.rel .LBB2_44-.Ltmp57, $2  }
0x2e1: {  	_ =	sdelay $0x2  }
0x2e2: {  	p3 =	por $0x0, $0x0  }
.LBB2_45:
.Ltmp58:
0x2e3: {  	(pc) =	sbr.rel .LBB2_52-.Ltmp58, $2  }
0x2e4: {  	_ =	sdelay $0x2  }
0x2e5: {  	s17 =	simm.s32 $0x0;
	p1 =	por $0x0, $0x0  }
.LBB2_64:
.Ltmp59:
0x2e6: {  	(pc) =	sbr.rel .LBB2_71-.Ltmp59, $2  }
0x2e7: {  	_ =	sdelay $0x2  }
0x2e8: {  	p1 =	por $0x0, $0x0  }
.LBB2_79:
.Ltmp60:
0x2e9: {  	(pc) =	sbr.rel .LBB2_86-.Ltmp60, $2  }
0x2ea: {  	_ =	sdelay $0x2  }
0x2eb: {  	p1 =	por $0x0, $0x0  }
.LBB2_94:
.Ltmp61:
0x2ec: {  	(pc) =	sbr.rel .LBB2_98-.Ltmp61, $2  }
0x2ed: {  	_ =	sdelay $0x2  }
0x2ee: {  	s19 =	simm.s32 $0x0;
	s18 =	simm.s32 $0x0  }
.LBB2_8:
.Ltmp62:
0x2ef: {  	(pc) =	sbr.rel .LBB2_13-.Ltmp62, $2  }
0x2f0: {  	_ =	sdelay $0x2  }
0x2f1: {  	p3 =	por $0x0, $0x0  }
.LBB2_16:
.Ltmp63:
0x2f2: {  	(pc) =	sbr.rel .LBB2_21-.Ltmp63, $2  }
0x2f3: {  	_ =	sdelay $0x2  }
0x2f4: {  	_ = 	snop  }
.LBB2_23:
.Ltmp64:
0x2f5: {  	(pc) =	sbr.rel .LBB2_28-.Ltmp64, $2  }
0x2f6: {  	_ =	sdelay $0x2  }
0x2f7: {  	p3 =	por $0x0, $0x0  }
.LBB2_31:
.Ltmp65:
0x2f8: {  	(pc) =	sbr.rel .LBB2_36-.Ltmp65, $2  }
0x2f9: {  	_ =	sdelay $0x2  }
0x2fa: {  	_ = 	snop  }
.LBB2_39:
.Ltmp66:
0x2fb: {  	(pc) =	sbr.rel .LBB2_44-.Ltmp66, $2  }
0x2fc: {  	_ =	sdelay $0x2  }
0x2fd: {  	p3 =	por $0x0, $0x0  }
.LBB2_47:
.Ltmp67:
0x2fe: {  	(pc) =	sbr.rel .LBB2_52-.Ltmp67, $2  }
0x2ff: {  	_ =	sdelay $0x2  }
0x300: {  	s17 =	simm.s32 $0x0  }
.LBB2_58:
.Ltmp68:
0x301: {  	(pc) =	sbr.rel .LBB2_63-.Ltmp68, $2  }
0x302: {  	_ =	sdelay $0x2  }
0x303: {  	p3 =	por $0x0, $0x0  }
.LBB2_66:
.Ltmp69:
0x304: {  	(pc) =	sbr.rel .LBB2_71-.Ltmp69, $2  }
0x305: {  	_ =	sdelay $0x2  }
0x306: {  	_ = 	snop  }
.LBB2_73:
.Ltmp70:
0x307: {  	(pc) =	sbr.rel .LBB2_78-.Ltmp70, $2  }
0x308: {  	_ =	sdelay $0x2  }
0x309: {  	p3 =	por $0x0, $0x0  }
.LBB2_81:
.Ltmp71:
0x30a: {  	(pc) =	sbr.rel .LBB2_86-.Ltmp71, $2  }
0x30b: {  	_ =	sdelay $0x2  }
0x30c: {  	_ = 	snop  }
.LBB2_88:
.Ltmp72:
0x30d: {  	(pc) =	sbr.rel .LBB2_93-.Ltmp72, $2  }
0x30e: {  	_ =	sdelay $0x2  }
0x30f: {  	p3 =	por $0x0, $0x0  }
.LBB2_96:
.Ltmp73:
0x310: {  	(pc) =	sbr.rel .LBB2_98-.Ltmp73, $2  }
0x311: {  	_ =	sdelay $0x2  }
0x312: {  	s19 =	simm.s32 $0x0  }
.LBB2_10:
.Ltmp74:
0x313: {  	(pc) =	sbr.rel .LBB2_13-.Ltmp74, $2  }
0x314: {  	_ =	sdelay $0x2  }
0x315: {  	s23 =	smov.u32 s19;
	s19 =	smov.u32 s20  }
.LBB2_18:
.Ltmp75:
0x316: {  	(pc) =	sbr.rel .LBB2_21-.Ltmp75, $2  }
0x317: {  	_ =	sdelay $0x2  }
0x318: {  	s19 =	smov.u32 s17;
	s17 =	smov.u32 s18  }
.LBB2_25:
.Ltmp76:
0x319: {  	(pc) =	sbr.rel .LBB2_28-.Ltmp76, $2  }
0x31a: {  	_ =	sdelay $0x2  }
0x31b: {  	s23 =	smov.u32 s19;
	s19 =	smov.u32 s20  }
.LBB2_33:
.Ltmp77:
0x31c: {  	(pc) =	sbr.rel .LBB2_36-.Ltmp77, $2  }
0x31d: {  	_ =	sdelay $0x2  }
0x31e: {  	s19 =	smov.u32 s18;
	s18 =	smov.u32 s17  }
.LBB2_41:
.Ltmp78:
0x31f: {  	(pc) =	sbr.rel .LBB2_44-.Ltmp78, $2  }
0x320: {  	_ =	sdelay $0x2  }
0x321: {  	s20 =	smov.u32 s16;
	s16 =	smov.u32 s18  }
.LBB2_49:
.Ltmp79:
0x322: {  	(pc) =	sbr.rel .LBB2_52-.Ltmp79, $2  }
0x323: {  	_ =	sdelay $0x2  }
0x324: {  	s20 =	smov.u32 s16;
	s16 =	smov.u32 s18  }
.LBB2_60:
.Ltmp80:
0x325: {  	(pc) =	sbr.rel .LBB2_63-.Ltmp80, $2  }
0x326: {  	_ =	sdelay $0x2  }
0x327: {  	s23 =	smov.u32 s19;
	s19 =	smov.u32 s20  }
.LBB2_68:
.Ltmp81:
0x328: {  	(pc) =	sbr.rel .LBB2_71-.Ltmp81, $2  }
0x329: {  	_ =	sdelay $0x2  }
0x32a: {  	s19 =	smov.u32 s17;
	s17 =	smov.u32 s18  }
.LBB2_75:
.Ltmp82:
0x32b: {  	(pc) =	sbr.rel .LBB2_78-.Ltmp82, $2  }
0x32c: {  	_ =	sdelay $0x2  }
0x32d: {  	s23 =	smov.u32 s19;
	s19 =	smov.u32 s20  }
.LBB2_83:
.Ltmp83:
0x32e: {  	(pc) =	sbr.rel .LBB2_86-.Ltmp83, $2  }
0x32f: {  	_ =	sdelay $0x2  }
0x330: {  	s19 =	smov.u32 s18;
	s18 =	smov.u32 s17  }
.LBB2_90:
.Ltmp84:
0x331: {  	(pc) =	sbr.rel .LBB2_93-.Ltmp84, $2  }
0x332: {  	_ =	sdelay $0x2  }
0x333: {  	s23 =	smov.u32 s19;
	s19 =	smov.u32 s20  }
.LBB2_100:
0x334: {  	_ =	sfence.sel $0x180000  }
0x335: {  	[bflag:$0x0] =	sbarrier.arrive $0xFFFF  }
0x336: {  	p0 =	sne.s32 s3, $0x0;
	_ =	strace $0x9000004A  }
0x337: {  	s0 =	sadd.s32 @!p0 $0x100000, s0;
	[bflag:$0x2] =	sbarrier.arrive $0xFFFF  }
0x338: {  	[sflag:s0] =	ssyncadd.tile.s32 @!p0 $0x1;
	_ =	shalt  }
.Lfunc_end2:
_tile_overlayer_lowered:
.L_overlay_start_2:
0x339: {  	(tag) =	ssettag $0x2  }
0x33a: {  	s0 =	rddreg [dreg:$0x0];
	s2 =	stileid.u32  }
0x33b: {  	s1 =	rddreg [dreg:$0x1];
	p0 =	sne.s32 s2, $0x0  }
0x33c: {  	s3 =	rddreg [dreg:$0x2];
	[bflag:$0x3] =	sbarrier.arrive $0xFFFF;
	s2 =	simm.s32 @!p0 $0x1C01  }
0x33d: {  	[timem:s3], [sflag:s2] =	dma.local @!p0 [hbm:s0], s1  }
0x33e: {  	s0 =	simm.s32 @!p0 $0x1  }
0x33f: {  	_ =	swait.ge @!p0 [sflag:s0], s1  }
0x340: {  	s1 =	ssub.s32 @!p0 $0x0, s1;
	[sflag:s0] =	ssyncset.done @!p0 $0x0  }
0x341: {  	[sflag:s0] =	ssyncadd.s32 @!p0 s1  }
0x342: {  	[bflag:$0x3] =	sbarrier.arrive $0xFFFF  }
0x343: {  	_ =	shalt  }

// kernel: kernel.14.cloned.1.call-start
scs
__scs_entry_jumppad:
0x0: {  	(pc) =	sbr.rel $0x88, $3  }
0x1: {  	(tag) =	ssettag $0x0;
	lr =	simm.s32 $0x1  }
0x2: {  	[smem:$0x3F9A] =	sst lr;
	_ =	strace $0xD0000000  }
0x3: {  	_ = 	snop  }
0x4: {  	_ = 	snop  }
0x5: {  	_ = 	snop  }
0x6: {  	_ = 	snop  }
0x7: {  	_ = 	snop  }
__scs_overlays_trampoline_lowered:
0x8: {  	[smem:$0x3FA9] =	sst s0  }
0x9: {  	[smem:$0x3FAA] =	sst s1  }
0xa: {  	[smem:$0x3FAB] =	sst s2  }
0xb: {  	[smem:$0x3FAC] =	sst s3  }
0xc: {  	[smem:$0x3FAD] =	sst s4  }
0xd: {  	[smem:$0x3FAE] =	sst s5  }
0xe: {  	[smem:$0x3FAF] =	sst s6  }
0xf: {  	[smem:$0x3FB0] =	sst s7  }
0x10: {  	[smem:$0x3FB1] =	sst s8  }
0x11: {  	[smem:$0x3FB2] =	sst s9;
	s0 =	simm.s32 @!p0 $0x0  }
0x12: {  	s1 =	sld [smem:$0x3F98];
	s0 =	simm.s32 @p0 $0x1  }
0x13: {  	[smem:$0x3FB3] =	sst s0;
	s0 =	simm.s32 @!p1 $0x0  }
0x14: {  	s2 =	sld [smem:$0x3F97];
	s0 =	simm.s32 @p1 $0x1  }
0x15: {  	[smem:$0x3FB4] =	sst s0;
	s0 =	simm.s32 @!p2 $0x0  }
0x16: {  	s3 =	sld [smem:$0x3FDB];
	s0 =	simm.s32 @p2 $0x1  }
0x17: {  	s4 =	simm.s32 $0x1BF5;
	[smem:$0x3FB6] =	sst s0  }
0x18: {  	s0 =	sld [smem:$0x3F99];
	_ =	swait.ge [sflag:s4], $0x0  }
0x19: {  	s7 =	sld [smem:$0x3F9A]  }
0x1a: {  	s8 =	sadd.s32 $0xFFFFE003, lr  }
0x1b: {  	s9 =	sadd.s32 $0xFFFFFEF7, lr;
	s5 =	simm.s32 $0xFFFFFFFF;
	p2 =	slt.u32 s8, $0xFFFFF086  }
0x1c: {  	p1 =	slt.u32 s9, $0xF7A;
	s5 =	simm.s32 @!p2 $0x0  }
0x1d: {  	s5 =	simm.s32 @p1 $0x1;
	p0 =	seq.s32 s7, s2  }
0x1e: {  	s7 =	smul.u32 @!p0 $0xF7A, s2;
	p2 =	seq.s32 @!p0 s5, $0x0  }
0x1f: {  	s9 =	smul.u32 $0xF7A, s1;
	s8 =	simm.s32 @!p0 $0x1BF5;
	p2 =	por !p2, p0  }
0x20: {  	[sflag:s8] =	ssyncset.s32 @!p0 $0xFFFFF086;
	s6 =	sadd.s32 @!p0 s3, s7;
	s7 =	simm.s32 @!p0 $0x108  }
0x21: {  	s3 =	sadd.s32 s3, s9;
	s6 =	sadd.s32 @!p0 $0x88, s6;
	s7 =	simm.s32 @p2 $0x1082  }
0x22: {  	[simem:s7], [sflag:s8] =	dma.local @!p0 [hbm:s6], $0xF7A  }
0x23: {  	s9 =	sor.u32 $0xD0000000, s2;
	s6 =	simm.s32 $0x108;
	_ =	swait.ge @!p0 [sflag:s8], $0x0  }
0x24: {  	s3 =	sadd.s32 $0x88, s3;
	s6 =	simm.s32 @!p1 $0x1082;
	[sflag:s4] =	ssyncset.s32 $0xFFFFF086  }
0x25: {  	[simem:s6], [sflag:s4] =	dma.local [hbm:s3], $0xF7A  }
0x26: {  	[smem:$0x3F9A] =	sst s1;
	(tag) =	ssettag s2;
	_ =	strace s9  }
0x27: {  	s1 =	sld [smem:$0x3FAA]  }
0x28: {  	s2 =	sld [smem:$0x3FAB]  }
0x29: {  	s4 =	sld [smem:$0x3FAD]  }
0x2a: {  	p0 =	seq.s32 s5, $0x0;
	s5 =	sld [smem:$0x3FAE]  }
0x2b: {  	s6 =	sld [smem:$0x3FAF]  }
0x2c: {  	s7 =	sld [smem:$0x3FB0]  }
0x2d: {  	s3 =	simm.s32 $0x108;
	s8 =	sld [smem:$0x3FB1]  }
0x2e: {  	s3 =	simm.s32 @!p0 $0x1082;
	s9 =	sld [smem:$0x3FB2]  }
0x2f: {  	lr =	sadd.s32 s0, s3;
	s0 =	sld [smem:$0x3FA9]  }
0x30: {  	s3 =	sld [smem:$0x3FAC]  }
0x31: {  	[smem:$0x3FB5] =	sst s10  }
0x32: {  	s10 =	sld [smem:$0x3FB3];
	_ =	sdelay $0x3  }
0x33: {  	p0 =	seq.s32 s10, $0x1;
	s10 =	sld [smem:$0x3FB5];
	_ =	sdelay $0x3  }
0x34: {  	[smem:$0x3FB5] =	sst s10  }
0x35: {  	s10 =	sld [smem:$0x3FB4];
	_ =	sdelay $0x3  }
0x36: {  	p1 =	seq.s32 s10, $0x1;
	s10 =	sld [smem:$0x3FB5];
	_ =	sdelay $0x3  }
0x37: {  	[smem:$0x3FB5] =	sst s10  }
0x38: {  	s10 =	sld [smem:$0x3FB6]  }
0x39: {  	_ = 	snop;
	(pc) =	sbr.ind lr, $3  }
0x3a: {  	_ = 	snop  }
0x3b: {  	_ = 	snop  }
0x3c: {  	p2 =	seq.s32 s10, $0x1;
	s10 =	sld [smem:$0x3FB5]  }
0x3d: {  	_ =	shalt  }
0x3e: {  	_ =	shalt  }
0x3f: {  	_ =	shalt  }
0x40: {  	_ =	shalt  }
0x41: {  	_ =	shalt  }
0x42: {  	_ =	shalt  }
0x43: {  	_ =	shalt  }
0x44: {  	_ =	shalt  }
0x45: {  	_ =	shalt  }
0x46: {  	_ =	shalt  }
0x47: {  	_ =	shalt  }
0x48: {  	_ =	shalt  }
0x49: {  	_ =	shalt  }
0x4a: {  	_ =	shalt  }
0x4b: {  	_ =	shalt  }
0x4c: {  	_ =	shalt  }
0x4d: {  	_ =	shalt  }
0x4e: {  	_ =	shalt  }
0x4f: {  	_ =	shalt  }
0x50: {  	_ =	shalt  }
0x51: {  	_ =	shalt  }
0x52: {  	_ =	shalt  }
0x53: {  	_ =	shalt  }
0x54: {  	_ =	shalt  }
0x55: {  	_ =	shalt  }
0x56: {  	_ =	shalt  }
0x57: {  	_ =	shalt  }
0x58: {  	_ =	shalt  }
0x59: {  	_ =	shalt  }
0x5a: {  	_ =	shalt  }
0x5b: {  	_ =	shalt  }
0x5c: {  	_ =	shalt  }
0x5d: {  	_ =	shalt  }
0x5e: {  	_ =	shalt  }
0x5f: {  	_ =	shalt  }
0x60: {  	_ =	shalt  }
0x61: {  	_ =	shalt  }
0x62: {  	_ =	shalt  }
0x63: {  	_ =	shalt  }
0x64: {  	_ =	shalt  }
0x65: {  	_ =	shalt  }
0x66: {  	_ =	shalt  }
0x67: {  	_ =	shalt  }
0x68: {  	_ =	shalt  }
0x69: {  	_ =	shalt  }
0x6a: {  	_ =	shalt  }
0x6b: {  	_ =	shalt  }
0x6c: {  	_ =	shalt  }
0x6d: {  	_ =	shalt  }
0x6e: {  	_ =	shalt  }
0x6f: {  	_ =	shalt  }
0x70: {  	_ =	shalt  }
0x71: {  	_ =	shalt  }
0x72: {  	_ =	shalt  }
0x73: {  	_ =	shalt  }
0x74: {  	_ =	shalt  }
0x75: {  	_ =	shalt  }
0x76: {  	_ =	shalt  }
0x77: {  	_ =	shalt  }
0x78: {  	_ =	shalt  }
0x79: {  	_ =	shalt  }
0x7a: {  	_ =	shalt  }
0x7b: {  	_ =	shalt  }
0x7c: {  	_ =	shalt  }
0x7d: {  	_ =	shalt  }
0x7e: {  	_ =	shalt  }
0x7f: {  	_ =	shalt  }
0x80: {  	_ =	shalt  }
0x81: {  	_ =	shalt  }
0x82: {  	_ =	shalt  }
0x83: {  	_ =	shalt  }
0x84: {  	_ =	shalt  }
0x85: {  	_ =	shalt  }
0x86: {  	_ =	shalt  }
0x87: {  	_ =	shalt  }
.Lfunc_end0:
.L_simem_size_0:
called_computation.2_lowered:
.L_overlay_start_0:
0x88: {  	s2 =	sld [smem:$0x3FD9]  }
0x89: {  	s3 =	sld [smem:$0x3FFE];
	_ =	sdelay $0x1  }
0x8a: {  	s1 =	srdreg.scid  }
0x8b: {  	s0 =	sand.u32 $0x1, s1  }
0x8c: {  	s17 =	sshll.u32 s0, $0xA;
	s2 =	sadd.s32 s3, s2  }
0x8d: {  	s2 =	sadd.s32 s2, s17  }
0x8e: {  	[smem:$0x3FC1] =	sst s2  }
0x8f: {  	_ = 	snop  }
0x90: {  	s2 =	sld [smem:$0x3FC3]  }
0x91: {  	s18 =	sld [smem:$0x3FD0];
	(tm) =	ssettm $0x1  }
0x92: {  	s4 =	sld [smem:$0x3FFB];
	_ =	sdelay $0x3  }
0x93: {  	_ =	strace s4  }
0x94: {  	s4 =	sld [smem:$0x3FFC];
	_ =	sdelay $0x3  }
0x95: {  	_ =	strace s4  }
0x96: {  	s4 =	sld [smem:$0x3FFD];
	_ =	sdelay $0x3  }
0x97: {  	_ =	strace s4  }
0x98: {  	_ =	strace $0x8FFFFFFF  }
0x99: {  	s19 =	sld [smem:$0x3FDB];
	_ =	sdelay $0x1  }
0x9a: {  	s5 =	simm.s32 $_scs_section_size  }
0x9b: {  	s6 =	simm.s32 $_size__tile_overlayer_lowered;
	s7 =	simm.s32 $_tile_overlayer_lowered  }
0x9c: {  	s22 =	simm.s32 $0x1BFF;
	s21 =	sshll.u32 s7, $0x1;
	s4 =	sadd.s32 s5, s19  }
0x9d: {  	s8 =	simm.s32 $0x0;
	s20 =	sshll.u32 s6, $0x1;
	s6 =	sadd.s32 s21, s4  }
0x9e: {  	[timem:s8], [sflag:s22] =	dma.local [hbm:s6], s20  }
0x9f: {  	_ =	swait.ge [sflag:s22], s20  }
0xa0: {  	s5 =	ssub.s32 $0x0, s20;
	[sflag:s22] =	ssyncset.done $0x0  }
0xa1: {  	[sflag:s22] =	ssyncadd.s32 s5;
	_ =	sdelay $0x1  }
0xa2: {  	s23 =	simm.s32 $0x1B8B  }
0xa3: {  	_ =	swait.ge [sflag:s23], $0x1  }
0xa4: {  	[sflag:s23] =	ssyncset.done $0x0  }
0xa5: {  	s25 =	simm.s32 $0x1B8E;
	s24 =	sld [smem:$0x3FFE];
	[sflag:s23] =	ssyncadd.s32 $0xFFFFFFFF  }
0xa6: {  	s26 =	simm.s32 $execute0_lowered;
	[smem:$0x3FD2] =	sst s25  }
0xa7: {  	s6 =	sshll.u32 s26, $0x1;
	_ =	strace $0x8000004C;
	[dreg:$0x1] =	wrdreg $0xFFFFFFFF  }
0xa8: {  	s28 =	simm.s32 $_size_execute0_lowered;
	s4 =	sadd.s32 s4, s6;
	[dreg:$0x0] =	wrdreg $0x0  }
0xa9: {  	s6 =	sshll.u32 s28, $0x1;
	[dreg:$0x2] =	wrdreg s4  }
0xaa: {  	[dreg:$0x3] =	wrdreg s6  }
0xab: {  	[dreg:$0x4] =	wrdreg $0xC0  }
0xac: {  	_ =	task [dreg:s8], $0x5FFFF  }
0xad: {  	[dreg:$0x1] =	wrdreg $0xFFFFFFFF  }
0xae: {  	[dreg:$0x0] =	wrdreg $0x60  }
0xaf: {  	[dreg:$0x2] =	wrdreg s2  }
0xb0: {  	[dreg:$0x3] =	wrdreg s24  }
0xb1: {  	[dreg:$0x4] =	wrdreg s18  }
0xb2: {  	[dreg:$0x5] =	wrdreg $0x9  }
0xb3: {  	_ =	task.clear_ibuf [dreg:s8], $0x6FFFF;
	_ =	strace $0x9000004C  }
0xb4: {  	s29 =	simm.s32 $0x9;
	_ =	strace $0x8000004E  }
0xb5: {  	_ =	swait.ge [sflag:s29], $0x1  }
0xb6: {  	[sflag:s29] =	ssyncadd.s32 $0xFFFFFFFF  }
0xb7: {  	_ =	strace $0x9000004E  }
0xb8: {  	_ =	sfence  }
0xb9: {  	s30 =	sld [smem:$0x0];
	_ =	sdelay $0x2  }
0xba: {  	s31 =	sshll.u32 s1, $0xD;
	s1 =	sshrl.u32 s1, $0x2  }
0xbb: {  	s3 =	sand.u32 $0x4000, s31;
	s1 =	sadd.s32 s1, s30  }
0xbc: {  	s0 =	sor.u32 s3, s0;
	s1 =	sshll.u32 s1, $0x11  }
0xbd: {  	s0 =	sor.u32 s1, s0  }
0xbe: {  	s0 =	sadd.s32 $0x8F2B, s0  }
0xbf: {  	[sflag:s0] =	ssyncadd.remote.s32 $0x1  }
0xc0: {  	_ =	sfence.sel $0xFFFF  }
0xc1: {  	[dreg:$0x0] =	wrdreg $0xFFFFFFFF;
	(pc) =	sbr.abs _section_cstart, $3  }
0xc2: {  	[dreg:$0x1] =	wrdreg $0xFFFFFFFF  }
0xc3: {  	_ =	task.clear_ibuf [dreg:s8], $0x2FFFF;
	_ =	strace $0x9FFFFFFF  }
0xc4: {  	(tm) =	ssettm $0x7FFFFFFF  }
0xc5: {  	_ =	shalt  }
tec
execute0_lowered:
.L_overlay_start_1:
0x0: {  	(tag) =	ssettag $0x1  }
0x1: {  	s1 =	stileid.u32  }
0x2: {  	p0 =	sgt.u32 s1, $0x9  }
.Ltmp0:
0x3: {  	s5 =	rddreg [dreg:$0x0];
	(pc) =	sbr.rel @p0 .LBB2_5-.Ltmp0, $4  }
0x4: {  	s3 =	rddreg [dreg:$0x1]  }
0x5: {  	s4 =	rddreg [dreg:$0x2];
	s2 =	simm.s32 $0x0  }
0x6: {  	[smem:$0x7FF] =	sst s2  }
0x7: {  	s0 =	rddreg [dreg:$0x3];
	_ =	strace $0x8000004D  }
0x8: {  	s6 =	srdreg.scid;
	s7 =	sshll.u32 s1, $0x8;
	s8 =	sshrl.u32 s1, $0x2  }
0x9: {  	s11 =	simm.s32 $0x1800;
	s12 =	simm.s32 $0x0;
	s6 =	sand.u32 $0x1, s6  }
0xa: {  	s7 =	sand.u32 $0x300, s7;
	s31 =	sshll.u32 s8, $0xE;
	s9 =	sshll.u32 s6, $0x7  }
0xb: {  	s8 =	sshll.u32 s8, $0xF;
	s6 =	ssub.s32 $0x2, s6;
	s7 =	sor.u32 s9, s7  }
0xc: {  	s10 =	sshrl.u32 s6, $0x1;
	s9 =	sor.u32 s31, s7;
	s7 =	sor.u32 s8, s7  }
0xd: {  	s6 =	ssub.s32 s6, s10;
	s8 =	simm.s32 $0x400;
	s10 =	simm.s32 $0x1000  }
0xe: {  	s9 =	sshrl.u32 s9, $0x3;
	s7 =	sshrl.u32 s7, $0x3;
	s6 =	smax.u32 s6, $0x1  }
0xf: {  	s3 =	sadd.s32 s9, s3;
	s4 =	sadd.s32 s4, s9;
	s5 =	sadd.s32 s5, s7  }
0x10: {  	s7 =	simm.s32 $0x80;
	s9 =	simm.s32 $0x1;
	s3 =	sadd.s32 $0x1800, s3  }
.LBB2_2:
0x11: {  	s13 =	simm.s32 $0x0  }
0x12: {  	[tilespmem:s13], [sflag:$0x1] =	stream.strided.gather [hbm4b:s5+s7], $0x1000, s8, s7, $0x38;
	[tilespmem:$0x2000] =	vst v63  }
0x13: {  	_ =	swait.ge [sflag:s9], $0x1000  }
0x14: {  	[sflag:s9] =	ssyncset.done $0x0  }
0x15: {  	[sflag:s9] =	ssyncadd.s32 $0xFFFFF000  }
0x16: {  	[tilespmem:s10], [sflag:$0x1] =	stream.strided.gather [hbm4b:s3+s7], $0x800, s8, s7, $0x38;
	[tilespmem:$0x2000] =	vst v63  }
0x17: {  	_ =	swait.ge [sflag:s9], $0x800  }
0x18: {  	[sflag:s9] =	ssyncset.done $0x0  }
0x19: {  	s13 =	simm.s32 $0x0;
	[sflag:s9] =	ssyncadd.s32 $0xFFFFF800  }
0x1a: {  	v0 =	vld [tilespmem:s13+$0x1000];
	_ =	sdelay $0x7  }
0x1b: {  	s14 =	simm.s32 $0x10;
	s15 =	simm.s32 $0x80;
	v0 =	vld.idx.msk [tilespmem:v0+s2+$0x0], $0xffff  }
.LBB2_3:
0x1c: {  	p0 =	sne.s32 s15, $0x1FC0;
	v1 =	vld [tilespmem:s14+$0x1000];
	_ =	sdelay $0x3  }
.Ltmp1:
0x1d: {  	(pc) =	sbr.rel @p0 .LBB2_3-.Ltmp1, $2  }
0x1e: {  	[tilespmem:s13+$0x1800] =	vst v0;
	s13 =	smov.u32 s14;
	_ =	sdelay $0x2  }
0x1f: {  	s14 =	sshra.s32 s15, $0x2;
	s15 =	sadd.s32 $0x40, s15;
	v0 =	vld.idx.msk [tilespmem:v1+s2+$0x0], $0xffff  }
0x20: {  	v1 =	vld [tilespmem:s14+$0x1000];
	_ =	sdelay $0x6  }
0x21: {  	[tilespmem:s13+$0x1800] =	vst v0  }
0x22: {  	v0 =	vld.idx.msk [tilespmem:v1+s2+$0x0], $0xffff;
	_ =	sdelay $0x2  }
0x23: {  	s12 =	sadd.s32 $0x1, s12  }
0x24: {  	p0 =	sne.s32 s12, s6  }
.Ltmp2:
0x25: {  	[tilespmem:s14+$0x1800] =	vst v0;
	(pc) =	sbr.rel @p0 .LBB2_2-.Ltmp2, $4  }
0x26: {  	[hbm4b:s4+s7] =	stream.strided.scatter [tilespmem:s11], [sflag:$0x1], $0x800, s8, s7, $0x38;
	[tilespmem:$0x2000] =	vst v63  }
0x27: {  	_ =	swait.ge [sflag:s9], $0x800  }
0x28: {  	[sflag:s9] =	ssyncset.done $0x0  }
0x29: {  	[sflag:s9] =	ssyncadd.s32 $0xFFFFF800  }
.LBB2_5:
0x2a: {  	_ =	sfence.sel $0x180000  }
0x2b: {  	[bflag:$0x0] =	sbarrier.arrive $0xFFFF  }
0x2c: {  	p0 =	sne.s32 s1, $0x0;
	_ =	strace $0x9000004D  }
0x2d: {  	s0 =	sadd.s32 @!p0 $0x100000, s0;
	[bflag:$0x2] =	sbarrier.arrive $0xFFFF  }
0x2e: {  	[sflag:s0] =	ssyncadd.tile.s32 @!p0 $0x1;
	_ =	shalt  }
.Lfunc_end2:
_tile_overlayer_lowered:
.L_overlay_start_2:
0x2f: {  	(tag) =	ssettag $0x2  }
0x30: {  	s0 =	rddreg [dreg:$0x0];
	s2 =	stileid.u32  }
0x31: {  	s1 =	rddreg [dreg:$0x1];
	p0 =	sne.s32 s2, $0x0  }
0x32: {  	s3 =	rddreg [dreg:$0x2];
	[bflag:$0x3] =	sbarrier.arrive $0xFFFF;
	s2 =	simm.s32 @!p0 $0x1C01  }
0x33: {  	[timem:s3], [sflag:s2] =	dma.local @!p0 [hbm:s0], s1  }
0x34: {  	s0 =	simm.s32 @!p0 $0x1  }
0x35: {  	_ =	swait.ge @!p0 [sflag:s0], s1  }
0x36: {  	s1 =	ssub.s32 @!p0 $0x0, s1;
	[sflag:s0] =	ssyncset.done @!p0 $0x0  }
0x37: {  	[sflag:s0] =	ssyncadd.s32 @!p0 s1  }
0x38: {  	[bflag:$0x3] =	sbarrier.arrive $0xFFFF  }
0x39: {  	_ =	shalt  }

// kernel: kernel.8.cloned.1.call-start
scs
__scs_entry_jumppad:
0x0: {  	(pc) =	sbr.rel $0x88, $3  }
0x1: {  	(tag) =	ssettag $0x0;
	lr =	simm.s32 $0x1  }
0x2: {  	[smem:$0x3F9A] =	sst lr;
	_ =	strace $0xD0000000  }
0x3: {  	_ = 	snop  }
0x4: {  	_ = 	snop  }
0x5: {  	_ = 	snop  }
0x6: {  	_ = 	snop  }
0x7: {  	_ = 	snop  }
__scs_overlays_trampoline_lowered:
0x8: {  	[smem:$0x3FA9] =	sst s0  }
0x9: {  	[smem:$0x3FAA] =	sst s1  }
0xa: {  	[smem:$0x3FAB] =	sst s2  }
0xb: {  	[smem:$0x3FAC] =	sst s3  }
0xc: {  	[smem:$0x3FAD] =	sst s4  }
0xd: {  	[smem:$0x3FAE] =	sst s5  }
0xe: {  	[smem:$0x3FAF] =	sst s6  }
0xf: {  	[smem:$0x3FB0] =	sst s7  }
0x10: {  	[smem:$0x3FB1] =	sst s8  }
0x11: {  	[smem:$0x3FB2] =	sst s9;
	s0 =	simm.s32 @!p0 $0x0  }
0x12: {  	s1 =	sld [smem:$0x3F98];
	s0 =	simm.s32 @p0 $0x1  }
0x13: {  	[smem:$0x3FB3] =	sst s0;
	s0 =	simm.s32 @!p1 $0x0  }
0x14: {  	s2 =	sld [smem:$0x3F97];
	s0 =	simm.s32 @p1 $0x1  }
0x15: {  	[smem:$0x3FB4] =	sst s0;
	s0 =	simm.s32 @!p2 $0x0  }
0x16: {  	s3 =	sld [smem:$0x3FDB];
	s0 =	simm.s32 @p2 $0x1  }
0x17: {  	s4 =	simm.s32 $0x1BF5;
	[smem:$0x3FB6] =	sst s0  }
0x18: {  	s0 =	sld [smem:$0x3F99];
	_ =	swait.ge [sflag:s4], $0x0  }
0x19: {  	s7 =	sld [smem:$0x3F9A]  }
0x1a: {  	s8 =	sadd.s32 $0xFFFFE003, lr  }
0x1b: {  	s9 =	sadd.s32 $0xFFFFFEF7, lr;
	s5 =	simm.s32 $0xFFFFFFFF;
	p2 =	slt.u32 s8, $0xFFFFF086  }
0x1c: {  	p1 =	slt.u32 s9, $0xF7A;
	s5 =	simm.s32 @!p2 $0x0  }
0x1d: {  	s5 =	simm.s32 @p1 $0x1;
	p0 =	seq.s32 s7, s2  }
0x1e: {  	s7 =	smul.u32 @!p0 $0xF7A, s2;
	p2 =	seq.s32 @!p0 s5, $0x0  }
0x1f: {  	s9 =	smul.u32 $0xF7A, s1;
	s8 =	simm.s32 @!p0 $0x1BF5;
	p2 =	por !p2, p0  }
0x20: {  	[sflag:s8] =	ssyncset.s32 @!p0 $0xFFFFF086;
	s6 =	sadd.s32 @!p0 s3, s7;
	s7 =	simm.s32 @!p0 $0x108  }
0x21: {  	s3 =	sadd.s32 s3, s9;
	s6 =	sadd.s32 @!p0 $0x88, s6;
	s7 =	simm.s32 @p2 $0x1082  }
0x22: {  	[simem:s7], [sflag:s8] =	dma.local @!p0 [hbm:s6], $0xF7A  }
0x23: {  	s9 =	sor.u32 $0xD0000000, s2;
	s6 =	simm.s32 $0x108;
	_ =	swait.ge @!p0 [sflag:s8], $0x0  }
0x24: {  	s3 =	sadd.s32 $0x88, s3;
	s6 =	simm.s32 @!p1 $0x1082;
	[sflag:s4] =	ssyncset.s32 $0xFFFFF086  }
0x25: {  	[simem:s6], [sflag:s4] =	dma.local [hbm:s3], $0xF7A  }
0x26: {  	[smem:$0x3F9A] =	sst s1;
	(tag) =	ssettag s2;
	_ =	strace s9  }
0x27: {  	s1 =	sld [smem:$0x3FAA]  }
0x28: {  	s2 =	sld [smem:$0x3FAB]  }
0x29: {  	s4 =	sld [smem:$0x3FAD]  }
0x2a: {  	p0 =	seq.s32 s5, $0x0;
	s5 =	sld [smem:$0x3FAE]  }
0x2b: {  	s6 =	sld [smem:$0x3FAF]  }
0x2c: {  	s7 =	sld [smem:$0x3FB0]  }
0x2d: {  	s3 =	simm.s32 $0x108;
	s8 =	sld [smem:$0x3FB1]  }
0x2e: {  	s3 =	simm.s32 @!p0 $0x1082;
	s9 =	sld [smem:$0x3FB2]  }
0x2f: {  	lr =	sadd.s32 s0, s3;
	s0 =	sld [smem:$0x3FA9]  }
0x30: {  	s3 =	sld [smem:$0x3FAC]  }
0x31: {  	[smem:$0x3FB5] =	sst s10  }
0x32: {  	s10 =	sld [smem:$0x3FB3];
	_ =	sdelay $0x3  }
0x33: {  	p0 =	seq.s32 s10, $0x1;
	s10 =	sld [smem:$0x3FB5];
	_ =	sdelay $0x3  }
0x34: {  	[smem:$0x3FB5] =	sst s10  }
0x35: {  	s10 =	sld [smem:$0x3FB4];
	_ =	sdelay $0x3  }
0x36: {  	p1 =	seq.s32 s10, $0x1;
	s10 =	sld [smem:$0x3FB5];
	_ =	sdelay $0x3  }
0x37: {  	[smem:$0x3FB5] =	sst s10  }
0x38: {  	s10 =	sld [smem:$0x3FB6]  }
0x39: {  	_ = 	snop;
	(pc) =	sbr.ind lr, $3  }
0x3a: {  	_ = 	snop  }
0x3b: {  	_ = 	snop  }
0x3c: {  	p2 =	seq.s32 s10, $0x1;
	s10 =	sld [smem:$0x3FB5]  }
0x3d: {  	_ =	shalt  }
0x3e: {  	_ =	shalt  }
0x3f: {  	_ =	shalt  }
0x40: {  	_ =	shalt  }
0x41: {  	_ =	shalt  }
0x42: {  	_ =	shalt  }
0x43: {  	_ =	shalt  }
0x44: {  	_ =	shalt  }
0x45: {  	_ =	shalt  }
0x46: {  	_ =	shalt  }
0x47: {  	_ =	shalt  }
0x48: {  	_ =	shalt  }
0x49: {  	_ =	shalt  }
0x4a: {  	_ =	shalt  }
0x4b: {  	_ =	shalt  }
0x4c: {  	_ =	shalt  }
0x4d: {  	_ =	shalt  }
0x4e: {  	_ =	shalt  }
0x4f: {  	_ =	shalt  }
0x50: {  	_ =	shalt  }
0x51: {  	_ =	shalt  }
0x52: {  	_ =	shalt  }
0x53: {  	_ =	shalt  }
0x54: {  	_ =	shalt  }
0x55: {  	_ =	shalt  }
0x56: {  	_ =	shalt  }
0x57: {  	_ =	shalt  }
0x58: {  	_ =	shalt  }
0x59: {  	_ =	shalt  }
0x5a: {  	_ =	shalt  }
0x5b: {  	_ =	shalt  }
0x5c: {  	_ =	shalt  }
0x5d: {  	_ =	shalt  }
0x5e: {  	_ =	shalt  }
0x5f: {  	_ =	shalt  }
0x60: {  	_ =	shalt  }
0x61: {  	_ =	shalt  }
0x62: {  	_ =	shalt  }
0x63: {  	_ =	shalt  }
0x64: {  	_ =	shalt  }
0x65: {  	_ =	shalt  }
0x66: {  	_ =	shalt  }
0x67: {  	_ =	shalt  }
0x68: {  	_ =	shalt  }
0x69: {  	_ =	shalt  }
0x6a: {  	_ =	shalt  }
0x6b: {  	_ =	shalt  }
0x6c: {  	_ =	shalt  }
0x6d: {  	_ =	shalt  }
0x6e: {  	_ =	shalt  }
0x6f: {  	_ =	shalt  }
0x70: {  	_ =	shalt  }
0x71: {  	_ =	shalt  }
0x72: {  	_ =	shalt  }
0x73: {  	_ =	shalt  }
0x74: {  	_ =	shalt  }
0x75: {  	_ =	shalt  }
0x76: {  	_ =	shalt  }
0x77: {  	_ =	shalt  }
0x78: {  	_ =	shalt  }
0x79: {  	_ =	shalt  }
0x7a: {  	_ =	shalt  }
0x7b: {  	_ =	shalt  }
0x7c: {  	_ =	shalt  }
0x7d: {  	_ =	shalt  }
0x7e: {  	_ =	shalt  }
0x7f: {  	_ =	shalt  }
0x80: {  	_ =	shalt  }
0x81: {  	_ =	shalt  }
0x82: {  	_ =	shalt  }
0x83: {  	_ =	shalt  }
0x84: {  	_ =	shalt  }
0x85: {  	_ =	shalt  }
0x86: {  	_ =	shalt  }
0x87: {  	_ =	shalt  }
.Lfunc_end0:
.L_simem_size_0:
called_computation_lowered:
.L_overlay_start_0:
0x88: {  	s2 =	sld [smem:$0x3FD9]  }
0x89: {  	s3 =	sld [smem:$0x3FFE];
	_ =	sdelay $0x1  }
0x8a: {  	s1 =	srdreg.scid  }
0x8b: {  	s0 =	sand.u32 $0x1, s1  }
0x8c: {  	s17 =	sshll.u32 s0, $0xA;
	s2 =	sadd.s32 s3, s2  }
0x8d: {  	s2 =	sadd.s32 s2, s17  }
0x8e: {  	[smem:$0x3FC1] =	sst s2  }
0x8f: {  	_ = 	snop  }
0x90: {  	s2 =	sld [smem:$0x3FC5];
	(tm) =	ssettm $0x1  }
0x91: {  	s18 =	sld [smem:$0x3FFB];
	_ =	sdelay $0x3  }
0x92: {  	_ =	strace s18  }
0x93: {  	s3 =	sld [smem:$0x3FFC];
	_ =	sdelay $0x3  }
0x94: {  	_ =	strace s3  }
0x95: {  	s3 =	sld [smem:$0x3FFD];
	_ =	sdelay $0x3  }
0x96: {  	_ =	strace s3  }
0x97: {  	_ =	strace $0x8FFFFFFF  }
0x98: {  	s19 =	sld [smem:$0x3FDB];
	_ =	sdelay $0x1  }
0x99: {  	s4 =	simm.s32 $_scs_section_size  }
0x9a: {  	s5 =	simm.s32 $_size__tile_overlayer_lowered;
	s6 =	simm.s32 $_tile_overlayer_lowered  }
0x9b: {  	s22 =	simm.s32 $0x1BFF;
	s21 =	sshll.u32 s6, $0x1;
	s3 =	sadd.s32 s4, s19  }
0x9c: {  	s7 =	simm.s32 $0x0;
	s20 =	sshll.u32 s5, $0x1;
	s5 =	sadd.s32 s21, s3  }
0x9d: {  	[timem:s7], [sflag:s22] =	dma.local [hbm:s5], s20  }
0x9e: {  	_ =	swait.ge [sflag:s22], s20  }
0x9f: {  	s4 =	ssub.s32 $0x0, s20;
	[sflag:s22] =	ssyncset.done $0x0  }
0xa0: {  	[sflag:s22] =	ssyncadd.s32 s4;
	_ =	sdelay $0x1  }
0xa1: {  	s23 =	simm.s32 $0x1B8B  }
0xa2: {  	_ =	swait.ge [sflag:s23], $0x1  }
0xa3: {  	[sflag:s23] =	ssyncset.done $0x0  }
0xa4: {  	s25 =	simm.s32 $0x1B8E;
	s24 =	sld [smem:$0x3FFE];
	[sflag:s23] =	ssyncadd.s32 $0xFFFFFFFF  }
0xa5: {  	s26 =	simm.s32 $execute0_lowered;
	[smem:$0x3FD2] =	sst s25  }
0xa6: {  	s5 =	sshll.u32 s26, $0x1;
	_ =	strace $0x80000046;
	[dreg:$0x1] =	wrdreg $0xFFFFFFFF  }
0xa7: {  	s28 =	simm.s32 $_size_execute0_lowered;
	s3 =	sadd.s32 s3, s5;
	[dreg:$0x0] =	wrdreg $0x0  }
0xa8: {  	s5 =	sshll.u32 s28, $0x1;
	[dreg:$0x2] =	wrdreg s3  }
0xa9: {  	[dreg:$0x3] =	wrdreg s5  }
0xaa: {  	[dreg:$0x4] =	wrdreg $0xC0  }
0xab: {  	_ =	task [dreg:s7], $0x5FFFF  }
0xac: {  	[dreg:$0x1] =	wrdreg $0xFFFFFFFF  }
0xad: {  	[dreg:$0x0] =	wrdreg $0x60  }
0xae: {  	[dreg:$0x2] =	wrdreg s2  }
0xaf: {  	[dreg:$0x3] =	wrdreg s24  }
0xb0: {  	[dreg:$0x4] =	wrdreg $0x9  }
0xb1: {  	_ =	task.clear_ibuf [dreg:s7], $0x5FFFF;
	_ =	strace $0x90000046  }
0xb2: {  	s29 =	simm.s32 $0x9;
	_ =	strace $0x80000048  }
0xb3: {  	_ =	swait.ge [sflag:s29], $0x1  }
0xb4: {  	[sflag:s29] =	ssyncadd.s32 $0xFFFFFFFF  }
0xb5: {  	_ =	strace $0x90000048  }
0xb6: {  	_ =	sfence  }
0xb7: {  	s30 =	sld [smem:$0x0];
	_ =	sdelay $0x2  }
0xb8: {  	s31 =	sshll.u32 s1, $0xD;
	s1 =	sshrl.u32 s1, $0x2  }
0xb9: {  	s3 =	sand.u32 $0x4000, s31;
	s1 =	sadd.s32 s1, s30  }
0xba: {  	s0 =	sor.u32 s3, s0;
	s1 =	sshll.u32 s1, $0x11  }
0xbb: {  	s0 =	sor.u32 s1, s0  }
0xbc: {  	s0 =	sadd.s32 $0x8F2B, s0  }
0xbd: {  	[sflag:s0] =	ssyncadd.remote.s32 $0x1  }
0xbe: {  	_ =	sfence.sel $0xFFFF  }
0xbf: {  	[dreg:$0x0] =	wrdreg $0xFFFFFFFF;
	(pc) =	sbr.abs _section_cstart, $3  }
0xc0: {  	[dreg:$0x1] =	wrdreg $0xFFFFFFFF  }
0xc1: {  	_ =	task.clear_ibuf [dreg:s7], $0x2FFFF;
	_ =	strace $0x9FFFFFFF  }
0xc2: {  	(tm) =	ssettm $0x7FFFFFFF  }
0xc3: {  	_ =	shalt  }
tec
execute0_lowered:
.L_overlay_start_1:
0x0: {  	(tag) =	ssettag $0x1  }
0x1: {  	s1 =	rddreg [dreg:$0x0]  }
0x2: {  	s7 =	rddreg [dreg:$0x1]  }
0x3: {  	s0 =	rddreg [dreg:$0x2]  }
0x4: {  	s2 =	simm.s32 $0x0;
	s3 =	srdreg.scid;
	s11 =	simm.s32 $0x18000  }
0x5: {  	s12 =	simm.s32 $0x0;
	[smem:$0x7FF] =	sst s2;
	s5 =	sand.u32 $0x1, s3  }
.Ltmp0:
0x6: {  	s4 =	sadd.s32 $0x1800, s7;
	s3 =	stileid.u32;
	(pc) =	sbr.rel .LBB2_1-.Ltmp0, $4  }
0x7: {  	_ =	strace $0x80000047;
	s6 =	ssub.s32 $0x2, s5;
	s9 =	sshll.u32 s3, $0x7  }
0x8: {  	s10 =	sshll.u32 s5, $0x6;
	s5 =	sadd.s32 $0x81800, s7;
	s8 =	sshrl.u32 s6, $0x1  }
0x9: {  	s7 =	sadd.s32 $0x82000, s7;
	s8 =	ssub.s32 s6, s8;
	s6 =	sor.u32 s10, s9  }
0xa: {  	v0 =	vimm.f32 $0.0e+00;
	s9 =	simm.s32 $0x1;
	s10 =	simm.s32 $0x10000;
	s8 =	smax.u32 s8, $0x1  }
.LBB2_99:
0xb: {  	s12 =	sadd.s32 $0x1, s12  }
0xc: {  	p0 =	sne.s32 s12, s8  }
.Ltmp1:
0xd: {  	_ = 	snop;
	(pc) =	sbr.rel @!p0 .LBB2_100-.Ltmp1, $1  }
0xe: {  	_ =	sdelay $0x3  }
.LBB2_1:
0xf: {  	s13 =	simm.s32 $0x0  }
.LBB2_2:
0x10: {  	s14 =	sshll.u32 s13, $0x4  }
0x11: {  	s14 =	sadd.s32 s6, s14  }
0x12: {  	s15 =	sshll.u32 s14, $0x9  }
0x13: {  	s16 =	sadd.s32 s1, s15;
	s15 =	simm.s32 $0x0  }
0x14: {  	[tilespmem:s15], [sflag:$0x1] =	stream.linear.gather [hbm4b:s16+s15], $0x10000, $0x38;
	[tilespmem:$0x1C000] =	vst v63  }
0x15: {  	_ =	swait.ge [sflag:s9], $0x10000  }
0x16: {  	s14 =	sshll.u32 s14, $0x8;
	[sflag:s9] =	ssyncset.done $0x0  }
0x17: {  	s31 =	sadd.s32 s4, s14;
	[sflag:s9] =	ssyncadd.s32 $0xFFFF0000  }
0x18: {  	[tilespmem:s10], [sflag:$0x1] =	stream.linear.gather [hbm4b:s31+s15], $0x8000, $0x38;
	[tilespmem:$0x1C000] =	vst v63  }
0x19: {  	_ =	swait.ge [sflag:s9], $0x8000  }
0x1a: {  	s16 =	sand.u32 $0x70, s15;
	s17 =	sand.u32 $0x3C00, s15;
	[sflag:s9] =	ssyncset.done $0x0  }
0x1b: {  	s22 =	sor.u32 s16, s17;
	[sflag:s9] =	ssyncadd.s32 $0xFFFF8000  }
0x1c: {  	v1 =	vld [tilespmem:s22+$0x10000];
	_ =	sdelay $0x4  }
0x1d: {  	s18 =	simm.s32 $0x10;
	s20 =	simm.s32 $0x80;
	v2 =	vshll.u32 v1, $0x3  }
0x1e: {  	s19 =	sand.u32 $0x70, s18;
	s20 =	sand.u32 $0x3C00, s20;
	v1 =	vand.u32 $0x7F, v1;
	v2 =	vand.u32 $0xFFFFFC00, v2  }
0x1f: {  	s21 =	sor.u32 s19, s20;
	v1 =	vor.u32 v1, v2  }
0x20: {  	v3 =	vld [tilespmem:s21+$0x10000];
	_ =	sdelay $0x3  }
0x21: {  	v1 =	vld.idx.msk [tilespmem:v1+s15+$0x0], $0xffff  }
0x22: {  	v2 =	vshll.u32 v3, $0x3  }
0x23: {  	s23 =	simm.s32 $0x100;
	s18 =	simm.s32 $0x20;
	v3 =	vand.u32 $0x7F, v3;
	v2 =	vand.u32 $0xFFFFFC00, v2  }
0x24: {  	s24 =	simm.s32 $0x30;
	s26 =	sand.u32 $0x3C00, s23;
	s25 =	sand.u32 $0x70, s18;
	v2 =	vor.u32 v3, v2  }
.LBB2_3:
0x25: {  	p0 =	sne.s32 s24, $0x7F0;
	s25 =	sor.u32 s25, s26  }
0x26: {  	vm0 =	vgt.f32 v1, $5.000000000e-01;
	v3 =	vld [tilespmem:s25+$0x10000]  }
0x27: {  	v1 =	vsel vm0, $0x3F800000, v0  }
0x28: {  	[tilespmem:s22+$0x18000] =	vst v1;
	s22 =	smov.u32 s21;
	s21 =	smov.u32 s25  }
.Ltmp2:
0x29: {  	v1 =	vld.idx.msk [tilespmem:v2+s15+$0x0], $0xffff;
	(pc) =	sbr.rel @p0 .LBB2_3-.Ltmp2, $4  }
0x2a: {  	_ = 	snop  }
0x2b: {  	v2 =	vshll.u32 v3, $0x3  }
0x2c: {  	s23 =	sadd.s32 $0x80, s23;
	v3 =	vand.u32 $0x7F, v3;
	v2 =	vand.u32 $0xFFFFFC00, v2  }
0x2d: {  	s26 =	sand.u32 $0x3C00, s23;
	s25 =	sand.u32 $0x70, s24;
	s24 =	sadd.s32 $0x10, s24;
	v2 =	vor.u32 v3, v2  }
0x2e: {  	s23 =	sor.u32 s25, s26  }
0x2f: {  	v3 =	vld [tilespmem:s23+$0x10000]  }
0x30: {  	vm0 =	vgt.f32 v1, $5.000000000e-01  }
0x31: {  	v1 =	vsel vm0, $0x3F800000, v0  }
0x32: {  	[tilespmem:s22+$0x18000] =	vst v1  }
0x33: {  	v1 =	vld.idx.msk [tilespmem:v2+s15+$0x0], $0xffff  }
0x34: {  	v2 =	vshll.u32 v3, $0x3  }
0x35: {  	v3 =	vand.u32 $0x7F, v3;
	v2 =	vand.u32 $0xFFFFFC00, v2  }
0x36: {  	v2 =	vor.u32 v3, v2;
	_ =	sdelay $0x1  }
0x37: {  	vm14 =	vgt.f32 v1, $5.000000000e-01  }
0x38: {  	v1 =	vsel vm14, $0x3F800000, v0  }
0x39: {  	[tilespmem:s21+$0x18000] =	vst v1  }
0x3a: {  	v1 =	vld.idx.msk [tilespmem:v2+s15+$0x0], $0xffff;
	_ =	sdelay $0x4  }
0x3b: {  	vm15 =	vgt.f32 v1, $5.000000000e-01  }
0x3c: {  	v1 =	vsel vm15, $0x3F800000, v0  }
0x3d: {  	s16 =	sor.u32 s17, s16;
	[tilespmem:s23+$0x18000] =	vst v1  }
0x3e: {  	v1 =	vld [tilespmem:s16+$0x10080];
	_ =	sdelay $0x4  }
0x3f: {  	v2 =	vshll.u32 v1, $0x3  }
0x40: {  	v1 =	vand.u32 $0x7F, v1;
	v2 =	vand.u32 $0xFFFFFC00, v2  }
0x41: {  	s15 =	sor.u32 s20, s19;
	v1 =	vor.u32 v2, v1  }
0x42: {  	v3 =	vld [tilespmem:s15+$0x10080];
	v1 =	vor.u32 $0x80, v1;
	_ =	sdelay $0x3  }
0x43: {  	s17 =	simm.s32 $0x0  }
0x44: {  	v2 =	vshll.u32 v3, $0x3;
	v1 =	vld.idx.msk [tilespmem:v1+s17+$0x0], $0xffff  }
0x45: {  	s19 =	simm.s32 $0x100;
	v3 =	vand.u32 $0x7F, v3;
	v2 =	vand.u32 $0xFFFFFC00, v2  }
0x46: {  	s20 =	sand.u32 $0x70, s18;
	s18 =	simm.s32 $0x30;
	s21 =	sand.u32 $0x3C00, s19;
	v2 =	vor.u32 v2, v3  }
.LBB2_5:
0x47: {  	p0 =	sne.s32 s18, $0x7F0;
	s20 =	sor.u32 s21, s20;
	v2 =	vor.u32 $0x80, v2  }
0x48: {  	v3 =	vld [tilespmem:s20+$0x10080]  }
0x49: {  	vm0 =	vgt.f32 v1, $5.000000000e-01  }
0x4a: {  	v1 =	vsel vm0, $0x3F800000, v0  }
.Ltmp3:
0x4b: {  	[tilespmem:s16+$0x18080] =	vst v1;
	s16 =	smov.u32 s15;
	(pc) =	sbr.rel @p0 .LBB2_5-.Ltmp3, $4  }
0x4c: {  	s15 =	smov.u32 s20;
	v1 =	vld.idx.msk [tilespmem:v2+s17+$0x0], $0xffff  }
0x4d: {  	v2 =	vshll.u32 v3, $0x3  }
0x4e: {  	s19 =	sadd.s32 $0x80, s19;
	v3 =	vand.u32 $0x7F, v3;
	v2 =	vand.u32 $0xFFFFFC00, v2  }
0x4f: {  	s21 =	sand.u32 $0x3C00, s19;
	s20 =	sand.u32 $0x70, s18;
	s18 =	sadd.s32 $0x10, s18;
	v2 =	vor.u32 v2, v3  }
0x50: {  	s19 =	sor.u32 s21, s20  }
0x51: {  	v2 =	vor.u32 $0x80, v2;
	v3 =	vld [tilespmem:s19+$0x10080];
	_ =	sdelay $0x1  }
0x52: {  	vm0 =	vgt.f32 v1, $5.000000000e-01  }
0x53: {  	v1 =	vsel vm0, $0x3F800000, v0  }
0x54: {  	s17 =	simm.s32 $0x0;
	[tilespmem:s16+$0x18080] =	vst v1  }
0x55: {  	v1 =	vld.idx.msk [tilespmem:v2+s17+$0x0], $0xffff;
	v2 =	vshll.u32 v3, $0x3  }
0x56: {  	v3 =	vand.u32 $0x7F, v3;
	v2 =	vand.u32 $0xFFFFFC00, v2  }
0x57: {  	v2 =	vor.u32 v2, v3  }
0x58: {  	v2 =	vor.u32 $0x80, v2;
	_ =	sdelay $0x1  }
0x59: {  	vm14 =	vgt.f32 v1, $5.000000000e-01  }
0x5a: {  	v1 =	vsel vm14, $0x3F800000, v0  }
0x5b: {  	[tilespmem:s15+$0x18080] =	vst v1  }
0x5c: {  	v1 =	vld.idx.msk [tilespmem:v2+s17+$0x0], $0xffff;
	_ =	sdelay $0x1  }
0x5d: {  	p1 =	por $0x1, $0x1  }
.Ltmp4:
0x5e: {  	_ = 	snop;
	(pc) =	sbr.rel @!p1 .LBB2_13-.Ltmp4, $4  }
0x5f: {  	_ = 	snop  }
0x60: {  	s18 =	simm.s32 $0x10;
	p2 =	por $0x0, $0x0;
	vm15 =	vgt.f32 v1, $5.000000000e-01  }
0x61: {  	p0 =	por $0x0, $0x0;
	s16 =	sand.u32 $0x3C00, s17;
	s15 =	sand.u32 $0x70, s17;
	v1 =	vsel vm15, $0x3F800000, v0  }
0x62: {  	p3 =	por $0x0, $0x0;
	s22 =	smov.u32 s16;
	s21 =	smov.u32 s15;
	[tilespmem:s19+$0x18080] =	vst v1  }
0x63: {  	s19 =	sor.u32 s16, s15  }
0x64: {  	v1 =	vld [tilespmem:s19+$0x10100];
	_ =	sdelay $0x1  }
0x65: {  	p3 =	por $0x1, $0x1  }
.Ltmp5:
0x66: {  	_ = 	snop;
	(pc) =	sbr.rel @!p3 .LBB2_8-.Ltmp5, $4  }
0x67: {  	_ = 	snop  }
0x68: {  	v2 =	vshll.u32 v1, $0x3  }
0x69: {  	s20 =	simm.s32 $0x80;
	s21 =	sand.u32 $0x70, s18;
	v1 =	vand.u32 $0x7F, v1;
	v2 =	vand.u32 $0xFFFFFC00, v2  }
0x6a: {  	s24 =	simm.s32 $0x20;
	p2 =	por $0x1, $0x1;
	s22 =	sand.u32 $0x3C00, s20;
	v2 =	vor.u32 v2, v1  }
0x6b: {  	s20 =	sor.u32 s22, s21  }
0x6c: {  	v2 =	vor.u32 $0x100, v2;
	v1 =	vld [tilespmem:s20+$0x10100];
	_ =	sdelay $0x1  }
0x6d: {  	p4 =	por $0x1, $0x1  }
.Ltmp6:
0x6e: {  	_ = 	snop;
	(pc) =	sbr.rel @!p4 .LBB2_10-.Ltmp6, $4  }
0x6f: {  	_ = 	snop  }
0x70: {  	v3 =	vshll.u32 v1, $0x3;
	v4 =	vand.u32 $0x7F, v1;
	v1 =	vld.idx.msk [tilespmem:v2+s17+$0x0], $0xffff  }
0x71: {  	s23 =	simm.s32 $0x100;
	s21 =	sand.u32 $0x70, s24;
	v3 =	vand.u32 $0xFFFFFC00, v3  }
0x72: {  	s24 =	simm.s32 $0x30;
	p3 =	por $0x1, $0x1;
	s22 =	sand.u32 $0x3C00, s23;
	v2 =	vor.u32 v3, v4  }
.LBB2_11:
0x73: {  	p4 =	sne.s32 s24, $0x7F0;
	s21 =	sor.u32 s22, s21;
	v2 =	vor.u32 $0x100, v2  }
0x74: {  	v3 =	vld [tilespmem:s21+$0x10100]  }
0x75: {  	vm0 =	vgt.f32 v1, $5.000000000e-01  }
0x76: {  	v1 =	vsel vm0, $0x3F800000, v0  }
.Ltmp7:
0x77: {  	[tilespmem:s19+$0x18100] =	vst v1;
	s19 =	smov.u32 s20;
	s20 =	smov.u32 s21;
	(pc) =	sbr.rel @p4 .LBB2_11-.Ltmp7, $4  }
0x78: {  	v1 =	vld.idx.msk [tilespmem:v2+s17+$0x0], $0xffff  }
0x79: {  	v2 =	vshll.u32 v3, $0x3  }
0x7a: {  	s23 =	sadd.s32 $0x80, s23;
	v3 =	vand.u32 $0x7F, v3;
	v2 =	vand.u32 $0xFFFFFC00, v2  }
0x7b: {  	s22 =	sand.u32 $0x3C00, s23;
	s21 =	sand.u32 $0x70, s24;
	s24 =	sadd.s32 $0x10, s24;
	v2 =	vor.u32 v2, v3  }
0x7c: {  	s23 =	smov.u32 s19;
	s19 =	smov.u32 s20  }
.LBB2_13:
0x7d: {  	s20 =	sor.u32 s22, s21;
	v2 =	vor.u32 @p2 $0x100, v2  }
0x7e: {  	v3 =	vld [tilespmem:s20+$0x10100]  }
0x7f: {  	vm0 =	vgt.f32 @p3 v1, $5.000000000e-01  }
0x80: {  	v1 =	vsel @p3 vm0, $0x3F800000, v0  }
0x81: {  	[tilespmem:s23+$0x18100] =	vst @p3 v1  }
0x82: {  	v1 =	vld.idx.msk @p2 [tilespmem:v2+s17+$0x0], $0xffff  }
0x83: {  	v2 =	vshll.u32 v3, $0x3  }
0x84: {  	v3 =	vand.u32 $0x7F, v3;
	v2 =	vand.u32 $0xFFFFFC00, v2  }
0x85: {  	v2 =	vor.u32 v2, v3  }
0x86: {  	v2 =	vor.u32 $0x100, v2  }
0x87: {  	v1 =	vpsel p2, v1, v0  }
0x88: {  	vm0 =	vgt.f32 @p2 v1, $5.000000000e-01  }
0x89: {  	s19 =	smov.u32 @p2 s19;
	v1 =	vsel @p2 vm0, $0x3F800000, v0  }
0x8a: {  	[tilespmem:s19+$0x18100] =	vst @p2 v1  }
0x8b: {  	v1 =	vld.idx.msk [tilespmem:v2+s17+$0x0], $0xffff;
	_ =	sdelay $0x2  }
.Ltmp8:
0x8c: {  	_ = 	snop;
	(pc) =	sbr.rel @!p1 .LBB2_14-.Ltmp8, $4  }
0x8d: {  	_ = 	snop  }
0x8e: {  	vm15 =	vgt.f32 v1, $5.000000000e-01  }
0x8f: {  	v1 =	vsel vm15, $0x3F800000, v0  }
0x90: {  	[tilespmem:s20+$0x18100] =	vst v1  }
0x91: {  	s17 =	sor.u32 s16, s15  }
0x92: {  	v1 =	vld [tilespmem:s17+$0x10180];
	_ =	sdelay $0x1  }
0x93: {  	p2 =	por $0x1, $0x1  }
.Ltmp9:
0x94: {  	_ = 	snop;
	(pc) =	sbr.rel @!p2 .LBB2_16-.Ltmp9, $4  }
0x95: {  	_ = 	snop  }
0x96: {  	v2 =	vshll.u32 v1, $0x3  }
0x97: {  	s31 =	simm.s32 $0x80;
	s15 =	sand.u32 $0x70, s18;
	v1 =	vand.u32 $0x7F, v1;
	v2 =	vand.u32 $0xFFFFFC00, v2  }
0x98: {  	s21 =	simm.s32 $0x20;
	p1 =	por $0x1, $0x1;
	s16 =	sand.u32 $0x3C00, s31;
	v2 =	vor.u32 v2, v1  }
0x99: {  	s18 =	sor.u32 s16, s15  }
0x9a: {  	v2 =	vor.u32 $0x180, v2;
	v1 =	vld [tilespmem:s18+$0x10180];
	_ =	sdelay $0x1  }
0x9b: {  	p2 =	por $0x1, $0x1  }
.Ltmp10:
0x9c: {  	_ = 	snop;
	(pc) =	sbr.rel @!p2 .LBB2_18-.Ltmp10, $4  }
0x9d: {  	s19 =	simm.s32 $0x0  }
0x9e: {  	v3 =	vshll.u32 v1, $0x3;
	v4 =	vand.u32 $0x7F, v1;
	v1 =	vld.idx.msk [tilespmem:v2+s19+$0x0], $0xffff  }
0x9f: {  	s20 =	simm.s32 $0x100;
	s15 =	sand.u32 $0x70, s21;
	v3 =	vand.u32 $0xFFFFFC00, v3  }
0xa0: {  	s21 =	simm.s32 $0x30;
	p0 =	por $0x1, $0x1;
	s16 =	sand.u32 $0x3C00, s20;
	v2 =	vor.u32 v3, v4  }
.LBB2_19:
0xa1: {  	p2 =	sne.s32 s21, $0x7F0;
	s15 =	sor.u32 s16, s15;
	v2 =	vor.u32 $0x180, v2  }
0xa2: {  	v3 =	vld [tilespmem:s15+$0x10180]  }
0xa3: {  	vm0 =	vgt.f32 v1, $5.000000000e-01  }
0xa4: {  	v1 =	vsel vm0, $0x3F800000, v0  }
.Ltmp11:
0xa5: {  	[tilespmem:s17+$0x18180] =	vst v1;
	s17 =	smov.u32 s18;
	(pc) =	sbr.rel @p2 .LBB2_19-.Ltmp11, $4  }
0xa6: {  	s18 =	smov.u32 s15;
	v1 =	vld.idx.msk [tilespmem:v2+s19+$0x0], $0xffff  }
0xa7: {  	v2 =	vshll.u32 v3, $0x3  }
0xa8: {  	s20 =	sadd.s32 $0x80, s20;
	v3 =	vand.u32 $0x7F, v3;
	v2 =	vand.u32 $0xFFFFFC00, v2  }
0xa9: {  	s16 =	sand.u32 $0x3C00, s20;
	s15 =	sand.u32 $0x70, s21;
	s21 =	sadd.s32 $0x10, s21;
	v2 =	vor.u32 v2, v3  }
0xaa: {  	s19 =	smov.u32 s17;
	s17 =	smov.u32 s18  }
.LBB2_21:
0xab: {  	s20 =	sor.u32 s16, s15;
	v2 =	vor.u32 @p1 $0x180, v2  }
0xac: {  	v3 =	vld [tilespmem:s20+$0x10180]  }
0xad: {  	vm0 =	vgt.f32 @p0 v1, $5.000000000e-01  }
0xae: {  	v1 =	vsel @p0 vm0, $0x3F800000, v0  }
0xaf: {  	s15 =	simm.s32 @p1 $0x0;
	[tilespmem:s19+$0x18180] =	vst @p0 v1  }
0xb0: {  	v1 =	vld.idx.msk @p1 [tilespmem:v2+s15+$0x0], $0xffff  }
0xb1: {  	v2 =	vshll.u32 v3, $0x3  }
0xb2: {  	v3 =	vand.u32 $0x7F, v3;
	v2 =	vand.u32 $0xFFFFFC00, v2  }
0xb3: {  	v2 =	vor.u32 v2, v3  }
0xb4: {  	v2 =	vor.u32 $0x180, v2  }
0xb5: {  	v1 =	vpsel p1, v1, v0  }
0xb6: {  	s15 =	smov.u32 @p1 s17;
	vm0 =	vgt.f32 @p1 v1, $5.000000000e-01  }
0xb7: {  	s15 =	smov.u32 @p1 s15;
	v1 =	vsel @p1 vm0, $0x3F800000, v0  }
0xb8: {  	s18 =	simm.s32 $0x0;
	[tilespmem:s15+$0x18180] =	vst @p1 v1  }
0xb9: {  	v1 =	vld.idx.msk [tilespmem:v2+s18+$0x0], $0xffff;
	_ =	sdelay $0x1  }
0xba: {  	p1 =	por $0x1, $0x1  }
.Ltmp12:
0xbb: {  	_ = 	snop;
	(pc) =	sbr.rel @!p1 .LBB2_28-.Ltmp12, $4  }
0xbc: {  	_ = 	snop  }
0xbd: {  	p2 =	por $0x0, $0x0;
	p3 =	por $0x0, $0x0;
	vm15 =	vgt.f32 v1, $5.000000000e-01  }
0xbe: {  	s16 =	sand.u32 $0x3C00, s18;
	p0 =	por $0x0, $0x0;
	s15 =	sand.u32 $0x70, s18;
	v1 =	vsel vm15, $0x3F800000, v0  }
0xbf: {  	s22 =	smov.u32 s16;
	s17 =	simm.s32 $0x10;
	s21 =	smov.u32 s15;
	[tilespmem:s20+$0x18180] =	vst v1  }
0xc0: {  	s19 =	sor.u32 s16, s15  }
0xc1: {  	v1 =	vld [tilespmem:s19+$0x10200];
	_ =	sdelay $0x1  }
0xc2: {  	p3 =	por $0x1, $0x1  }
.Ltmp13:
0xc3: {  	_ = 	snop;
	(pc) =	sbr.rel @!p3 .LBB2_23-.Ltmp13, $4  }
0xc4: {  	_ = 	snop  }
0xc5: {  	v2 =	vshll.u32 v1, $0x3  }
0xc6: {  	s20 =	simm.s32 $0x80;
	s21 =	sand.u32 $0x70, s17;
	v1 =	vand.u32 $0x7F, v1;
	v2 =	vand.u32 $0xFFFFFC00, v2  }
0xc7: {  	s24 =	simm.s32 $0x20;
	p2 =	por $0x1, $0x1;
	s22 =	sand.u32 $0x3C00, s20;
	v2 =	vor.u32 v2, v1  }
0xc8: {  	s20 =	sor.u32 s22, s21  }
0xc9: {  	v2 =	vor.u32 $0x200, v2;
	v1 =	vld [tilespmem:s20+$0x10200];
	_ =	sdelay $0x1  }
0xca: {  	p4 =	por $0x1, $0x1  }
.Ltmp14:
0xcb: {  	_ = 	snop;
	(pc) =	sbr.rel @!p4 .LBB2_25-.Ltmp14, $4  }
0xcc: {  	_ = 	snop  }
0xcd: {  	v3 =	vshll.u32 v1, $0x3;
	v4 =	vand.u32 $0x7F, v1;
	v1 =	vld.idx.msk [tilespmem:v2+s18+$0x0], $0xffff  }
0xce: {  	s23 =	simm.s32 $0x100;
	s21 =	sand.u32 $0x70, s24;
	v3 =	vand.u32 $0xFFFFFC00, v3  }
0xcf: {  	s24 =	simm.s32 $0x30;
	p3 =	por $0x1, $0x1;
	s22 =	sand.u32 $0x3C00, s23;
	v2 =	vor.u32 v3, v4  }
.LBB2_26:
0xd0: {  	p4 =	sne.s32 s24, $0x7F0;
	s21 =	sor.u32 s22, s21;
	v2 =	vor.u32 $0x200, v2  }
0xd1: {  	v3 =	vld [tilespmem:s21+$0x10200]  }
0xd2: {  	vm0 =	vgt.f32 v1, $5.000000000e-01  }
0xd3: {  	v1 =	vsel vm0, $0x3F800000, v0  }
.Ltmp15:
0xd4: {  	[tilespmem:s19+$0x18200] =	vst v1;
	s19 =	smov.u32 s20;
	s20 =	smov.u32 s21;
	(pc) =	sbr.rel @p4 .LBB2_26-.Ltmp15, $4  }
0xd5: {  	v1 =	vld.idx.msk [tilespmem:v2+s18+$0x0], $0xffff  }
0xd6: {  	v2 =	vshll.u32 v3, $0x3  }
0xd7: {  	s23 =	sadd.s32 $0x80, s23;
	v3 =	vand.u32 $0x7F, v3;
	v2 =	vand.u32 $0xFFFFFC00, v2  }
0xd8: {  	s22 =	sand.u32 $0x3C00, s23;
	s21 =	sand.u32 $0x70, s24;
	s24 =	sadd.s32 $0x10, s24;
	v2 =	vor.u32 v2, v3  }
0xd9: {  	s23 =	smov.u32 s19;
	s19 =	smov.u32 s20  }
.LBB2_28:
0xda: {  	s20 =	sor.u32 s22, s21;
	v2 =	vor.u32 @p2 $0x200, v2  }
0xdb: {  	v3 =	vld [tilespmem:s20+$0x10200]  }
0xdc: {  	vm0 =	vgt.f32 @p3 v1, $5.000000000e-01  }
0xdd: {  	v1 =	vsel @p3 vm0, $0x3F800000, v0  }
0xde: {  	[tilespmem:s23+$0x18200] =	vst @p3 v1  }
0xdf: {  	v1 =	vld.idx.msk @p2 [tilespmem:v2+s18+$0x0], $0xffff  }
0xe0: {  	v2 =	vshll.u32 v3, $0x3  }
0xe1: {  	v3 =	vand.u32 $0x7F, v3;
	v2 =	vand.u32 $0xFFFFFC00, v2  }
0xe2: {  	v2 =	vor.u32 v2, v3  }
0xe3: {  	v2 =	vor.u32 $0x200, v2  }
0xe4: {  	v1 =	vpsel p2, v1, v0  }
0xe5: {  	vm0 =	vgt.f32 @p2 v1, $5.000000000e-01  }
0xe6: {  	s19 =	smov.u32 @p2 s19;
	v1 =	vsel @p2 vm0, $0x3F800000, v0  }
0xe7: {  	[tilespmem:s19+$0x18200] =	vst @p2 v1  }
0xe8: {  	v1 =	vld.idx.msk [tilespmem:v2+s18+$0x0], $0xffff;
	_ =	sdelay $0x2  }
.Ltmp16:
0xe9: {  	_ = 	snop;
	(pc) =	sbr.rel @!p1 .LBB2_29-.Ltmp16, $4  }
0xea: {  	_ = 	snop  }
0xeb: {  	vm15 =	vgt.f32 v1, $5.000000000e-01  }
0xec: {  	v1 =	vsel vm15, $0x3F800000, v0  }
0xed: {  	[tilespmem:s20+$0x18200] =	vst v1  }
0xee: {  	s18 =	sor.u32 s16, s15  }
0xef: {  	v1 =	vld [tilespmem:s18+$0x10280];
	_ =	sdelay $0x1  }
0xf0: {  	p2 =	por $0x1, $0x1  }
.Ltmp17:
0xf1: {  	_ = 	snop;
	(pc) =	sbr.rel @!p2 .LBB2_31-.Ltmp17, $4  }
0xf2: {  	_ = 	snop  }
0xf3: {  	v2 =	vshll.u32 v1, $0x3  }
0xf4: {  	s31 =	simm.s32 $0x80;
	s15 =	sand.u32 $0x70, s17;
	v1 =	vand.u32 $0x7F, v1;
	v2 =	vand.u32 $0xFFFFFC00, v2  }
0xf5: {  	s21 =	simm.s32 $0x20;
	p1 =	por $0x1, $0x1;
	s16 =	sand.u32 $0x3C00, s31;
	v2 =	vor.u32 v2, v1  }
0xf6: {  	s17 =	sor.u32 s16, s15  }
0xf7: {  	v2 =	vor.u32 $0x280, v2;
	v1 =	vld [tilespmem:s17+$0x10280];
	_ =	sdelay $0x1  }
0xf8: {  	p2 =	por $0x1, $0x1  }
.Ltmp18:
0xf9: {  	_ = 	snop;
	(pc) =	sbr.rel @!p2 .LBB2_33-.Ltmp18, $4  }
0xfa: {  	s19 =	simm.s32 $0x0  }
0xfb: {  	v3 =	vshll.u32 v1, $0x3;
	v4 =	vand.u32 $0x7F, v1;
	v1 =	vld.idx.msk [tilespmem:v2+s19+$0x0], $0xffff  }
0xfc: {  	s20 =	simm.s32 $0x100;
	s15 =	sand.u32 $0x70, s21;
	v3 =	vand.u32 $0xFFFFFC00, v3  }
0xfd: {  	s21 =	simm.s32 $0x30;
	p0 =	por $0x1, $0x1;
	s16 =	sand.u32 $0x3C00, s20;
	v2 =	vor.u32 v3, v4  }
.LBB2_34:
0xfe: {  	p2 =	sne.s32 s21, $0x7F0;
	s15 =	sor.u32 s16, s15;
	v2 =	vor.u32 $0x280, v2  }
0xff: {  	v3 =	vld [tilespmem:s15+$0x10280]  }
0x100: {  	vm0 =	vgt.f32 v1, $5.000000000e-01  }
0x101: {  	v1 =	vsel vm0, $0x3F800000, v0  }
.Ltmp19:
0x102: {  	[tilespmem:s18+$0x18280] =	vst v1;
	s18 =	smov.u32 s17;
	(pc) =	sbr.rel @p2 .LBB2_34-.Ltmp19, $4  }
0x103: {  	s17 =	smov.u32 s15;
	v1 =	vld.idx.msk [tilespmem:v2+s19+$0x0], $0xffff  }
0x104: {  	v2 =	vshll.u32 v3, $0x3  }
0x105: {  	s20 =	sadd.s32 $0x80, s20;
	v3 =	vand.u32 $0x7F, v3;
	v2 =	vand.u32 $0xFFFFFC00, v2  }
0x106: {  	s16 =	sand.u32 $0x3C00, s20;
	s15 =	sand.u32 $0x70, s21;
	s21 =	sadd.s32 $0x10, s21;
	v2 =	vor.u32 v2, v3  }
0x107: {  	s19 =	smov.u32 s18;
	s18 =	smov.u32 s17  }
.LBB2_36:
0x108: {  	s16 =	sor.u32 s16, s15;
	v2 =	vor.u32 @p1 $0x280, v2  }
0x109: {  	v3 =	vld [tilespmem:s16+$0x10280]  }
0x10a: {  	vm0 =	vgt.f32 @p0 v1, $5.000000000e-01  }
0x10b: {  	v1 =	vsel @p0 vm0, $0x3F800000, v0  }
0x10c: {  	s15 =	simm.s32 @p1 $0x0;
	[tilespmem:s19+$0x18280] =	vst @p0 v1  }
0x10d: {  	v1 =	vld.idx.msk @p1 [tilespmem:v2+s15+$0x0], $0xffff  }
0x10e: {  	v2 =	vshll.u32 v3, $0x3  }
0x10f: {  	v3 =	vand.u32 $0x7F, v3;
	v2 =	vand.u32 $0xFFFFFC00, v2  }
0x110: {  	v2 =	vor.u32 v2, v3  }
0x111: {  	v2 =	vor.u32 $0x280, v2  }
0x112: {  	v1 =	vpsel p1, v1, v0  }
0x113: {  	s15 =	smov.u32 @p1 s18;
	vm0 =	vgt.f32 @p1 v1, $5.000000000e-01  }
0x114: {  	s17 =	smov.u32 @p1 s15;
	v1 =	vsel @p1 vm0, $0x3F800000, v0  }
0x115: {  	s15 =	simm.s32 $0x0;
	[tilespmem:s17+$0x18280] =	vst @p1 v1  }
0x116: {  	v1 =	vld.idx.msk [tilespmem:v2+s15+$0x0], $0xffff;
	_ =	sdelay $0x1  }
0x117: {  	p1 =	por $0x1, $0x1  }
.Ltmp20:
0x118: {  	_ = 	snop;
	(pc) =	sbr.rel @!p1 .LBB2_37-.Ltmp20, $4  }
0x119: {  	_ = 	snop  }
0x11a: {  	vm15 =	vgt.f32 v1, $5.000000000e-01  }
0x11b: {  	p2 =	por $0x0, $0x0;
	p0 =	por $0x0, $0x0;
	v1 =	vsel vm15, $0x3F800000, v0  }
0x11c: {  	s18 =	simm.s32 $0x10;
	s19 =	sand.u32 $0x3C00, s15;
	s17 =	sand.u32 $0x70, s15;
	[tilespmem:s16+$0x18280] =	vst v1  }
0x11d: {  	s16 =	sor.u32 s19, s17  }
0x11e: {  	v1 =	vld [tilespmem:s16+$0x10300];
	_ =	sdelay $0x1  }
0x11f: {  	p3 =	por $0x1, $0x1  }
.Ltmp21:
0x120: {  	_ = 	snop;
	(pc) =	sbr.rel @!p3 .LBB2_39-.Ltmp21, $4  }
0x121: {  	_ = 	snop  }
0x122: {  	v2 =	vshll.u32 v1, $0x3  }
0x123: {  	s31 =	simm.s32 $0x80;
	s17 =	sand.u32 $0x70, s18;
	v1 =	vand.u32 $0x7F, v1;
	v2 =	vand.u32 $0xFFFFFC00, v2  }
0x124: {  	s21 =	simm.s32 $0x20;
	p2 =	por $0x1, $0x1;
	s19 =	sand.u32 $0x3C00, s31;
	v2 =	vor.u32 v2, v1  }
0x125: {  	s18 =	sor.u32 s19, s17  }
0x126: {  	v2 =	vor.u32 $0x300, v2;
	v1 =	vld [tilespmem:s18+$0x10300];
	_ =	sdelay $0x1  }
0x127: {  	p4 =	por $0x1, $0x1  }
.Ltmp22:
0x128: {  	_ = 	snop;
	(pc) =	sbr.rel @!p4 .LBB2_41-.Ltmp22, $4  }
0x129: {  	_ = 	snop  }
0x12a: {  	v3 =	vshll.u32 v1, $0x3;
	v4 =	vand.u32 $0x7F, v1;
	v1 =	vld.idx.msk [tilespmem:v2+s15+$0x0], $0xffff  }
0x12b: {  	s20 =	simm.s32 $0x100;
	s17 =	sand.u32 $0x70, s21;
	v3 =	vand.u32 $0xFFFFFC00, v3  }
0x12c: {  	s21 =	simm.s32 $0x30;
	p3 =	por $0x1, $0x1;
	s19 =	sand.u32 $0x3C00, s20;
	v2 =	vor.u32 v3, v4  }
.LBB2_42:
0x12d: {  	p4 =	sne.s32 s21, $0x7F0;
	s17 =	sor.u32 s19, s17;
	v2 =	vor.u32 $0x300, v2  }
0x12e: {  	v3 =	vld [tilespmem:s17+$0x10300]  }
0x12f: {  	vm0 =	vgt.f32 v1, $5.000000000e-01  }
0x130: {  	v1 =	vsel vm0, $0x3F800000, v0  }
.Ltmp23:
0x131: {  	[tilespmem:s16+$0x18300] =	vst v1;
	s16 =	smov.u32 s18;
	s18 =	smov.u32 s17;
	(pc) =	sbr.rel @p4 .LBB2_42-.Ltmp23, $4  }
0x132: {  	v1 =	vld.idx.msk [tilespmem:v2+s15+$0x0], $0xffff  }
0x133: {  	v2 =	vshll.u32 v3, $0x3  }
0x134: {  	s20 =	sadd.s32 $0x80, s20;
	v3 =	vand.u32 $0x7F, v3;
	v2 =	vand.u32 $0xFFFFFC00, v2  }
0x135: {  	s19 =	sand.u32 $0x3C00, s20;
	s17 =	sand.u32 $0x70, s21;
	s21 =	sadd.s32 $0x10, s21;
	v2 =	vor.u32 v2, v3  }
0x136: {  	s20 =	smov.u32 s16;
	s16 =	smov.u32 s18  }
.LBB2_44:
0x137: {  	s17 =	sor.u32 s19, s17;
	v2 =	vor.u32 @p2 $0x300, v2  }
0x138: {  	v3 =	vld [tilespmem:s17+$0x10300]  }
0x139: {  	vm0 =	vgt.f32 @p3 v1, $5.000000000e-01  }
0x13a: {  	v1 =	vsel @p3 vm0, $0x3F800000, v0  }
0x13b: {  	[tilespmem:s20+$0x18300] =	vst @p3 v1  }
0x13c: {  	v1 =	vld.idx.msk @p2 [tilespmem:v2+s15+$0x0], $0xffff  }
0x13d: {  	v2 =	vshll.u32 v3, $0x3  }
0x13e: {  	v3 =	vand.u32 $0x7F, v3;
	v2 =	vand.u32 $0xFFFFFC00, v2  }
0x13f: {  	v2 =	vor.u32 v2, v3  }
0x140: {  	v2 =	vor.u32 $0x300, v2  }
0x141: {  	v1 =	vpsel p2, v1, v0  }
0x142: {  	vm0 =	vgt.f32 @p2 v1, $5.000000000e-01  }
0x143: {  	s16 =	smov.u32 @p2 s16;
	v1 =	vsel @p2 vm0, $0x3F800000, v0  }
0x144: {  	[tilespmem:s16+$0x18300] =	vst @p2 v1  }
0x145: {  	v1 =	vld.idx.msk [tilespmem:v2+s15+$0x0], $0xffff;
	_ =	sdelay $0x2  }
.Ltmp24:
0x146: {  	_ = 	snop;
	(pc) =	sbr.rel @!p1 .LBB2_45-.Ltmp24, $4  }
0x147: {  	_ = 	snop  }
0x148: {  	vm15 =	vgt.f32 v1, $5.000000000e-01  }
0x149: {  	v1 =	vsel vm15, $0x3F800000, v0  }
0x14a: {  	s19 =	sand.u32 $0x7, s15;
	[tilespmem:s17+$0x18300] =	vst v1  }
0x14b: {  	s16 =	sshll.u32 s19, $0x4  }
0x14c: {  	s16 =	sadd.s32 $0x0, s16  }
0x14d: {  	s16 =	sor.u32 $0x380, s16  }
0x14e: {  	p2 =	por $0x1, $0x1;
	v1 =	vld [tilespmem:s16+$0x10000]  }
.Ltmp25:
0x14f: {  	_ = 	snop;
	(pc) =	sbr.rel @!p2 .LBB2_47-.Ltmp25, $3  }
0x150: {  	_ =	sdelay $0x1  }
0x151: {  	s17 =	simm.s32 $0x1  }
0x152: {  	p1 =	por $0x1, $0x1;
	s19 =	sand.u32 $0x7, s17;
	v3 =	vshll.u32 v1, $0x3  }
0x153: {  	s17 =	sshll.u32 s19, $0x4  }
0x154: {  	v1 =	vand.u32 $0x7F, v1;
	v2 =	vand.u32 $0xFFFFFC00, v3;
	s17 =	sadd.s32 $0x80, s17  }
0x155: {  	v1 =	vor.u32 v2, v1;
	s18 =	sor.u32 $0x380, s17  }
0x156: {  	p2 =	por $0x1, $0x1;
	v2 =	vor.u32 $0x380, v1;
	v1 =	vld [tilespmem:s18+$0x10000]  }
.Ltmp26:
0x157: {  	_ = 	snop;
	(pc) =	sbr.rel @!p2 .LBB2_49-.Ltmp26, $3  }
0x158: {  	_ =	sdelay $0x1  }
0x159: {  	s20 =	simm.s32 $0x2;
	s21 =	simm.s32 $0x30  }
0x15a: {  	p0 =	por $0x1, $0x1;
	s19 =	sand.u32 $0x7, s20;
	s17 =	simm.s32 $0x80;
	v2 =	vld.idx.msk [tilespmem:v2+s2+$0x0], $0xffff;
	v3 =	vshll.u32 v1, $0x3  }
.LBB2_50:
0x15b: {  	p2 =	sne.s32 s21, $0x7F0;
	s19 =	sshll.u32 s19, $0x4;
	v1 =	vand.u32 $0x7F, v1;
	v3 =	vand.u32 $0xFFFFFC00, v3;
	s17 =	sadd.s32 $0x80, s17  }
0x15c: {  	s19 =	sadd.s32 s19, s17;
	v1 =	vor.u32 v3, v1  }
0x15d: {  	s19 =	sor.u32 $0x380, s19;
	v3 =	vor.u32 $0x380, v1  }
0x15e: {  	v1 =	vld [tilespmem:s19+$0x10000]  }
.Ltmp27:
0x15f: {  	vm0 =	vgt.f32 v2, $5.000000000e-01;
	(pc) =	sbr.rel @p2 .LBB2_50-.Ltmp27, $4  }
0x160: {  	v2 =	vsel vm0, $0x3F800000, v0  }
0x161: {  	[tilespmem:s16+$0x18000] =	vst v2;
	s16 =	smov.u32 s18;
	s18 =	smov.u32 s19  }
0x162: {  	s20 =	sadd.s32 $0x1, s20;
	v2 =	vld.idx.msk [tilespmem:v3+s2+$0x0], $0xffff  }
0x163: {  	s21 =	sadd.s32 $0x10, s21;
	s19 =	sand.u32 $0x7, s20;
	v3 =	vshll.u32 v1, $0x3  }
0x164: {  	s20 =	smov.u32 s16;
	s16 =	smov.u32 s18  }
.LBB2_52:
0x165: {  	s17 =	sadd.s32 @p1 $0x80, s17  }
0x166: {  	s18 =	sshll.u32 s19, $0x4;
	v1 =	vand.u32 @p1 $0x7F, v1;
	v3 =	vand.u32 @p1 $0xFFFFFC00, v3;
	s15 =	smov.u32 @p1 s17  }
0x167: {  	v1 =	vor.u32 @p1 v3, v1;
	s15 =	sadd.s32 s18, s15  }
0x168: {  	v1 =	vor.u32 @p1 $0x380, v1;
	s15 =	sor.u32 $0x380, s15  }
0x169: {  	v3 =	vld [tilespmem:s15+$0x10000]  }
0x16a: {  	vm0 =	vgt.f32 @p0 v2, $5.000000000e-01  }
0x16b: {  	v2 =	vsel @p0 vm0, $0x3F800000, v0  }
0x16c: {  	[tilespmem:s20+$0x18000] =	vst @p0 v2  }
0x16d: {  	v1 =	vld.idx.msk @p1 [tilespmem:v1+s2+$0x0], $0xffff  }
0x16e: {  	v2 =	vshll.u32 v3, $0x3  }
0x16f: {  	v3 =	vand.u32 $0x7F, v3;
	v2 =	vand.u32 $0xFFFFFC00, v2  }
0x170: {  	v2 =	vor.u32 v2, v3  }
0x171: {  	v2 =	vor.u32 $0x380, v2  }
0x172: {  	v1 =	vpsel p1, v1, v0  }
0x173: {  	vm0 =	vgt.f32 @p1 v1, $5.000000000e-01  }
0x174: {  	s16 =	smov.u32 @p1 s16;
	v1 =	vsel @p1 vm0, $0x3F800000, v0  }
0x175: {  	[tilespmem:s16+$0x18000] =	vst @p1 v1  }
0x176: {  	v1 =	vld.idx.msk [tilespmem:v2+s2+$0x0], $0xffff;
	_ =	sdelay $0x4  }
0x177: {  	vm15 =	vgt.f32 v1, $5.000000000e-01  }
0x178: {  	v1 =	vsel vm15, $0x3F800000, v0  }
0x179: {  	s26 =	sadd.s32 s5, s14;
	s17 =	simm.s32 $0x0;
	[tilespmem:s15+$0x18000] =	vst v1  }
0x17a: {  	[hbm4b:s26+s17] =	stream.linear.scatter [tilespmem:s11], [sflag:$0x1], $0x4000, $0x38;
	[tilespmem:$0x1C000] =	vst v63  }
0x17b: {  	_ =	swait.ge [sflag:s9], $0x4000  }
0x17c: {  	s28 =	sand.u32 $0x70, s17;
	s29 =	sand.u32 $0x3C00, s17;
	[sflag:s9] =	ssyncset.done $0x0  }
0x17d: {  	s15 =	sor.u32 s28, s29;
	[sflag:s9] =	ssyncadd.s32 $0xFFFFC000  }
0x17e: {  	v1 =	vld [tilespmem:s15+$0x14000];
	_ =	sdelay $0x4  }
0x17f: {  	s30 =	simm.s32 $0x10;
	s31 =	simm.s32 $0x80;
	v2 =	vshll.u32 v1, $0x3  }
0x180: {  	s18 =	sand.u32 $0x3C00, s31;
	s16 =	sand.u32 $0x70, s30;
	v1 =	vand.u32 $0x7F, v1;
	v2 =	vand.u32 $0xFFFFFC00, v2  }
0x181: {  	s16 =	sor.u32 s16, s18;
	v1 =	vor.u32 v1, v2  }
0x182: {  	v3 =	vld [tilespmem:s16+$0x14000];
	v1 =	vadd.s32 $0x8000, v1;
	_ =	sdelay $0x4  }
0x183: {  	s20 =	simm.s32 $0x100;
	v2 =	vshll.u32 v3, $0x3;
	v1 =	vld.idx.msk [tilespmem:v1+s17+$0x0], $0xffff  }
0x184: {  	s22 =	simm.s32 $0x30;
	s24 =	sand.u32 $0x3C00, s20;
	s18 =	simm.s32 $0x20;
	v3 =	vand.u32 $0x7F, v3;
	v2 =	vand.u32 $0xFFFFFC00, v2  }
0x185: {  	s23 =	sand.u32 $0x70, s18;
	s19 =	smov.u32 s16;
	s21 =	smov.u32 s15;
	v2 =	vor.u32 v3, v2  }
.LBB2_53:
0x186: {  	p0 =	sne.s32 s22, $0x7F0;
	s23 =	sor.u32 s23, s24;
	v2 =	vadd.s32 $0x8000, v2  }
0x187: {  	v3 =	vld [tilespmem:s23+$0x14000]  }
0x188: {  	vm0 =	vgt.f32 v1, $5.000000000e-01  }
0x189: {  	v1 =	vsel vm0, $0x3F800000, v0  }
.Ltmp28:
0x18a: {  	[tilespmem:s21+$0x18000] =	vst v1;
	s21 =	smov.u32 s19;
	s19 =	smov.u32 s23;
	(pc) =	sbr.rel @p0 .LBB2_53-.Ltmp28, $4  }
0x18b: {  	v1 =	vld.idx.msk [tilespmem:v2+s17+$0x0], $0xffff  }
0x18c: {  	v2 =	vshll.u32 v3, $0x3  }
0x18d: {  	s20 =	sadd.s32 $0x80, s20;
	v3 =	vand.u32 $0x7F, v3;
	v2 =	vand.u32 $0xFFFFFC00, v2  }
0x18e: {  	s24 =	sand.u32 $0x3C00, s20;
	s23 =	sand.u32 $0x70, s22;
	s22 =	sadd.s32 $0x10, s22;
	v2 =	vor.u32 v3, v2  }
0x18f: {  	s20 =	sor.u32 s23, s24  }
0x190: {  	v2 =	vadd.s32 $0x8000, v2;
	v3 =	vld [tilespmem:s20+$0x14000];
	_ =	sdelay $0x1  }
0x191: {  	vm0 =	vgt.f32 v1, $5.000000000e-01  }
0x192: {  	v1 =	vsel vm0, $0x3F800000, v0  }
0x193: {  	[tilespmem:s21+$0x18000] =	vst v1  }
0x194: {  	v1 =	vld.idx.msk [tilespmem:v2+s17+$0x0], $0xffff;
	v2 =	vshll.u32 v3, $0x3  }
0x195: {  	v3 =	vand.u32 $0x7F, v3;
	v2 =	vand.u32 $0xFFFFFC00, v2  }
0x196: {  	v2 =	vor.u32 v3, v2  }
0x197: {  	v2 =	vadd.s32 $0x8000, v2;
	_ =	sdelay $0x1  }
0x198: {  	vm14 =	vgt.f32 v1, $5.000000000e-01  }
0x199: {  	v1 =	vsel vm14, $0x3F800000, v0  }
0x19a: {  	[tilespmem:s19+$0x18000] =	vst v1  }
0x19b: {  	v1 =	vld.idx.msk [tilespmem:v2+s17+$0x0], $0xffff;
	_ =	sdelay $0x4  }
0x19c: {  	vm15 =	vgt.f32 v1, $5.000000000e-01  }
0x19d: {  	v1 =	vsel vm15, $0x3F800000, v0  }
0x19e: {  	[tilespmem:s20+$0x18000] =	vst v1  }
0x19f: {  	v1 =	vld [tilespmem:s15+$0x14080];
	_ =	sdelay $0x4  }
0x1a0: {  	v2 =	vshll.u32 v1, $0x3  }
0x1a1: {  	v1 =	vand.u32 $0x7F, v1;
	v2 =	vand.u32 $0xFFFFFC00, v2  }
0x1a2: {  	v1 =	vor.u32 v1, v2  }
0x1a3: {  	v3 =	vld [tilespmem:s16+$0x14080];
	v1 =	vadd.s32 $0x8080, v1;
	_ =	sdelay $0x3  }
0x1a4: {  	s17 =	simm.s32 $0x0  }
0x1a5: {  	v2 =	vshll.u32 v3, $0x3;
	v1 =	vld.idx.msk [tilespmem:v1+s17+$0x0], $0xffff  }
0x1a6: {  	s19 =	simm.s32 $0x100;
	v3 =	vand.u32 $0x7F, v3;
	v2 =	vand.u32 $0xFFFFFC00, v2  }
0x1a7: {  	s21 =	sand.u32 $0x3C00, s19;
	s20 =	sand.u32 $0x70, s18;
	s18 =	simm.s32 $0x30;
	v2 =	vor.u32 v3, v2  }
.LBB2_55:
0x1a8: {  	p0 =	sne.s32 s18, $0x7F0;
	s20 =	sor.u32 s20, s21;
	v2 =	vadd.s32 $0x8080, v2  }
0x1a9: {  	v3 =	vld [tilespmem:s20+$0x14080]  }
0x1aa: {  	vm0 =	vgt.f32 v1, $5.000000000e-01  }
0x1ab: {  	v1 =	vsel vm0, $0x3F800000, v0  }
.Ltmp29:
0x1ac: {  	[tilespmem:s15+$0x18080] =	vst v1;
	s15 =	smov.u32 s16;
	(pc) =	sbr.rel @p0 .LBB2_55-.Ltmp29, $4  }
0x1ad: {  	s16 =	smov.u32 s20;
	v1 =	vld.idx.msk [tilespmem:v2+s17+$0x0], $0xffff  }
0x1ae: {  	v2 =	vshll.u32 v3, $0x3  }
0x1af: {  	s19 =	sadd.s32 $0x80, s19;
	v3 =	vand.u32 $0x7F, v3;
	v2 =	vand.u32 $0xFFFFFC00, v2  }
0x1b0: {  	s21 =	sand.u32 $0x3C00, s19;
	s20 =	sand.u32 $0x70, s18;
	s18 =	sadd.s32 $0x10, s18;
	v2 =	vor.u32 v3, v2  }
0x1b1: {  	s19 =	sor.u32 s20, s21  }
0x1b2: {  	v2 =	vadd.s32 $0x8080, v2;
	v3 =	vld [tilespmem:s19+$0x14080];
	_ =	sdelay $0x1  }
0x1b3: {  	vm0 =	vgt.f32 v1, $5.000000000e-01  }
0x1b4: {  	v1 =	vsel vm0, $0x3F800000, v0  }
0x1b5: {  	s17 =	simm.s32 $0x0;
	[tilespmem:s15+$0x18080] =	vst v1  }
0x1b6: {  	v1 =	vld.idx.msk [tilespmem:v2+s17+$0x0], $0xffff;
	v2 =	vshll.u32 v3, $0x3  }
0x1b7: {  	v3 =	vand.u32 $0x7F, v3;
	v2 =	vand.u32 $0xFFFFFC00, v2  }
0x1b8: {  	v2 =	vor.u32 v3, v2  }
0x1b9: {  	v2 =	vadd.s32 $0x8080, v2;
	_ =	sdelay $0x1  }
0x1ba: {  	vm14 =	vgt.f32 v1, $5.000000000e-01  }
0x1bb: {  	v1 =	vsel vm14, $0x3F800000, v0  }
0x1bc: {  	[tilespmem:s16+$0x18080] =	vst v1  }
0x1bd: {  	v1 =	vld.idx.msk [tilespmem:v2+s17+$0x0], $0xffff;
	_ =	sdelay $0x1  }
0x1be: {  	p1 =	por $0x1, $0x1  }
.Ltmp30:
0x1bf: {  	_ = 	snop;
	(pc) =	sbr.rel @!p1 .LBB2_63-.Ltmp30, $4  }
0x1c0: {  	_ = 	snop  }
0x1c1: {  	s18 =	simm.s32 $0x10;
	p2 =	por $0x0, $0x0;
	vm15 =	vgt.f32 v1, $5.000000000e-01  }
0x1c2: {  	p0 =	por $0x0, $0x0;
	s15 =	sand.u32 $0x70, s17;
	s16 =	sand.u32 $0x3C00, s17;
	v1 =	vsel vm15, $0x3F800000, v0  }
0x1c3: {  	p3 =	por $0x0, $0x0;
	s21 =	smov.u32 s15;
	s22 =	smov.u32 s16;
	[tilespmem:s19+$0x18080] =	vst v1  }
0x1c4: {  	s19 =	sor.u32 s15, s16  }
0x1c5: {  	v1 =	vld [tilespmem:s19+$0x14100];
	_ =	sdelay $0x1  }
0x1c6: {  	p3 =	por $0x1, $0x1  }
.Ltmp31:
0x1c7: {  	_ = 	snop;
	(pc) =	sbr.rel @!p3 .LBB2_58-.Ltmp31, $4  }
0x1c8: {  	_ = 	snop  }
0x1c9: {  	v2 =	vshll.u32 v1, $0x3  }
0x1ca: {  	s20 =	simm.s32 $0x80;
	s21 =	sand.u32 $0x70, s18;
	v1 =	vand.u32 $0x7F, v1;
	v2 =	vand.u32 $0xFFFFFC00, v2  }
0x1cb: {  	s24 =	simm.s32 $0x20;
	p2 =	por $0x1, $0x1;
	s22 =	sand.u32 $0x3C00, s20;
	v2 =	vor.u32 v1, v2  }
0x1cc: {  	s20 =	sor.u32 s21, s22  }
0x1cd: {  	v2 =	vadd.s32 $0x8100, v2;
	v1 =	vld [tilespmem:s20+$0x14100];
	_ =	sdelay $0x1  }
0x1ce: {  	p4 =	por $0x1, $0x1  }
.Ltmp32:
0x1cf: {  	_ = 	snop;
	(pc) =	sbr.rel @!p4 .LBB2_60-.Ltmp32, $4  }
0x1d0: {  	_ = 	snop  }
0x1d1: {  	v3 =	vshll.u32 v1, $0x3;
	v4 =	vand.u32 $0x7F, v1;
	v1 =	vld.idx.msk [tilespmem:v2+s17+$0x0], $0xffff  }
0x1d2: {  	s23 =	simm.s32 $0x100;
	s21 =	sand.u32 $0x70, s24;
	v3 =	vand.u32 $0xFFFFFC00, v3  }
0x1d3: {  	s24 =	simm.s32 $0x30;
	p3 =	por $0x1, $0x1;
	s22 =	sand.u32 $0x3C00, s23;
	v2 =	vor.u32 v4, v3  }
.LBB2_61:
0x1d4: {  	p4 =	sne.s32 s24, $0x7F0;
	s21 =	sor.u32 s21, s22;
	v2 =	vadd.s32 $0x8100, v2  }
0x1d5: {  	v3 =	vld [tilespmem:s21+$0x14100]  }
0x1d6: {  	vm0 =	vgt.f32 v1, $5.000000000e-01  }
0x1d7: {  	v1 =	vsel vm0, $0x3F800000, v0  }
.Ltmp33:
0x1d8: {  	[tilespmem:s19+$0x18100] =	vst v1;
	s19 =	smov.u32 s20;
	s20 =	smov.u32 s21;
	(pc) =	sbr.rel @p4 .LBB2_61-.Ltmp33, $4  }
0x1d9: {  	v1 =	vld.idx.msk [tilespmem:v2+s17+$0x0], $0xffff  }
0x1da: {  	v2 =	vshll.u32 v3, $0x3  }
0x1db: {  	s23 =	sadd.s32 $0x80, s23;
	v3 =	vand.u32 $0x7F, v3;
	v2 =	vand.u32 $0xFFFFFC00, v2  }
0x1dc: {  	s22 =	sand.u32 $0x3C00, s23;
	s21 =	sand.u32 $0x70, s24;
	s24 =	sadd.s32 $0x10, s24;
	v2 =	vor.u32 v3, v2  }
0x1dd: {  	s23 =	smov.u32 s19;
	s19 =	smov.u32 s20  }
.LBB2_63:
0x1de: {  	s20 =	sor.u32 s21, s22;
	v2 =	vadd.s32 @p2 $0x8100, v2  }
0x1df: {  	v3 =	vld [tilespmem:s20+$0x14100]  }
0x1e0: {  	vm0 =	vgt.f32 @p3 v1, $5.000000000e-01  }
0x1e1: {  	v1 =	vsel @p3 vm0, $0x3F800000, v0  }
0x1e2: {  	[tilespmem:s23+$0x18100] =	vst @p3 v1  }
0x1e3: {  	v1 =	vld.idx.msk @p2 [tilespmem:v2+s17+$0x0], $0xffff  }
0x1e4: {  	v2 =	vshll.u32 v3, $0x3  }
0x1e5: {  	v3 =	vand.u32 $0x7F, v3;
	v2 =	vand.u32 $0xFFFFFC00, v2  }
0x1e6: {  	v2 =	vor.u32 v3, v2  }
0x1e7: {  	v2 =	vadd.s32 $0x8100, v2  }
0x1e8: {  	v1 =	vpsel p2, v1, v0  }
0x1e9: {  	vm0 =	vgt.f32 @p2 v1, $5.000000000e-01  }
0x1ea: {  	s19 =	smov.u32 @p2 s19;
	v1 =	vsel @p2 vm0, $0x3F800000, v0  }
0x1eb: {  	[tilespmem:s19+$0x18100] =	vst @p2 v1  }
0x1ec: {  	v1 =	vld.idx.msk [tilespmem:v2+s17+$0x0], $0xffff;
	_ =	sdelay $0x2  }
.Ltmp34:
0x1ed: {  	_ = 	snop;
	(pc) =	sbr.rel @!p1 .LBB2_64-.Ltmp34, $4  }
0x1ee: {  	_ = 	snop  }
0x1ef: {  	vm15 =	vgt.f32 v1, $5.000000000e-01  }
0x1f0: {  	v1 =	vsel vm15, $0x3F800000, v0  }
0x1f1: {  	[tilespmem:s20+$0x18100] =	vst v1  }
0x1f2: {  	s17 =	sor.u32 s15, s16  }
0x1f3: {  	v1 =	vld [tilespmem:s17+$0x14180];
	_ =	sdelay $0x1  }
0x1f4: {  	p2 =	por $0x1, $0x1  }
.Ltmp35:
0x1f5: {  	_ = 	snop;
	(pc) =	sbr.rel @!p2 .LBB2_66-.Ltmp35, $4  }
0x1f6: {  	_ = 	snop  }
0x1f7: {  	v2 =	vshll.u32 v1, $0x3  }
0x1f8: {  	s31 =	simm.s32 $0x80;
	s15 =	sand.u32 $0x70, s18;
	v1 =	vand.u32 $0x7F, v1;
	v2 =	vand.u32 $0xFFFFFC00, v2  }
0x1f9: {  	s21 =	simm.s32 $0x20;
	p1 =	por $0x1, $0x1;
	s16 =	sand.u32 $0x3C00, s31;
	v2 =	vor.u32 v1, v2  }
0x1fa: {  	s18 =	sor.u32 s15, s16  }
0x1fb: {  	v2 =	vadd.s32 $0x8180, v2;
	v1 =	vld [tilespmem:s18+$0x14180];
	_ =	sdelay $0x1  }
0x1fc: {  	p2 =	por $0x1, $0x1  }
.Ltmp36:
0x1fd: {  	_ = 	snop;
	(pc) =	sbr.rel @!p2 .LBB2_68-.Ltmp36, $4  }
0x1fe: {  	s19 =	simm.s32 $0x0  }
0x1ff: {  	v3 =	vshll.u32 v1, $0x3;
	v4 =	vand.u32 $0x7F, v1;
	v1 =	vld.idx.msk [tilespmem:v2+s19+$0x0], $0xffff  }
0x200: {  	s20 =	simm.s32 $0x100;
	s15 =	sand.u32 $0x70, s21;
	v3 =	vand.u32 $0xFFFFFC00, v3  }
0x201: {  	s21 =	simm.s32 $0x30;
	p0 =	por $0x1, $0x1;
	s16 =	sand.u32 $0x3C00, s20;
	v2 =	vor.u32 v4, v3  }
.LBB2_69:
0x202: {  	p2 =	sne.s32 s21, $0x7F0;
	s15 =	sor.u32 s15, s16;
	v2 =	vadd.s32 $0x8180, v2  }
0x203: {  	v3 =	vld [tilespmem:s15+$0x14180]  }
0x204: {  	vm0 =	vgt.f32 v1, $5.000000000e-01  }
0x205: {  	v1 =	vsel vm0, $0x3F800000, v0  }
.Ltmp37:
0x206: {  	[tilespmem:s17+$0x18180] =	vst v1;
	s17 =	smov.u32 s18;
	(pc) =	sbr.rel @p2 .LBB2_69-.Ltmp37, $4  }
0x207: {  	s18 =	smov.u32 s15;
	v1 =	vld.idx.msk [tilespmem:v2+s19+$0x0], $0xffff  }
0x208: {  	v2 =	vshll.u32 v3, $0x3  }
0x209: {  	s20 =	sadd.s32 $0x80, s20;
	v3 =	vand.u32 $0x7F, v3;
	v2 =	vand.u32 $0xFFFFFC00, v2  }
0x20a: {  	s16 =	sand.u32 $0x3C00, s20;
	s15 =	sand.u32 $0x70, s21;
	s21 =	sadd.s32 $0x10, s21;
	v2 =	vor.u32 v3, v2  }
0x20b: {  	s19 =	smov.u32 s17;
	s17 =	smov.u32 s18  }
.LBB2_71:
0x20c: {  	s20 =	sor.u32 s15, s16;
	v2 =	vadd.s32 @p1 $0x8180, v2  }
0x20d: {  	v3 =	vld [tilespmem:s20+$0x14180]  }
0x20e: {  	vm0 =	vgt.f32 @p0 v1, $5.000000000e-01  }
0x20f: {  	v1 =	vsel @p0 vm0, $0x3F800000, v0  }
0x210: {  	s15 =	simm.s32 @p1 $0x0;
	[tilespmem:s19+$0x18180] =	vst @p0 v1  }
0x211: {  	v1 =	vld.idx.msk @p1 [tilespmem:v2+s15+$0x0], $0xffff  }
0x212: {  	v2 =	vshll.u32 v3, $0x3  }
0x213: {  	v3 =	vand.u32 $0x7F, v3;
	v2 =	vand.u32 $0xFFFFFC00, v2  }
0x214: {  	v2 =	vor.u32 v3, v2  }
0x215: {  	v2 =	vadd.s32 $0x8180, v2  }
0x216: {  	v1 =	vpsel p1, v1, v0  }
0x217: {  	s15 =	smov.u32 @p1 s17;
	vm0 =	vgt.f32 @p1 v1, $5.000000000e-01  }
0x218: {  	s15 =	smov.u32 @p1 s15;
	v1 =	vsel @p1 vm0, $0x3F800000, v0  }
0x219: {  	s18 =	simm.s32 $0x0;
	[tilespmem:s15+$0x18180] =	vst @p1 v1  }
0x21a: {  	v1 =	vld.idx.msk [tilespmem:v2+s18+$0x0], $0xffff;
	_ =	sdelay $0x1  }
0x21b: {  	p1 =	por $0x1, $0x1  }
.Ltmp38:
0x21c: {  	_ = 	snop;
	(pc) =	sbr.rel @!p1 .LBB2_78-.Ltmp38, $4  }
0x21d: {  	_ = 	snop  }
0x21e: {  	p2 =	por $0x0, $0x0;
	p3 =	por $0x0, $0x0;
	vm15 =	vgt.f32 v1, $5.000000000e-01  }
0x21f: {  	s16 =	sand.u32 $0x3C00, s18;
	p0 =	por $0x0, $0x0;
	s15 =	sand.u32 $0x70, s18;
	v1 =	vsel vm15, $0x3F800000, v0  }
0x220: {  	s22 =	smov.u32 s16;
	s17 =	simm.s32 $0x10;
	s21 =	smov.u32 s15;
	[tilespmem:s20+$0x18180] =	vst v1  }
0x221: {  	s19 =	sor.u32 s15, s16  }
0x222: {  	v1 =	vld [tilespmem:s19+$0x14200];
	_ =	sdelay $0x1  }
0x223: {  	p3 =	por $0x1, $0x1  }
.Ltmp39:
0x224: {  	_ = 	snop;
	(pc) =	sbr.rel @!p3 .LBB2_73-.Ltmp39, $4  }
0x225: {  	_ = 	snop  }
0x226: {  	v2 =	vshll.u32 v1, $0x3  }
0x227: {  	s20 =	simm.s32 $0x80;
	s21 =	sand.u32 $0x70, s17;
	v1 =	vand.u32 $0x7F, v1;
	v2 =	vand.u32 $0xFFFFFC00, v2  }
0x228: {  	s24 =	simm.s32 $0x20;
	p2 =	por $0x1, $0x1;
	s22 =	sand.u32 $0x3C00, s20;
	v2 =	vor.u32 v1, v2  }
0x229: {  	s20 =	sor.u32 s21, s22  }
0x22a: {  	v2 =	vadd.s32 $0x8200, v2;
	v1 =	vld [tilespmem:s20+$0x14200];
	_ =	sdelay $0x1  }
0x22b: {  	p4 =	por $0x1, $0x1  }
.Ltmp40:
0x22c: {  	_ = 	snop;
	(pc) =	sbr.rel @!p4 .LBB2_75-.Ltmp40, $4  }
0x22d: {  	_ = 	snop  }
0x22e: {  	v3 =	vshll.u32 v1, $0x3;
	v4 =	vand.u32 $0x7F, v1;
	v1 =	vld.idx.msk [tilespmem:v2+s18+$0x0], $0xffff  }
0x22f: {  	s23 =	simm.s32 $0x100;
	s21 =	sand.u32 $0x70, s24;
	v3 =	vand.u32 $0xFFFFFC00, v3  }
0x230: {  	s24 =	simm.s32 $0x30;
	p3 =	por $0x1, $0x1;
	s22 =	sand.u32 $0x3C00, s23;
	v2 =	vor.u32 v4, v3  }
.LBB2_76:
0x231: {  	p4 =	sne.s32 s24, $0x7F0;
	s21 =	sor.u32 s21, s22;
	v2 =	vadd.s32 $0x8200, v2  }
0x232: {  	v3 =	vld [tilespmem:s21+$0x14200]  }
0x233: {  	vm0 =	vgt.f32 v1, $5.000000000e-01  }
0x234: {  	v1 =	vsel vm0, $0x3F800000, v0  }
.Ltmp41:
0x235: {  	[tilespmem:s19+$0x18200] =	vst v1;
	s19 =	smov.u32 s20;
	s20 =	smov.u32 s21;
	(pc) =	sbr.rel @p4 .LBB2_76-.Ltmp41, $4  }
0x236: {  	v1 =	vld.idx.msk [tilespmem:v2+s18+$0x0], $0xffff  }
0x237: {  	v2 =	vshll.u32 v3, $0x3  }
0x238: {  	s23 =	sadd.s32 $0x80, s23;
	v3 =	vand.u32 $0x7F, v3;
	v2 =	vand.u32 $0xFFFFFC00, v2  }
0x239: {  	s22 =	sand.u32 $0x3C00, s23;
	s21 =	sand.u32 $0x70, s24;
	s24 =	sadd.s32 $0x10, s24;
	v2 =	vor.u32 v3, v2  }
0x23a: {  	s23 =	smov.u32 s19;
	s19 =	smov.u32 s20  }
.LBB2_78:
0x23b: {  	s20 =	sor.u32 s21, s22;
	v2 =	vadd.s32 @p2 $0x8200, v2  }
0x23c: {  	v3 =	vld [tilespmem:s20+$0x14200]  }
0x23d: {  	vm0 =	vgt.f32 @p3 v1, $5.000000000e-01  }
0x23e: {  	v1 =	vsel @p3 vm0, $0x3F800000, v0  }
0x23f: {  	[tilespmem:s23+$0x18200] =	vst @p3 v1  }
0x240: {  	v1 =	vld.idx.msk @p2 [tilespmem:v2+s18+$0x0], $0xffff  }
0x241: {  	v2 =	vshll.u32 v3, $0x3  }
0x242: {  	v3 =	vand.u32 $0x7F, v3;
	v2 =	vand.u32 $0xFFFFFC00, v2  }
0x243: {  	v2 =	vor.u32 v3, v2  }
0x244: {  	v2 =	vadd.s32 $0x8200, v2  }
0x245: {  	v1 =	vpsel p2, v1, v0  }
0x246: {  	vm0 =	vgt.f32 @p2 v1, $5.000000000e-01  }
0x247: {  	s19 =	smov.u32 @p2 s19;
	v1 =	vsel @p2 vm0, $0x3F800000, v0  }
0x248: {  	[tilespmem:s19+$0x18200] =	vst @p2 v1  }
0x249: {  	v1 =	vld.idx.msk [tilespmem:v2+s18+$0x0], $0xffff;
	_ =	sdelay $0x2  }
.Ltmp42:
0x24a: {  	_ = 	snop;
	(pc) =	sbr.rel @!p1 .LBB2_79-.Ltmp42, $4  }
0x24b: {  	_ = 	snop  }
0x24c: {  	vm15 =	vgt.f32 v1, $5.000000000e-01  }
0x24d: {  	v1 =	vsel vm15, $0x3F800000, v0  }
0x24e: {  	[tilespmem:s20+$0x18200] =	vst v1  }
0x24f: {  	s18 =	sor.u32 s15, s16  }
0x250: {  	v1 =	vld [tilespmem:s18+$0x14280];
	_ =	sdelay $0x1  }
0x251: {  	p2 =	por $0x1, $0x1  }
.Ltmp43:
0x252: {  	_ = 	snop;
	(pc) =	sbr.rel @!p2 .LBB2_81-.Ltmp43, $4  }
0x253: {  	_ = 	snop  }
0x254: {  	v2 =	vshll.u32 v1, $0x3  }
0x255: {  	s31 =	simm.s32 $0x80;
	s15 =	sand.u32 $0x70, s17;
	v1 =	vand.u32 $0x7F, v1;
	v2 =	vand.u32 $0xFFFFFC00, v2  }
0x256: {  	s21 =	simm.s32 $0x20;
	p1 =	por $0x1, $0x1;
	s16 =	sand.u32 $0x3C00, s31;
	v2 =	vor.u32 v1, v2  }
0x257: {  	s17 =	sor.u32 s15, s16  }
0x258: {  	v2 =	vadd.s32 $0x8280, v2;
	v1 =	vld [tilespmem:s17+$0x14280];
	_ =	sdelay $0x1  }
0x259: {  	p2 =	por $0x1, $0x1  }
.Ltmp44:
0x25a: {  	_ = 	snop;
	(pc) =	sbr.rel @!p2 .LBB2_83-.Ltmp44, $4  }
0x25b: {  	s19 =	simm.s32 $0x0  }
0x25c: {  	v3 =	vshll.u32 v1, $0x3;
	v4 =	vand.u32 $0x7F, v1;
	v1 =	vld.idx.msk [tilespmem:v2+s19+$0x0], $0xffff  }
0x25d: {  	s20 =	simm.s32 $0x100;
	s15 =	sand.u32 $0x70, s21;
	v3 =	vand.u32 $0xFFFFFC00, v3  }
0x25e: {  	s21 =	simm.s32 $0x30;
	p0 =	por $0x1, $0x1;
	s16 =	sand.u32 $0x3C00, s20;
	v2 =	vor.u32 v4, v3  }
.LBB2_84:
0x25f: {  	p2 =	sne.s32 s21, $0x7F0;
	s15 =	sor.u32 s15, s16;
	v2 =	vadd.s32 $0x8280, v2  }
0x260: {  	v3 =	vld [tilespmem:s15+$0x14280]  }
0x261: {  	vm0 =	vgt.f32 v1, $5.000000000e-01  }
0x262: {  	v1 =	vsel vm0, $0x3F800000, v0  }
.Ltmp45:
0x263: {  	[tilespmem:s18+$0x18280] =	vst v1;
	s18 =	smov.u32 s17;
	(pc) =	sbr.rel @p2 .LBB2_84-.Ltmp45, $4  }
0x264: {  	s17 =	smov.u32 s15;
	v1 =	vld.idx.msk [tilespmem:v2+s19+$0x0], $0xffff  }
0x265: {  	v2 =	vshll.u32 v3, $0x3  }
0x266: {  	s20 =	sadd.s32 $0x80, s20;
	v3 =	vand.u32 $0x7F, v3;
	v2 =	vand.u32 $0xFFFFFC00, v2  }
0x267: {  	s16 =	sand.u32 $0x3C00, s20;
	s15 =	sand.u32 $0x70, s21;
	s21 =	sadd.s32 $0x10, s21;
	v2 =	vor.u32 v3, v2  }
0x268: {  	s19 =	smov.u32 s18;
	s18 =	smov.u32 s17  }
.LBB2_86:
0x269: {  	s20 =	sor.u32 s15, s16;
	v2 =	vadd.s32 @p1 $0x8280, v2  }
0x26a: {  	v3 =	vld [tilespmem:s20+$0x14280]  }
0x26b: {  	vm0 =	vgt.f32 @p0 v1, $5.000000000e-01  }
0x26c: {  	v1 =	vsel @p0 vm0, $0x3F800000, v0  }
0x26d: {  	s15 =	simm.s32 @p1 $0x0;
	[tilespmem:s19+$0x18280] =	vst @p0 v1  }
0x26e: {  	v1 =	vld.idx.msk @p1 [tilespmem:v2+s15+$0x0], $0xffff  }
0x26f: {  	v2 =	vshll.u32 v3, $0x3  }
0x270: {  	v3 =	vand.u32 $0x7F, v3;
	v2 =	vand.u32 $0xFFFFFC00, v2  }
0x271: {  	v2 =	vor.u32 v3, v2  }
0x272: {  	v2 =	vadd.s32 $0x8280, v2  }
0x273: {  	v1 =	vpsel p1, v1, v0  }
0x274: {  	s15 =	smov.u32 @p1 s18;
	vm0 =	vgt.f32 @p1 v1, $5.000000000e-01  }
0x275: {  	s16 =	smov.u32 @p1 s15;
	v1 =	vsel @p1 vm0, $0x3F800000, v0  }
0x276: {  	s15 =	simm.s32 $0x0;
	[tilespmem:s16+$0x18280] =	vst @p1 v1  }
0x277: {  	v1 =	vld.idx.msk [tilespmem:v2+s15+$0x0], $0xffff;
	_ =	sdelay $0x1  }
0x278: {  	p1 =	por $0x1, $0x1  }
.Ltmp46:
0x279: {  	_ = 	snop;
	(pc) =	sbr.rel @!p1 .LBB2_93-.Ltmp46, $4  }
0x27a: {  	_ = 	snop  }
0x27b: {  	p2 =	por $0x0, $0x0;
	p3 =	por $0x0, $0x0;
	vm15 =	vgt.f32 v1, $5.000000000e-01  }
0x27c: {  	p0 =	por $0x0, $0x0;
	s17 =	sand.u32 $0x3C00, s15;
	s16 =	sand.u32 $0x70, s15;
	v1 =	vsel vm15, $0x3F800000, v0  }
0x27d: {  	s18 =	simm.s32 $0x10;
	s22 =	smov.u32 s17;
	s21 =	smov.u32 s16;
	[tilespmem:s20+$0x18280] =	vst v1  }
0x27e: {  	s19 =	sor.u32 s16, s17  }
0x27f: {  	v1 =	vld [tilespmem:s19+$0x14300];
	_ =	sdelay $0x1  }
0x280: {  	p3 =	por $0x1, $0x1  }
.Ltmp47:
0x281: {  	_ = 	snop;
	(pc) =	sbr.rel @!p3 .LBB2_88-.Ltmp47, $4  }
0x282: {  	_ = 	snop  }
0x283: {  	v2 =	vshll.u32 v1, $0x3  }
0x284: {  	s20 =	simm.s32 $0x80;
	s21 =	sand.u32 $0x70, s18;
	v1 =	vand.u32 $0x7F, v1;
	v2 =	vand.u32 $0xFFFFFC00, v2  }
0x285: {  	s24 =	simm.s32 $0x20;
	p2 =	por $0x1, $0x1;
	s22 =	sand.u32 $0x3C00, s20;
	v2 =	vor.u32 v1, v2  }
0x286: {  	s20 =	sor.u32 s21, s22  }
0x287: {  	v2 =	vadd.s32 $0x8300, v2;
	v1 =	vld [tilespmem:s20+$0x14300];
	_ =	sdelay $0x1  }
0x288: {  	p4 =	por $0x1, $0x1  }
.Ltmp48:
0x289: {  	_ = 	snop;
	(pc) =	sbr.rel @!p4 .LBB2_90-.Ltmp48, $4  }
0x28a: {  	_ = 	snop  }
0x28b: {  	v3 =	vshll.u32 v1, $0x3;
	v4 =	vand.u32 $0x7F, v1;
	v1 =	vld.idx.msk [tilespmem:v2+s15+$0x0], $0xffff  }
0x28c: {  	s23 =	simm.s32 $0x100;
	s21 =	sand.u32 $0x70, s24;
	v3 =	vand.u32 $0xFFFFFC00, v3  }
0x28d: {  	s24 =	simm.s32 $0x30;
	p3 =	por $0x1, $0x1;
	s22 =	sand.u32 $0x3C00, s23;
	v2 =	vor.u32 v4, v3  }
.LBB2_91:
0x28e: {  	p4 =	sne.s32 s24, $0x7F0;
	s21 =	sor.u32 s21, s22;
	v2 =	vadd.s32 $0x8300, v2  }
0x28f: {  	v3 =	vld [tilespmem:s21+$0x14300]  }
0x290: {  	vm0 =	vgt.f32 v1, $5.000000000e-01  }
0x291: {  	v1 =	vsel vm0, $0x3F800000, v0  }
.Ltmp49:
0x292: {  	[tilespmem:s19+$0x18300] =	vst v1;
	s19 =	smov.u32 s20;
	s20 =	smov.u32 s21;
	(pc) =	sbr.rel @p4 .LBB2_91-.Ltmp49, $4  }
0x293: {  	v1 =	vld.idx.msk [tilespmem:v2+s15+$0x0], $0xffff  }
0x294: {  	v2 =	vshll.u32 v3, $0x3  }
0x295: {  	s23 =	sadd.s32 $0x80, s23;
	v3 =	vand.u32 $0x7F, v3;
	v2 =	vand.u32 $0xFFFFFC00, v2  }
0x296: {  	s22 =	sand.u32 $0x3C00, s23;
	s21 =	sand.u32 $0x70, s24;
	s24 =	sadd.s32 $0x10, s24;
	v2 =	vor.u32 v3, v2  }
0x297: {  	s23 =	smov.u32 s19;
	s19 =	smov.u32 s20  }
.LBB2_93:
0x298: {  	s20 =	sor.u32 s21, s22;
	v2 =	vadd.s32 @p2 $0x8300, v2  }
0x299: {  	v3 =	vld [tilespmem:s20+$0x14300]  }
0x29a: {  	vm0 =	vgt.f32 @p3 v1, $5.000000000e-01  }
0x29b: {  	v1 =	vsel @p3 vm0, $0x3F800000, v0  }
0x29c: {  	[tilespmem:s23+$0x18300] =	vst @p3 v1  }
0x29d: {  	v1 =	vld.idx.msk @p2 [tilespmem:v2+s15+$0x0], $0xffff  }
0x29e: {  	v2 =	vshll.u32 v3, $0x3  }
0x29f: {  	v3 =	vand.u32 $0x7F, v3;
	v2 =	vand.u32 $0xFFFFFC00, v2  }
0x2a0: {  	v2 =	vor.u32 v3, v2  }
0x2a1: {  	v2 =	vadd.s32 $0x8300, v2  }
0x2a2: {  	v1 =	vpsel p2, v1, v0  }
0x2a3: {  	vm0 =	vgt.f32 @p2 v1, $5.000000000e-01  }
0x2a4: {  	s19 =	smov.u32 @p2 s19;
	v1 =	vsel @p2 vm0, $0x3F800000, v0  }
0x2a5: {  	[tilespmem:s19+$0x18300] =	vst @p2 v1  }
0x2a6: {  	v1 =	vld.idx.msk [tilespmem:v2+s15+$0x0], $0xffff;
	_ =	sdelay $0x2  }
.Ltmp50:
0x2a7: {  	_ = 	snop;
	(pc) =	sbr.rel @!p1 .LBB2_94-.Ltmp50, $4  }
0x2a8: {  	_ = 	snop  }
0x2a9: {  	vm15 =	vgt.f32 v1, $5.000000000e-01  }
0x2aa: {  	v1 =	vsel vm15, $0x3F800000, v0  }
0x2ab: {  	[tilespmem:s20+$0x18300] =	vst v1  }
0x2ac: {  	s16 =	sor.u32 s16, s17  }
0x2ad: {  	v1 =	vld [tilespmem:s16+$0x14380];
	_ =	sdelay $0x4  }
0x2ae: {  	v2 =	vshll.u32 v1, $0x3  }
0x2af: {  	v1 =	vand.u32 $0x7F, v1;
	v2 =	vand.u32 $0xFFFFFC00, v2  }
0x2b0: {  	v1 =	vor.u32 v1, v2  }
0x2b1: {  	v1 =	vadd.s32 $0x8380, v1;
	_ =	sdelay $0x4  }
0x2b2: {  	v1 =	vld.idx.msk [tilespmem:v1+s2+$0x0], $0xffff  }
0x2b3: {  	p1 =	por $0x1, $0x1  }
.Ltmp51:
0x2b4: {  	_ = 	snop;
	(pc) =	sbr.rel @!p1 .LBB2_96-.Ltmp51, $4  }
0x2b5: {  	s30 =	sand.u32 $0x7, s15  }
0x2b6: {  	s20 =	simm.s32 $0x20;
	p0 =	por $0x1, $0x1;
	s31 =	sshll.u32 s30, $0x4  }
0x2b7: {  	s16 =	sand.u32 $0x70, s18;
	s18 =	simm.s32 $0x80;
	s19 =	sadd.s32 $0x0, s31;
	vm0 =	vgt.f32 v1, $5.000000000e-01  }
0x2b8: {  	s17 =	sand.u32 $0x3C00, s18;
	s21 =	sor.u32 $0x380, s19;
	s19 =	simm.s32 $0x0;
	v1 =	vsel vm0, $0x3F800000, v0  }
.LBB2_97:
0x2b9: {  	p1 =	sne.s32 s20, $0x7F0;
	s16 =	sor.u32 s16, s17;
	[tilespmem:s21+$0x18000] =	vst v1  }
0x2ba: {  	v1 =	vld [tilespmem:s16+$0x14380];
	_ =	sdelay $0x4  }
0x2bb: {  	v2 =	vshll.u32 v1, $0x3  }
0x2bc: {  	v1 =	vand.u32 $0x7F, v1;
	v2 =	vand.u32 $0xFFFFFC00, v2  }
0x2bd: {  	v1 =	vor.u32 v1, v2  }
0x2be: {  	v1 =	vadd.s32 $0x8380, v1;
	_ =	sdelay $0x4  }
0x2bf: {  	v1 =	vld.idx.msk [tilespmem:v1+s2+$0x0], $0xffff;
	_ =	sdelay $0x2  }
.Ltmp52:
0x2c0: {  	s19 =	sadd.s32 $0x1, s19;
	(pc) =	sbr.rel @p1 .LBB2_97-.Ltmp52, $4  }
0x2c1: {  	s16 =	sand.u32 $0x7, s19  }
0x2c2: {  	s17 =	sshll.u32 s16, $0x4  }
0x2c3: {  	s16 =	sand.u32 $0x70, s20;
	s21 =	sadd.s32 s17, s18;
	s18 =	sadd.s32 $0x80, s18;
	vm0 =	vgt.f32 v1, $5.000000000e-01  }
0x2c4: {  	s20 =	sadd.s32 $0x10, s20;
	s17 =	sand.u32 $0x3C00, s18;
	s21 =	sor.u32 $0x380, s21;
	v1 =	vsel vm0, $0x3F800000, v0  }
.LBB2_98:
0x2c5: {  	s16 =	sor.u32 s16, s17;
	[tilespmem:s21+$0x18000] =	vst @p0 v1  }
0x2c6: {  	v1 =	vld [tilespmem:s16+$0x14380];
	_ =	sdelay $0x4  }
0x2c7: {  	v2 =	vshll.u32 v1, $0x3  }
0x2c8: {  	v1 =	vand.u32 $0x7F, v1;
	v2 =	vand.u32 $0xFFFFFC00, v2  }
0x2c9: {  	v1 =	vor.u32 v1, v2  }
0x2ca: {  	v1 =	vadd.s32 $0x8380, v1;
	_ =	sdelay $0x4  }
0x2cb: {  	v1 =	vld.idx.msk [tilespmem:v1+s2+$0x0], $0xffff  }
0x2cc: {  	s16 =	sadd.s32 @p0 $0x1, s19  }
0x2cd: {  	s15 =	smov.u32 @p0 s16  }
0x2ce: {  	s15 =	sand.u32 $0x7, s15  }
0x2cf: {  	s15 =	sshll.u32 s15, $0x4  }
0x2d0: {  	s15 =	sadd.s32 s15, s18;
	vm0 =	vgt.f32 v1, $5.000000000e-01  }
0x2d1: {  	s13 =	sadd.s32 $0x1, s13;
	s15 =	sor.u32 $0x380, s15;
	v1 =	vsel vm0, $0x3F800000, v0  }
0x2d2: {  	s14 =	sadd.s32 s14, s7;
	p0 =	sne.s32 s13, $0x4;
	[tilespmem:s15+$0x18000] =	vst v1  }
0x2d3: {  	[hbm4b:s14+s2] =	stream.linear.scatter [tilespmem:s11], [sflag:$0x1], $0x4000, $0x38;
	[tilespmem:$0x1C000] =	vst v63  }
.Ltmp53:
0x2d4: {  	_ = 	snop;
	(pc) =	sbr.rel @p0 .LBB2_2-.Ltmp53, $4  }
.Ltmp54:
0x2d5: {  	_ = 	snop;
	(pc) =	sbr.rel @!p0 .LBB2_99-.Ltmp54, $4  }
0x2d6: {  	_ =	swait.ge [sflag:s9], $0x4000  }
0x2d7: {  	[sflag:s9] =	ssyncset.done $0x0  }
0x2d8: {  	[sflag:s9] =	ssyncadd.s32 $0xFFFFC000  }
0x2d9: {  	_ = 	snop  }
.LBB2_14:
.Ltmp55:
0x2da: {  	(pc) =	sbr.rel .LBB2_21-.Ltmp55, $2  }
0x2db: {  	_ =	sdelay $0x2  }
0x2dc: {  	p1 =	por $0x0, $0x0  }
.LBB2_29:
.Ltmp56:
0x2dd: {  	(pc) =	sbr.rel .LBB2_36-.Ltmp56, $2  }
0x2de: {  	_ =	sdelay $0x2  }
0x2df: {  	p1 =	por $0x0, $0x0  }
.LBB2_37:
.Ltmp57:
0x2e0: {  	(pc) =	sbr.rel .LBB2_44-.Ltmp57, $2  }
0x2e1: {  	_ =	sdelay $0x2  }
0x2e2: {  	p3 =	por $0x0, $0x0  }
.LBB2_45:
.Ltmp58:
0x2e3: {  	(pc) =	sbr.rel .LBB2_52-.Ltmp58, $2  }
0x2e4: {  	_ =	sdelay $0x2  }
0x2e5: {  	s17 =	simm.s32 $0x0;
	p1 =	por $0x0, $0x0  }
.LBB2_64:
.Ltmp59:
0x2e6: {  	(pc) =	sbr.rel .LBB2_71-.Ltmp59, $2  }
0x2e7: {  	_ =	sdelay $0x2  }
0x2e8: {  	p1 =	por $0x0, $0x0  }
.LBB2_79:
.Ltmp60:
0x2e9: {  	(pc) =	sbr.rel .LBB2_86-.Ltmp60, $2  }
0x2ea: {  	_ =	sdelay $0x2  }
0x2eb: {  	p1 =	por $0x0, $0x0  }
.LBB2_94:
.Ltmp61:
0x2ec: {  	(pc) =	sbr.rel .LBB2_98-.Ltmp61, $2  }
0x2ed: {  	_ =	sdelay $0x2  }
0x2ee: {  	s19 =	simm.s32 $0x0;
	s18 =	simm.s32 $0x0  }
.LBB2_8:
.Ltmp62:
0x2ef: {  	(pc) =	sbr.rel .LBB2_13-.Ltmp62, $2  }
0x2f0: {  	_ =	sdelay $0x2  }
0x2f1: {  	p3 =	por $0x0, $0x0  }
.LBB2_16:
.Ltmp63:
0x2f2: {  	(pc) =	sbr.rel .LBB2_21-.Ltmp63, $2  }
0x2f3: {  	_ =	sdelay $0x2  }
0x2f4: {  	_ = 	snop  }
.LBB2_23:
.Ltmp64:
0x2f5: {  	(pc) =	sbr.rel .LBB2_28-.Ltmp64, $2  }
0x2f6: {  	_ =	sdelay $0x2  }
0x2f7: {  	p3 =	por $0x0, $0x0  }
.LBB2_31:
.Ltmp65:
0x2f8: {  	(pc) =	sbr.rel .LBB2_36-.Ltmp65, $2  }
0x2f9: {  	_ =	sdelay $0x2  }
0x2fa: {  	_ = 	snop  }
.LBB2_39:
.Ltmp66:
0x2fb: {  	(pc) =	sbr.rel .LBB2_44-.Ltmp66, $2  }
0x2fc: {  	_ =	sdelay $0x2  }
0x2fd: {  	p3 =	por $0x0, $0x0  }
.LBB2_47:
.Ltmp67:
0x2fe: {  	(pc) =	sbr.rel .LBB2_52-.Ltmp67, $2  }
0x2ff: {  	_ =	sdelay $0x2  }
0x300: {  	s17 =	simm.s32 $0x0  }
.LBB2_58:
.Ltmp68:
0x301: {  	(pc) =	sbr.rel .LBB2_63-.Ltmp68, $2  }
0x302: {  	_ =	sdelay $0x2  }
0x303: {  	p3 =	por $0x0, $0x0  }
.LBB2_66:
.Ltmp69:
0x304: {  	(pc) =	sbr.rel .LBB2_71-.Ltmp69, $2  }
0x305: {  	_ =	sdelay $0x2  }
0x306: {  	_ = 	snop  }
.LBB2_73:
.Ltmp70:
0x307: {  	(pc) =	sbr.rel .LBB2_78-.Ltmp70, $2  }
0x308: {  	_ =	sdelay $0x2  }
0x309: {  	p3 =	por $0x0, $0x0  }
.LBB2_81:
.Ltmp71:
0x30a: {  	(pc) =	sbr.rel .LBB2_86-.Ltmp71, $2  }
0x30b: {  	_ =	sdelay $0x2  }
0x30c: {  	_ = 	snop  }
.LBB2_88:
.Ltmp72:
0x30d: {  	(pc) =	sbr.rel .LBB2_93-.Ltmp72, $2  }
0x30e: {  	_ =	sdelay $0x2  }
0x30f: {  	p3 =	por $0x0, $0x0  }
.LBB2_96:
.Ltmp73:
0x310: {  	(pc) =	sbr.rel .LBB2_98-.Ltmp73, $2  }
0x311: {  	_ =	sdelay $0x2  }
0x312: {  	s19 =	simm.s32 $0x0  }
.LBB2_10:
.Ltmp74:
0x313: {  	(pc) =	sbr.rel .LBB2_13-.Ltmp74, $2  }
0x314: {  	_ =	sdelay $0x2  }
0x315: {  	s23 =	smov.u32 s19;
	s19 =	smov.u32 s20  }
.LBB2_18:
.Ltmp75:
0x316: {  	(pc) =	sbr.rel .LBB2_21-.Ltmp75, $2  }
0x317: {  	_ =	sdelay $0x2  }
0x318: {  	s19 =	smov.u32 s17;
	s17 =	smov.u32 s18  }
.LBB2_25:
.Ltmp76:
0x319: {  	(pc) =	sbr.rel .LBB2_28-.Ltmp76, $2  }
0x31a: {  	_ =	sdelay $0x2  }
0x31b: {  	s23 =	smov.u32 s19;
	s19 =	smov.u32 s20  }
.LBB2_33:
.Ltmp77:
0x31c: {  	(pc) =	sbr.rel .LBB2_36-.Ltmp77, $2  }
0x31d: {  	_ =	sdelay $0x2  }
0x31e: {  	s19 =	smov.u32 s18;
	s18 =	smov.u32 s17  }
.LBB2_41:
.Ltmp78:
0x31f: {  	(pc) =	sbr.rel .LBB2_44-.Ltmp78, $2  }
0x320: {  	_ =	sdelay $0x2  }
0x321: {  	s20 =	smov.u32 s16;
	s16 =	smov.u32 s18  }
.LBB2_49:
.Ltmp79:
0x322: {  	(pc) =	sbr.rel .LBB2_52-.Ltmp79, $2  }
0x323: {  	_ =	sdelay $0x2  }
0x324: {  	s20 =	smov.u32 s16;
	s16 =	smov.u32 s18  }
.LBB2_60:
.Ltmp80:
0x325: {  	(pc) =	sbr.rel .LBB2_63-.Ltmp80, $2  }
0x326: {  	_ =	sdelay $0x2  }
0x327: {  	s23 =	smov.u32 s19;
	s19 =	smov.u32 s20  }
.LBB2_68:
.Ltmp81:
0x328: {  	(pc) =	sbr.rel .LBB2_71-.Ltmp81, $2  }
0x329: {  	_ =	sdelay $0x2  }
0x32a: {  	s19 =	smov.u32 s17;
	s17 =	smov.u32 s18  }
.LBB2_75:
.Ltmp82:
0x32b: {  	(pc) =	sbr.rel .LBB2_78-.Ltmp82, $2  }
0x32c: {  	_ =	sdelay $0x2  }
0x32d: {  	s23 =	smov.u32 s19;
	s19 =	smov.u32 s20  }
.LBB2_83:
.Ltmp83:
0x32e: {  	(pc) =	sbr.rel .LBB2_86-.Ltmp83, $2  }
0x32f: {  	_ =	sdelay $0x2  }
0x330: {  	s19 =	smov.u32 s18;
	s18 =	smov.u32 s17  }
.LBB2_90:
.Ltmp84:
0x331: {  	(pc) =	sbr.rel .LBB2_93-.Ltmp84, $2  }
0x332: {  	_ =	sdelay $0x2  }
0x333: {  	s23 =	smov.u32 s19;
	s19 =	smov.u32 s20  }
.LBB2_100:
0x334: {  	_ =	sfence.sel $0x180000  }
0x335: {  	[bflag:$0x0] =	sbarrier.arrive $0xFFFF  }
0x336: {  	p0 =	sne.s32 s3, $0x0;
	_ =	strace $0x90000047  }
0x337: {  	s0 =	sadd.s32 @!p0 $0x100000, s0;
	[bflag:$0x2] =	sbarrier.arrive $0xFFFF  }
0x338: {  	[sflag:s0] =	ssyncadd.tile.s32 @!p0 $0x1;
	_ =	shalt  }
.Lfunc_end2:
_tile_overlayer_lowered:
.L_overlay_start_2:
0x339: {  	(tag) =	ssettag $0x2  }
0x33a: {  	s0 =	rddreg [dreg:$0x0];
	s2 =	stileid.u32  }
0x33b: {  	s1 =	rddreg [dreg:$0x1];
	p0 =	sne.s32 s2, $0x0  }
0x33c: {  	s3 =	rddreg [dreg:$0x2];
	[bflag:$0x3] =	sbarrier.arrive $0xFFFF;
	s2 =	simm.s32 @!p0 $0x1C01  }
0x33d: {  	[timem:s3], [sflag:s2] =	dma.local @!p0 [hbm:s0], s1  }
0x33e: {  	s0 =	simm.s32 @!p0 $0x1  }
0x33f: {  	_ =	swait.ge @!p0 [sflag:s0], s1  }
0x340: {  	s1 =	ssub.s32 @!p0 $0x0, s1;
	[sflag:s0] =	ssyncset.done @!p0 $0x0  }
0x341: {  	[sflag:s0] =	ssyncadd.s32 @!p0 s1  }
0x342: {  	[bflag:$0x3] =	sbarrier.arrive $0xFFFF  }
0x343: {  	_ =	shalt  }

</sc_bundles>
